<compile_context>
chip_gen: v7x
topology: tpu7x:2x2x1
jax: 0.10.2.dev20260603
libtpu: 0.0.44.dev20260713+nightly
codegen_flags: <defaults>
</compile_context>

<pallas_src>
import functools

import jax
import jax.numpy as jnp
from jax import lax
from jax.experimental import pallas as pl
from jax.experimental.pallas import tpu as pltpu
from jax.experimental.pallas import tpu_sc as plsc

B = 4096
C = 1000
BLOCK_R = 1024

NC, NS, L = 2, 16, 16
NW = NC * NS
RPW = B // NW
CH = 32
NCH = RPW // CH
NFULL = 62

_mesh = plsc.VectorSubcoreMesh(core_axis_name="c", subcore_axis_name="s")


@functools.partial(
    pl.kernel,
    mesh=_mesh,
    out_type=jax.ShapeDtypeStruct((B, 128), jnp.int32),
    scratch_types=[
        pltpu.VMEM((2, CH, C), jnp.float32),
        pltpu.VMEM((CH, 128), jnp.int32),
        pltpu.SemaphoreType.DMA,
        pltpu.SemaphoreType.DMA,
    ],
)
def _sc_argmax(labels_hbm, lab_out, chunkbuf, labm, sem0, sem1):
    wid = lax.axis_index("s") * NC + lax.axis_index("c")
    base = wid * RPW
    lane = lax.iota(jnp.int32, 16)
    sems = [sem0, sem1]

    copies = [None, None]
    for ch in range(min(2, NCH)):
        copies[ch] = pltpu.async_copy(
            labels_hbm.at[pl.ds(base + ch * CH, CH)], chunkbuf.at[ch], sems[ch])

    for ch in range(NCH):
        buf = ch % 2
        copies[buf].wait()
        chunk = chunkbuf.at[buf]

        def row_body(r, _):
            best = jnp.full((16,), -jnp.inf, jnp.float32)
            besti = jnp.full((16,), 0, jnp.int32)

            def col_body(i, carry):
                b, bi = carry
                for u in range(4):
                    off = i * 64 + u * 16
                    v = chunk[r, pl.ds(off, 16)]
                    cv = lane + off
                    m = v > b
                    b = jnp.where(m, v, b)
                    bi = jnp.where(m, cv, bi)
                return b, bi

            best, besti = lax.fori_loop(0, NFULL // 4, col_body, (best, besti))
            for off in (960, 976, 984):
                v = chunk[r, pl.ds(off, 16)]
                cv = lane + off
                m = v > best
                best = jnp.where(m, v, best)
                besti = jnp.where(m, cv, besti)

            bm = best[0]
            labi = besti[0]
            for k in range(1, 16):
                bk = best[k]
                ik = besti[k]
                take = jnp.logical_or(bk > bm,
                                      jnp.logical_and(bk == bm, ik < labi))
                bm = jnp.where(take, bk, bm)
                labi = jnp.where(take, ik, labi)
            labv = jnp.full((16,), labi, jnp.int32)
            for k in range(8):
                labm[r, pl.ds(k * 16, 16)] = labv
            return 0

        lax.fori_loop(0, CH, row_body, 0)
        pltpu.sync_copy(labm, lab_out.at[pl.ds(base + ch * CH, CH)])
        if ch + 2 < NCH:
            copies[buf] = pltpu.async_copy(
                labels_hbm.at[pl.ds(base + (ch + 2) * CH, CH)],
                chunkbuf.at[buf], sems[buf])


def _tc_kernel(dist_ref, lab_ref, pk_ref, d_ref, out_ref):
    r = dist_ref.shape[0]
    dist = dist_ref[...]
    col = lax.broadcasted_iota(jnp.int32, (r, C), 1)
    lab = lab_ref[:, :1]
    pk = pk_ref[0, :][None, :]

    d_at_lab = jnp.sum(jnp.where(col == lab, dist, 0.0), axis=1, keepdims=True)
    intra = jnp.sum(jnp.where(pk == lab, dist, 0.0), axis=1, keepdims=True)
    inter_sum = (jnp.sum(jnp.exp(-dist), axis=1, keepdims=True)
                 - jnp.exp(-d_at_lab))

    eps = jnp.exp(d_ref[0, 0])
    loss = jnp.log1p(eps * jnp.exp(intra)) + jnp.log1p(inter_sum)
    partial = jnp.sum(loss).reshape(1, 1)

    step = pl.program_id(0)

    @pl.when(step == 0)
    def _():
        out_ref[...] = partial

    @pl.when(step > 0)
    def _():
        out_ref[...] += partial

    @pl.when(step == pl.num_programs(0) - 1)
    def _():
        out_ref[...] = out_ref[...] * (1.0 / B)


def kernel(distances, labels, proto_keys, d):
    lab_b = _sc_argmax(labels)
    d2d = jnp.asarray(d, jnp.float32).reshape(1, 1)
    pk2d = proto_keys.reshape(1, C)
    out = pl.pallas_call(
        _tc_kernel,
        grid=(B // BLOCK_R,),
        in_specs=[
            pl.BlockSpec((BLOCK_R, C), lambda i: (i, 0)),
            pl.BlockSpec((BLOCK_R, 128), lambda i: (i, 0)),
            pl.BlockSpec((1, C), lambda i: (0, 0)),
            pl.BlockSpec((1, 1), lambda i: (0, 0)),
        ],
        out_specs=pl.BlockSpec((1, 1), lambda i: (0, 0)),
        out_shape=jax.ShapeDtypeStruct((1, 1), jnp.float32),
    )(distances, lab_b, pk2d, d2d)
    return out[0, 0]

# --- scband reference (transcript-rebuilt; emitter-appended) ---
"""Pipeline reference for scband-dsoftmax-loss-78340203479396 (READ-ONLY COPY).

The authoritative reference and input builder live on the scoring server;
editing this copy changes nothing except your own understanding.
"""

import jax, jax.numpy as jnp
import numpy as np

MAXCLASS = 1000
D_INIT = 1.0


def setup_inputs(seed: int = 0) -> dict:
    key = jax.random.key(seed)
    k1, k2 = jax.random.split(key)
    distances = jax.random.normal(k1, (4096, 1000), dtype=jnp.float32)
    labels = jax.random.normal(k2, (4096, 1000), dtype=jnp.float32)
    # proto_net.memory.prototypes.keys() stand-in: the set of active class keys.
    proto_keys = jnp.arange(1000, dtype=jnp.int32)
    d = jnp.asarray(D_INIT, dtype=jnp.float32)
    return {"distances": distances, "labels": labels, "proto_keys": proto_keys, "d": d}


def reference(distances, labels, proto_keys, d):
    epsilon = jnp.exp(d)
    # labels = argmax(labels, dim=1, keepdim=True)
    lab = jnp.argmax(labels, axis=1)  # [B]
    # key2idx[proto_keys] = arange(len(proto_keys))  (scatter-overwrite)
    key2idx = jnp.zeros((MAXCLASS,), dtype=jnp.int32).at[proto_keys].set(
        jnp.arange(proto_keys.shape[0], dtype=jnp.int32))
    # intra_dist = distances.gather(1, key2idx[labels])
    intra_dist = jnp.take_along_axis(distances, key2idx[lab][:, None], axis=1)  # [B,1]
    # inter_dist = distances at all columns except the label column (masked select, B x (C-1)).
    # sum(exp(-inter_dist)) == sum(exp(-distances)) - exp(-distances[label column])
    exp_neg = jnp.exp(-distances)
    at_lab = jnp.take_along_axis(exp_neg, lab[:, None], axis=1)
    inter_sum = jnp.sum(exp_neg, axis=1, keepdims=True) - at_lab  # [B,1]
    intra_loss = jnp.log(1.0 + epsilon / jnp.exp(-intra_dist))
    inter_loss = jnp.log(1.0 + inter_sum)
    loss = intra_loss + inter_loss
    return loss.mean()

if __name__ == "__main__":
    import jax
    _d = setup_inputs()
    print(jax.jit(kernel)(*tuple(_d.values())))

</pallas_src>

<mosaic_0001>
#map = affine_map<(d0, d1) -> (0, 0)>
module attributes {stable_mosaic.version = 14 : i64} {
  func.func @_sc_argmax(%arg0: i32, %arg1: i32, %arg2: memref<4096x1000xf32, #tpu.memory_space<hbm>>, %arg3: memref<4096x128xi32, #tpu.memory_space<hbm>>, %arg4: memref<2x32x1000xf32, #tpu.memory_space<vmem>>, %arg5: memref<32x128xi32, #tpu.memory_space<vmem>>, %arg6: memref<!tpu.dma_semaphore, #tpu.memory_space<semaphore_mem>>, %arg7: memref<!tpu.dma_semaphore, #tpu.memory_space<semaphore_mem>>) attributes {dimension_semantics = [#tpu.dimension_semantics<core_parallel>, #tpu.dimension_semantics<subcore_parallel>], iteration_bounds = array<i64: 2, 16>, scalar_prefetch = 0 : i64, scratch_operands = 4 : i64, tpu.core_type = #tpu.core_type<sc_vector_subcore>, window_params = [{transform_indices = #map}, {transform_indices = #map}]} {
    %mul3A = arith.constant 2 : i32
    %mul3A_0 = arith.muli %arg1, %mul3A : i32
    %add3A = arith.addi %mul3A_0, %arg0 : i32
    %mul3A_1 = arith.constant 128 : i32
    %mul3A_2 = arith.muli %add3A, %mul3A_1 : i32
    %iota3A = tpu.iota {dimensions = array<i32: 0>} : vector<16xi32>
    %add3A_3 = arith.constant 0 : i32
    %add3A_4 = arith.addi %mul3A_2, %add3A_3 : i32
    %dma_start3A = arith.constant 0 : i32
    %dma_start3A_5 = arith.constant 0 : i32
    %dma_start3A_6 = arith.constant 0 : i32
    %dma_start3A_7 = tpu.memref_slice %arg4[%dma_start3A, %dma_start3A_5, %dma_start3A_6] : memref<2x32x1000xf32, #tpu.memory_space<vmem>> -> memref<1x32x1000xf32, #tpu.memory_space<vmem>>
    %dma_start3A_8 = tpu.memref_squeeze %dma_start3A_7 : memref<1x32x1000xf32, #tpu.memory_space<vmem>> -> memref<32x1000xf32, #tpu.memory_space<vmem>>
    %dma_start3A_9 = arith.constant 0 : i32
    %dma_start3A_10 = tpu.memref_slice %arg2[%add3A_4, %dma_start3A_9] : memref<4096x1000xf32, #tpu.memory_space<hbm>> -> memref<32x1000xf32, #tpu.memory_space<hbm>>
    %dma_start3A_11 = arith.constant 0 : i32
    %dma_start3A_12 = arith.constant 0 : i32
    %dma_start3A_13 = tpu.memref_slice %arg4[%dma_start3A, %dma_start3A_11, %dma_start3A_12] : memref<2x32x1000xf32, #tpu.memory_space<vmem>> -> memref<1x32x1000xf32, #tpu.memory_space<vmem>>
    %dma_start3A_14 = tpu.memref_squeeze %dma_start3A_13 : memref<1x32x1000xf32, #tpu.memory_space<vmem>> -> memref<32x1000xf32, #tpu.memory_space<vmem>>
    %dma_start3A_15 = arith.constant 0 : i32
    %dma_start3A_16 = tpu.memref_slice %arg2[%add3A_4, %dma_start3A_15] : memref<4096x1000xf32, #tpu.memory_space<hbm>> -> memref<32x1000xf32, #tpu.memory_space<hbm>>
    tpu.enqueue_dma source(%dma_start3A_16 : memref<32x1000xf32, #tpu.memory_space<hbm>>) target(%dma_start3A_14 : memref<32x1000xf32, #tpu.memory_space<vmem>>) target_semaphore(%arg6 : memref<!tpu.dma_semaphore, #tpu.memory_space<semaphore_mem>>)
    %add3A_17 = arith.constant 32 : i32
    %add3A_18 = arith.addi %mul3A_2, %add3A_17 : i32
    %dma_start3A_19 = arith.constant 1 : i32
    %dma_start3A_20 = arith.constant 0 : i32
    %dma_start3A_21 = arith.constant 0 : i32
    %dma_start3A_22 = tpu.memref_slice %arg4[%dma_start3A_19, %dma_start3A_20, %dma_start3A_21] : memref<2x32x1000xf32, #tpu.memory_space<vmem>> -> memref<1x32x1000xf32, #tpu.memory_space<vmem>>
    %dma_start3A_23 = tpu.memref_squeeze %dma_start3A_22 : memref<1x32x1000xf32, #tpu.memory_space<vmem>> -> memref<32x1000xf32, #tpu.memory_space<vmem>>
    %dma_start3A_24 = arith.constant 0 : i32
    %dma_start3A_25 = tpu.memref_slice %arg2[%add3A_18, %dma_start3A_24] : memref<4096x1000xf32, #tpu.memory_space<hbm>> -> memref<32x1000xf32, #tpu.memory_space<hbm>>
    %dma_start3A_26 = arith.constant 0 : i32
    %dma_start3A_27 = arith.constant 0 : i32
    %dma_start3A_28 = tpu.memref_slice %arg4[%dma_start3A_19, %dma_start3A_26, %dma_start3A_27] : memref<2x32x1000xf32, #tpu.memory_space<vmem>> -> memref<1x32x1000xf32, #tpu.memory_space<vmem>>
    %dma_start3A_29 = tpu.memref_squeeze %dma_start3A_28 : memref<1x32x1000xf32, #tpu.memory_space<vmem>> -> memref<32x1000xf32, #tpu.memory_space<vmem>>
    %dma_start3A_30 = arith.constant 0 : i32
    %dma_start3A_31 = tpu.memref_slice %arg2[%add3A_18, %dma_start3A_30] : memref<4096x1000xf32, #tpu.memory_space<hbm>> -> memref<32x1000xf32, #tpu.memory_space<hbm>>
    tpu.enqueue_dma source(%dma_start3A_31 : memref<32x1000xf32, #tpu.memory_space<hbm>>) target(%dma_start3A_29 : memref<32x1000xf32, #tpu.memory_space<vmem>>) target_semaphore(%arg7 : memref<!tpu.dma_semaphore, #tpu.memory_space<semaphore_mem>>)
    %dma_wait3A = arith.constant 0 : i32
    %dma_wait3A_32 = arith.constant 0 : i32
    %dma_wait3A_33 = arith.constant 0 : i32
    %dma_wait3A_34 = tpu.memref_slice %arg4[%dma_wait3A, %dma_wait3A_32, %dma_wait3A_33] : memref<2x32x1000xf32, #tpu.memory_space<vmem>> -> memref<1x32x1000xf32, #tpu.memory_space<vmem>>
    %dma_wait3A_35 = tpu.memref_squeeze %dma_wait3A_34 : memref<1x32x1000xf32, #tpu.memory_space<vmem>> -> memref<32x1000xf32, #tpu.memory_space<vmem>>
    %dma_wait3A_36 = arith.constant 0 : i32
    %dma_wait3A_37 = tpu.memref_slice %arg2[%add3A_4, %dma_wait3A_36] : memref<4096x1000xf32, #tpu.memory_space<hbm>> -> memref<32x1000xf32, #tpu.memory_space<hbm>>
    %dma_wait3A_38 = arith.constant 0 : i32
    %dma_wait3A_39 = arith.constant 0 : i32
    %dma_wait3A_40 = tpu.memref_slice %arg4[%dma_wait3A, %dma_wait3A_38, %dma_wait3A_39] : memref<2x32x1000xf32, #tpu.memory_space<vmem>> -> memref<1x32x1000xf32, #tpu.memory_space<vmem>>
    %dma_wait3A_41 = tpu.memref_squeeze %dma_wait3A_40 : memref<1x32x1000xf32, #tpu.memory_space<vmem>> -> memref<32x1000xf32, #tpu.memory_space<vmem>>
    %dma_wait3A_42 = arith.constant 0 : i32
    %dma_wait3A_43 = tpu.memref_slice %arg2[%add3A_4, %dma_wait3A_42] : memref<4096x1000xf32, #tpu.memory_space<hbm>> -> memref<32x1000xf32, #tpu.memory_space<hbm>>
    tpu.wait_dma2 semaphore(%arg6 : memref<!tpu.dma_semaphore, #tpu.memory_space<semaphore_mem>>) src(%dma_wait3A_43 : memref<32x1000xf32, #tpu.memory_space<hbm>>) dst(%dma_wait3A_41 : memref<32x1000xf32, #tpu.memory_space<vmem>>)
    %scan3A = arith.constant 0 : i32
    %scan3A_44 = arith.constant 0 : i32
    %scan3A_45 = arith.constant 0 : i32
    %scan3A_46 = arith.constant 32 : i32
    %scan3A_47 = arith.addi %scan3A_45, %scan3A_46 : i32
    %scan3A_48 = arith.constant 1 : i32
    %scan3A_49 = scf.for %scan3A_152 = %scan3A_45 to %scan3A_47 step %scan3A_48 iter_args(%scan3A_153 = %scan3A_44) -> (i32)  : i32 {
      %broadcast_in_dim3A = arith.constant 0xFF800000 : f32
      %broadcast_in_dim3A_154 = vector.broadcast %broadcast_in_dim3A : f32 to vector<16xf32>
      %broadcast_in_dim3A_155 = arith.constant 0 : i32
      %broadcast_in_dim3A_156 = vector.broadcast %broadcast_in_dim3A_155 : i32 to vector<16xi32>
      %scan3A_157 = arith.constant 0 : i32
      %scan3A_158 = arith.constant 15 : i32
      %scan3A_159 = arith.addi %scan3A_157, %scan3A_158 : i32
      %scan3A_160 = arith.constant 1 : i32
      %scan3A_161:2 = scf.for %scan3A_406 = %scan3A_157 to %scan3A_159 step %scan3A_160 iter_args(%scan3A_407 = %broadcast_in_dim3A_154, %scan3A_408 = %broadcast_in_dim3A_156) -> (vector<16xf32>, vector<16xi32>)  : i32 {
        %mul3A_409 = arith.constant 64 : i32
        %mul3A_410 = arith.muli %scan3A_406, %mul3A_409 : i32
        %add3A_411 = arith.constant 0 : i32
        %add3A_412 = arith.addi %mul3A_410, %add3A_411 : i32
        %get3A_413 = arith.constant 0 : i32
        %get3A_414 = arith.constant 0 : i32
        %get3A_415 = tpu.memref_slice %arg4[%scan3A, %get3A_413, %get3A_414] : memref<2x32x1000xf32, #tpu.memory_space<vmem>> -> memref<1x32x1000xf32, #tpu.memory_space<vmem>>
        %get3A_416 = tpu.memref_squeeze %get3A_415 : memref<1x32x1000xf32, #tpu.memory_space<vmem>> -> memref<32x1000xf32, #tpu.memory_space<vmem>>
        %get3A_417 = arith.index_cast %scan3A_152 : i32 to index
        %get3A_418 = arith.index_cast %add3A_412 : i32 to index
        %get3A_419 = tpu.vector_load %get3A_416[%get3A_417, %get3A_418] {strides = array<i32>} : memref<32x1000xf32, #tpu.memory_space<vmem>>, vector<1x16xf32>,
        %get3A_420 = vector.shape_cast %get3A_419 : vector<1x16xf32> to vector<16xf32>
        %add3A_421 = vector.broadcast %add3A_412 : i32 to vector<16xi32>
        %add3A_422 = arith.addi %iota3A, %add3A_421 : vector<16xi32>
        %gt3A_423 = arith.cmpf ogt, %get3A_420, %scan3A_407 : vector<16xf32>
        %select_n3A_424 = arith.select %gt3A_423, %get3A_420, %scan3A_407 : vector<16xi1>, vector<16xf32>
        %select_n3A_425 = arith.select %gt3A_423, %add3A_422, %scan3A_408 : vector<16xi1>, vector<16xi32>
        %mul3A_426 = arith.constant 64 : i32
        %mul3A_427 = arith.muli %scan3A_406, %mul3A_426 : i32
        %add3A_428 = arith.constant 16 : i32
        %add3A_429 = arith.addi %mul3A_427, %add3A_428 : i32
        %get3A_430 = arith.constant 0 : i32
        %get3A_431 = arith.constant 0 : i32
        %get3A_432 = tpu.memref_slice %arg4[%scan3A, %get3A_430, %get3A_431] : memref<2x32x1000xf32, #tpu.memory_space<vmem>> -> memref<1x32x1000xf32, #tpu.memory_space<vmem>>
        %get3A_433 = tpu.memref_squeeze %get3A_432 : memref<1x32x1000xf32, #tpu.memory_space<vmem>> -> memref<32x1000xf32, #tpu.memory_space<vmem>>
        %get3A_434 = arith.index_cast %scan3A_152 : i32 to index
        %get3A_435 = arith.index_cast %add3A_429 : i32 to index
        %get3A_436 = tpu.vector_load %get3A_433[%get3A_434, %get3A_435] {strides = array<i32>} : memref<32x1000xf32, #tpu.memory_space<vmem>>, vector<1x16xf32>,
        %get3A_437 = vector.shape_cast %get3A_436 : vector<1x16xf32> to vector<16xf32>
        %add3A_438 = vector.broadcast %add3A_429 : i32 to vector<16xi32>
        %add3A_439 = arith.addi %iota3A, %add3A_438 : vector<16xi32>
        %gt3A_440 = arith.cmpf ogt, %get3A_437, %select_n3A_424 : vector<16xf32>
        %select_n3A_441 = arith.select %gt3A_440, %get3A_437, %select_n3A_424 : vector<16xi1>, vector<16xf32>
        %select_n3A_442 = arith.select %gt3A_440, %add3A_439, %select_n3A_425 : vector<16xi1>, vector<16xi32>
        %mul3A_443 = arith.constant 64 : i32
        %mul3A_444 = arith.muli %scan3A_406, %mul3A_443 : i32
        %add3A_445 = arith.constant 32 : i32
        %add3A_446 = arith.addi %mul3A_444, %add3A_445 : i32
        %get3A_447 = arith.constant 0 : i32
        %get3A_448 = arith.constant 0 : i32
        %get3A_449 = tpu.memref_slice %arg4[%scan3A, %get3A_447, %get3A_448] : memref<2x32x1000xf32, #tpu.memory_space<vmem>> -> memref<1x32x1000xf32, #tpu.memory_space<vmem>>
        %get3A_450 = tpu.memref_squeeze %get3A_449 : memref<1x32x1000xf32, #tpu.memory_space<vmem>> -> memref<32x1000xf32, #tpu.memory_space<vmem>>
        %get3A_451 = arith.index_cast %scan3A_152 : i32 to index
        %get3A_452 = arith.index_cast %add3A_446 : i32 to index
        %get3A_453 = tpu.vector_load %get3A_450[%get3A_451, %get3A_452] {strides = array<i32>} : memref<32x1000xf32, #tpu.memory_space<vmem>>, vector<1x16xf32>,
        %get3A_454 = vector.shape_cast %get3A_453 : vector<1x16xf32> to vector<16xf32>
        %add3A_455 = vector.broadcast %add3A_446 : i32 to vector<16xi32>
        %add3A_456 = arith.addi %iota3A, %add3A_455 : vector<16xi32>
        %gt3A_457 = arith.cmpf ogt, %get3A_454, %select_n3A_441 : vector<16xf32>
        %select_n3A_458 = arith.select %gt3A_457, %get3A_454, %select_n3A_441 : vector<16xi1>, vector<16xf32>
        %select_n3A_459 = arith.select %gt3A_457, %add3A_456, %select_n3A_442 : vector<16xi1>, vector<16xi32>
        %mul3A_460 = arith.constant 64 : i32
        %mul3A_461 = arith.muli %scan3A_406, %mul3A_460 : i32
        %add3A_462 = arith.constant 48 : i32
        %add3A_463 = arith.addi %mul3A_461, %add3A_462 : i32
        %get3A_464 = arith.constant 0 : i32
        %get3A_465 = arith.constant 0 : i32
        %get3A_466 = tpu.memref_slice %arg4[%scan3A, %get3A_464, %get3A_465] : memref<2x32x1000xf32, #tpu.memory_space<vmem>> -> memref<1x32x1000xf32, #tpu.memory_space<vmem>>
        %get3A_467 = tpu.memref_squeeze %get3A_466 : memref<1x32x1000xf32, #tpu.memory_space<vmem>> -> memref<32x1000xf32, #tpu.memory_space<vmem>>
        %get3A_468 = arith.index_cast %scan3A_152 : i32 to index
        %get3A_469 = arith.index_cast %add3A_463 : i32 to index
        %get3A_470 = tpu.vector_load %get3A_467[%get3A_468, %get3A_469] {strides = array<i32>} : memref<32x1000xf32, #tpu.memory_space<vmem>>, vector<1x16xf32>,
        %get3A_471 = vector.shape_cast %get3A_470 : vector<1x16xf32> to vector<16xf32>
        %add3A_472 = vector.broadcast %add3A_463 : i32 to vector<16xi32>
        %add3A_473 = arith.addi %iota3A, %add3A_472 : vector<16xi32>
        %gt3A_474 = arith.cmpf ogt, %get3A_471, %select_n3A_458 : vector<16xf32>
        %select_n3A_475 = arith.select %gt3A_474, %get3A_471, %select_n3A_458 : vector<16xi1>, vector<16xf32>
        %select_n3A_476 = arith.select %gt3A_474, %add3A_473, %select_n3A_459 : vector<16xi1>, vector<16xi32>
        scf.yield %select_n3A_475, %select_n3A_476 : vector<16xf32>, vector<16xi32>
      }
      %scan3A_162 = arith.constant 15 : i32
      %get3A = arith.constant 0 : i32
      %get3A_163 = arith.constant 0 : i32
      %get3A_164 = tpu.memref_slice %arg4[%scan3A, %get3A, %get3A_163] : memref<2x32x1000xf32, #tpu.memory_space<vmem>> -> memref<1x32x1000xf32, #tpu.memory_space<vmem>>
      %get3A_165 = tpu.memref_squeeze %get3A_164 : memref<1x32x1000xf32, #tpu.memory_space<vmem>> -> memref<32x1000xf32, #tpu.memory_space<vmem>>
      %get3A_166 = arith.index_cast %scan3A_152 : i32 to index
      %get3A_167 = arith.constant 960 : index
      %get3A_168 = tpu.vector_load %get3A_165[%get3A_166, %get3A_167] {strides = array<i32>} : memref<32x1000xf32, #tpu.memory_space<vmem>>, vector<1x16xf32>,
      %get3A_169 = vector.shape_cast %get3A_168 : vector<1x16xf32> to vector<16xf32>
      %add3A_170 = arith.constant 960 : i32
      %add3A_171 = vector.broadcast %add3A_170 : i32 to vector<16xi32>
      %add3A_172 = arith.addi %iota3A, %add3A_171 : vector<16xi32>
      %gt3A = arith.cmpf ogt, %get3A_169, %scan3A_161#0 : vector<16xf32>
      %select_n3A = arith.select %gt3A, %get3A_169, %scan3A_161#0 : vector<16xi1>, vector<16xf32>
      %select_n3A_173 = arith.select %gt3A, %add3A_172, %scan3A_161#1 : vector<16xi1>, vector<16xi32>
      %get3A_174 = arith.constant 0 : i32
      %get3A_175 = arith.constant 0 : i32
      %get3A_176 = tpu.memref_slice %arg4[%scan3A, %get3A_174, %get3A_175] : memref<2x32x1000xf32, #tpu.memory_space<vmem>> -> memref<1x32x1000xf32, #tpu.memory_space<vmem>>
      %get3A_177 = tpu.memref_squeeze %get3A_176 : memref<1x32x1000xf32, #tpu.memory_space<vmem>> -> memref<32x1000xf32, #tpu.memory_space<vmem>>
      %get3A_178 = arith.index_cast %scan3A_152 : i32 to index
      %get3A_179 = arith.constant 976 : index
      %get3A_180 = tpu.vector_load %get3A_177[%get3A_178, %get3A_179] {strides = array<i32>} : memref<32x1000xf32, #tpu.memory_space<vmem>>, vector<1x16xf32>,
      %get3A_181 = vector.shape_cast %get3A_180 : vector<1x16xf32> to vector<16xf32>
      %add3A_182 = arith.constant 976 : i32
      %add3A_183 = vector.broadcast %add3A_182 : i32 to vector<16xi32>
      %add3A_184 = arith.addi %iota3A, %add3A_183 : vector<16xi32>
      %gt3A_185 = arith.cmpf ogt, %get3A_181, %select_n3A : vector<16xf32>
      %select_n3A_186 = arith.select %gt3A_185, %get3A_181, %select_n3A : vector<16xi1>, vector<16xf32>
      %select_n3A_187 = arith.select %gt3A_185, %add3A_184, %select_n3A_173 : vector<16xi1>, vector<16xi32>
      %get3A_188 = arith.constant 0 : i32
      %get3A_189 = arith.constant 0 : i32
      %get3A_190 = tpu.memref_slice %arg4[%scan3A, %get3A_188, %get3A_189] : memref<2x32x1000xf32, #tpu.memory_space<vmem>> -> memref<1x32x1000xf32, #tpu.memory_space<vmem>>
      %get3A_191 = tpu.memref_squeeze %get3A_190 : memref<1x32x1000xf32, #tpu.memory_space<vmem>> -> memref<32x1000xf32, #tpu.memory_space<vmem>>
      %get3A_192 = arith.index_cast %scan3A_152 : i32 to index
      %get3A_193 = arith.constant 984 : index
      %get3A_194 = tpu.vector_load %get3A_191[%get3A_192, %get3A_193] {strides = array<i32>} : memref<32x1000xf32, #tpu.memory_space<vmem>>, vector<1x16xf32>,
      %get3A_195 = vector.shape_cast %get3A_194 : vector<1x16xf32> to vector<16xf32>
      %add3A_196 = arith.constant 984 : i32
      %add3A_197 = vector.broadcast %add3A_196 : i32 to vector<16xi32>
      %add3A_198 = arith.addi %iota3A, %add3A_197 : vector<16xi32>
      %gt3A_199 = arith.cmpf ogt, %get3A_195, %select_n3A_186 : vector<16xf32>
      %select_n3A_200 = arith.select %gt3A_199, %get3A_195, %select_n3A_186 : vector<16xi1>, vector<16xf32>
      %select_n3A_201 = arith.select %gt3A_199, %add3A_198, %select_n3A_187 : vector<16xi1>, vector<16xi32>
      %slice3A = vector.extract_strided_slice %select_n3A_200 {offsets = [0], sizes = [1], strides = [1]} : vector<16xf32> to vector<1xf32>
      %squeeze3A = vector.extract %slice3A[0] : f32 from vector<1xf32>
      %slice3A_202 = vector.extract_strided_slice %select_n3A_201 {offsets = [0], sizes = [1], strides = [1]} : vector<16xi32> to vector<1xi32>
      %squeeze3A_203 = vector.extract %slice3A_202[0] : i32 from vector<1xi32>
      %slice3A_204 = vector.extract_strided_slice %select_n3A_200 {offsets = [1], sizes = [1], strides = [1]} : vector<16xf32> to vector<1xf32>
      %squeeze3A_205 = vector.extract %slice3A_204[0] : f32 from vector<1xf32>
      %slice3A_206 = vector.extract_strided_slice %select_n3A_201 {offsets = [1], sizes = [1], strides = [1]} : vector<16xi32> to vector<1xi32>
      %squeeze3A_207 = vector.extract %slice3A_206[0] : i32 from vector<1xi32>
      %gt3A_208 = arith.cmpf ogt, %squeeze3A_205, %squeeze3A : f32
      %eq3A = arith.cmpf oeq, %squeeze3A_205, %squeeze3A : f32
      %lt3A = arith.cmpi slt, %squeeze3A_207, %squeeze3A_203 : i32
      %and3A = arith.andi %eq3A, %lt3A : i1
      %or3A = arith.ori %gt3A_208, %and3A : i1
      %select_n3A_209 = arith.select %or3A, %squeeze3A_205, %squeeze3A : f32
      %select_n3A_210 = arith.select %or3A, %squeeze3A_207, %squeeze3A_203 : i32
      %slice3A_211 = vector.extract_strided_slice %select_n3A_200 {offsets = [2], sizes = [1], strides = [1]} : vector<16xf32> to vector<1xf32>
      %squeeze3A_212 = vector.extract %slice3A_211[0] : f32 from vector<1xf32>
      %slice3A_213 = vector.extract_strided_slice %select_n3A_201 {offsets = [2], sizes = [1], strides = [1]} : vector<16xi32> to vector<1xi32>
      %squeeze3A_214 = vector.extract %slice3A_213[0] : i32 from vector<1xi32>
      %gt3A_215 = arith.cmpf ogt, %squeeze3A_212, %select_n3A_209 : f32
      %eq3A_216 = arith.cmpf oeq, %squeeze3A_212, %select_n3A_209 : f32
      %lt3A_217 = arith.cmpi slt, %squeeze3A_214, %select_n3A_210 : i32
      %and3A_218 = arith.andi %eq3A_216, %lt3A_217 : i1
      %or3A_219 = arith.ori %gt3A_215, %and3A_218 : i1
      %select_n3A_220 = arith.select %or3A_219, %squeeze3A_212, %select_n3A_209 : f32
      %select_n3A_221 = arith.select %or3A_219, %squeeze3A_214, %select_n3A_210 : i32
      %slice3A_222 = vector.extract_strided_slice %select_n3A_200 {offsets = [3], sizes = [1], strides = [1]} : vector<16xf32> to vector<1xf32>
      %squeeze3A_223 = vector.extract %slice3A_222[0] : f32 from vector<1xf32>
      %slice3A_224 = vector.extract_strided_slice %select_n3A_201 {offsets = [3], sizes = [1], strides = [1]} : vector<16xi32> to vector<1xi32>
      %squeeze3A_225 = vector.extract %slice3A_224[0] : i32 from vector<1xi32>
      %gt3A_226 = arith.cmpf ogt, %squeeze3A_223, %select_n3A_220 : f32
      %eq3A_227 = arith.cmpf oeq, %squeeze3A_223, %select_n3A_220 : f32
      %lt3A_228 = arith.cmpi slt, %squeeze3A_225, %select_n3A_221 : i32
      %and3A_229 = arith.andi %eq3A_227, %lt3A_228 : i1
      %or3A_230 = arith.ori %gt3A_226, %and3A_229 : i1
      %select_n3A_231 = arith.select %or3A_230, %squeeze3A_223, %select_n3A_220 : f32
      %select_n3A_232 = arith.select %or3A_230, %squeeze3A_225, %select_n3A_221 : i32
      %slice3A_233 = vector.extract_strided_slice %select_n3A_200 {offsets = [4], sizes = [1], strides = [1]} : vector<16xf32> to vector<1xf32>
      %squeeze3A_234 = vector.extract %slice3A_233[0] : f32 from vector<1xf32>
      %slice3A_235 = vector.extract_strided_slice %select_n3A_201 {offsets = [4], sizes = [1], strides = [1]} : vector<16xi32> to vector<1xi32>
      %squeeze3A_236 = vector.extract %slice3A_235[0] : i32 from vector<1xi32>
      %gt3A_237 = arith.cmpf ogt, %squeeze3A_234, %select_n3A_231 : f32
      %eq3A_238 = arith.cmpf oeq, %squeeze3A_234, %select_n3A_231 : f32
      %lt3A_239 = arith.cmpi slt, %squeeze3A_236, %select_n3A_232 : i32
      %and3A_240 = arith.andi %eq3A_238, %lt3A_239 : i1
      %or3A_241 = arith.ori %gt3A_237, %and3A_240 : i1
      %select_n3A_242 = arith.select %or3A_241, %squeeze3A_234, %select_n3A_231 : f32
      %select_n3A_243 = arith.select %or3A_241, %squeeze3A_236, %select_n3A_232 : i32
      %slice3A_244 = vector.extract_strided_slice %select_n3A_200 {offsets = [5], sizes = [1], strides = [1]} : vector<16xf32> to vector<1xf32>
      %squeeze3A_245 = vector.extract %slice3A_244[0] : f32 from vector<1xf32>
      %slice3A_246 = vector.extract_strided_slice %select_n3A_201 {offsets = [5], sizes = [1], strides = [1]} : vector<16xi32> to vector<1xi32>
      %squeeze3A_247 = vector.extract %slice3A_246[0] : i32 from vector<1xi32>
      %gt3A_248 = arith.cmpf ogt, %squeeze3A_245, %select_n3A_242 : f32
      %eq3A_249 = arith.cmpf oeq, %squeeze3A_245, %select_n3A_242 : f32
      %lt3A_250 = arith.cmpi slt, %squeeze3A_247, %select_n3A_243 : i32
      %and3A_251 = arith.andi %eq3A_249, %lt3A_250 : i1
      %or3A_252 = arith.ori %gt3A_248, %and3A_251 : i1
      %select_n3A_253 = arith.select %or3A_252, %squeeze3A_245, %select_n3A_242 : f32
      %select_n3A_254 = arith.select %or3A_252, %squeeze3A_247, %select_n3A_243 : i32
      %slice3A_255 = vector.extract_strided_slice %select_n3A_200 {offsets = [6], sizes = [1], strides = [1]} : vector<16xf32> to vector<1xf32>
      %squeeze3A_256 = vector.extract %slice3A_255[0] : f32 from vector<1xf32>
      %slice3A_257 = vector.extract_strided_slice %select_n3A_201 {offsets = [6], sizes = [1], strides = [1]} : vector<16xi32> to vector<1xi32>
      %squeeze3A_258 = vector.extract %slice3A_257[0] : i32 from vector<1xi32>
      %gt3A_259 = arith.cmpf ogt, %squeeze3A_256, %select_n3A_253 : f32
      %eq3A_260 = arith.cmpf oeq, %squeeze3A_256, %select_n3A_253 : f32
      %lt3A_261 = arith.cmpi slt, %squeeze3A_258, %select_n3A_254 : i32
      %and3A_262 = arith.andi %eq3A_260, %lt3A_261 : i1
      %or3A_263 = arith.ori %gt3A_259, %and3A_262 : i1
      %select_n3A_264 = arith.select %or3A_263, %squeeze3A_256, %select_n3A_253 : f32
      %select_n3A_265 = arith.select %or3A_263, %squeeze3A_258, %select_n3A_254 : i32
      %slice3A_266 = vector.extract_strided_slice %select_n3A_200 {offsets = [7], sizes = [1], strides = [1]} : vector<16xf32> to vector<1xf32>
      %squeeze3A_267 = vector.extract %slice3A_266[0] : f32 from vector<1xf32>
      %slice3A_268 = vector.extract_strided_slice %select_n3A_201 {offsets = [7], sizes = [1], strides = [1]} : vector<16xi32> to vector<1xi32>
      %squeeze3A_269 = vector.extract %slice3A_268[0] : i32 from vector<1xi32>
      %gt3A_270 = arith.cmpf ogt, %squeeze3A_267, %select_n3A_264 : f32
      %eq3A_271 = arith.cmpf oeq, %squeeze3A_267, %select_n3A_264 : f32
      %lt3A_272 = arith.cmpi slt, %squeeze3A_269, %select_n3A_265 : i32
      %and3A_273 = arith.andi %eq3A_271, %lt3A_272 : i1
      %or3A_274 = arith.ori %gt3A_270, %and3A_273 : i1
      %select_n3A_275 = arith.select %or3A_274, %squeeze3A_267, %select_n3A_264 : f32
      %select_n3A_276 = arith.select %or3A_274, %squeeze3A_269, %select_n3A_265 : i32
      %slice3A_277 = vector.extract_strided_slice %select_n3A_200 {offsets = [8], sizes = [1], strides = [1]} : vector<16xf32> to vector<1xf32>
      %squeeze3A_278 = vector.extract %slice3A_277[0] : f32 from vector<1xf32>
      %slice3A_279 = vector.extract_strided_slice %select_n3A_201 {offsets = [8], sizes = [1], strides = [1]} : vector<16xi32> to vector<1xi32>
      %squeeze3A_280 = vector.extract %slice3A_279[0] : i32 from vector<1xi32>
      %gt3A_281 = arith.cmpf ogt, %squeeze3A_278, %select_n3A_275 : f32
      %eq3A_282 = arith.cmpf oeq, %squeeze3A_278, %select_n3A_275 : f32
      %lt3A_283 = arith.cmpi slt, %squeeze3A_280, %select_n3A_276 : i32
      %and3A_284 = arith.andi %eq3A_282, %lt3A_283 : i1
      %or3A_285 = arith.ori %gt3A_281, %and3A_284 : i1
      %select_n3A_286 = arith.select %or3A_285, %squeeze3A_278, %select_n3A_275 : f32
      %select_n3A_287 = arith.select %or3A_285, %squeeze3A_280, %select_n3A_276 : i32
      %slice3A_288 = vector.extract_strided_slice %select_n3A_200 {offsets = [9], sizes = [1], strides = [1]} : vector<16xf32> to vector<1xf32>
      %squeeze3A_289 = vector.extract %slice3A_288[0] : f32 from vector<1xf32>
      %slice3A_290 = vector.extract_strided_slice %select_n3A_201 {offsets = [9], sizes = [1], strides = [1]} : vector<16xi32> to vector<1xi32>
      %squeeze3A_291 = vector.extract %slice3A_290[0] : i32 from vector<1xi32>
      %gt3A_292 = arith.cmpf ogt, %squeeze3A_289, %select_n3A_286 : f32
      %eq3A_293 = arith.cmpf oeq, %squeeze3A_289, %select_n3A_286 : f32
      %lt3A_294 = arith.cmpi slt, %squeeze3A_291, %select_n3A_287 : i32
      %and3A_295 = arith.andi %eq3A_293, %lt3A_294 : i1
      %or3A_296 = arith.ori %gt3A_292, %and3A_295 : i1
      %select_n3A_297 = arith.select %or3A_296, %squeeze3A_289, %select_n3A_286 : f32
      %select_n3A_298 = arith.select %or3A_296, %squeeze3A_291, %select_n3A_287 : i32
      %slice3A_299 = vector.extract_strided_slice %select_n3A_200 {offsets = [10], sizes = [1], strides = [1]} : vector<16xf32> to vector<1xf32>
      %squeeze3A_300 = vector.extract %slice3A_299[0] : f32 from vector<1xf32>
      %slice3A_301 = vector.extract_strided_slice %select_n3A_201 {offsets = [10], sizes = [1], strides = [1]} : vector<16xi32> to vector<1xi32>
      %squeeze3A_302 = vector.extract %slice3A_301[0] : i32 from vector<1xi32>
      %gt3A_303 = arith.cmpf ogt, %squeeze3A_300, %select_n3A_297 : f32
      %eq3A_304 = arith.cmpf oeq, %squeeze3A_300, %select_n3A_297 : f32
      %lt3A_305 = arith.cmpi slt, %squeeze3A_302, %select_n3A_298 : i32
      %and3A_306 = arith.andi %eq3A_304, %lt3A_305 : i1
      %or3A_307 = arith.ori %gt3A_303, %and3A_306 : i1
      %select_n3A_308 = arith.select %or3A_307, %squeeze3A_300, %select_n3A_297 : f32
      %select_n3A_309 = arith.select %or3A_307, %squeeze3A_302, %select_n3A_298 : i32
      %slice3A_310 = vector.extract_strided_slice %select_n3A_200 {offsets = [11], sizes = [1], strides = [1]} : vector<16xf32> to vector<1xf32>
      %squeeze3A_311 = vector.extract %slice3A_310[0] : f32 from vector<1xf32>
      %slice3A_312 = vector.extract_strided_slice %select_n3A_201 {offsets = [11], sizes = [1], strides = [1]} : vector<16xi32> to vector<1xi32>
      %squeeze3A_313 = vector.extract %slice3A_312[0] : i32 from vector<1xi32>
      %gt3A_314 = arith.cmpf ogt, %squeeze3A_311, %select_n3A_308 : f32
      %eq3A_315 = arith.cmpf oeq, %squeeze3A_311, %select_n3A_308 : f32
      %lt3A_316 = arith.cmpi slt, %squeeze3A_313, %select_n3A_309 : i32
      %and3A_317 = arith.andi %eq3A_315, %lt3A_316 : i1
      %or3A_318 = arith.ori %gt3A_314, %and3A_317 : i1
      %select_n3A_319 = arith.select %or3A_318, %squeeze3A_311, %select_n3A_308 : f32
      %select_n3A_320 = arith.select %or3A_318, %squeeze3A_313, %select_n3A_309 : i32
      %slice3A_321 = vector.extract_strided_slice %select_n3A_200 {offsets = [12], sizes = [1], strides = [1]} : vector<16xf32> to vector<1xf32>
      %squeeze3A_322 = vector.extract %slice3A_321[0] : f32 from vector<1xf32>
      %slice3A_323 = vector.extract_strided_slice %select_n3A_201 {offsets = [12], sizes = [1], strides = [1]} : vector<16xi32> to vector<1xi32>
      %squeeze3A_324 = vector.extract %slice3A_323[0] : i32 from vector<1xi32>
      %gt3A_325 = arith.cmpf ogt, %squeeze3A_322, %select_n3A_319 : f32
      %eq3A_326 = arith.cmpf oeq, %squeeze3A_322, %select_n3A_319 : f32
      %lt3A_327 = arith.cmpi slt, %squeeze3A_324, %select_n3A_320 : i32
      %and3A_328 = arith.andi %eq3A_326, %lt3A_327 : i1
      %or3A_329 = arith.ori %gt3A_325, %and3A_328 : i1
      %select_n3A_330 = arith.select %or3A_329, %squeeze3A_322, %select_n3A_319 : f32
      %select_n3A_331 = arith.select %or3A_329, %squeeze3A_324, %select_n3A_320 : i32
      %slice3A_332 = vector.extract_strided_slice %select_n3A_200 {offsets = [13], sizes = [1], strides = [1]} : vector<16xf32> to vector<1xf32>
      %squeeze3A_333 = vector.extract %slice3A_332[0] : f32 from vector<1xf32>
      %slice3A_334 = vector.extract_strided_slice %select_n3A_201 {offsets = [13], sizes = [1], strides = [1]} : vector<16xi32> to vector<1xi32>
      %squeeze3A_335 = vector.extract %slice3A_334[0] : i32 from vector<1xi32>
      %gt3A_336 = arith.cmpf ogt, %squeeze3A_333, %select_n3A_330 : f32
      %eq3A_337 = arith.cmpf oeq, %squeeze3A_333, %select_n3A_330 : f32
      %lt3A_338 = arith.cmpi slt, %squeeze3A_335, %select_n3A_331 : i32
      %and3A_339 = arith.andi %eq3A_337, %lt3A_338 : i1
      %or3A_340 = arith.ori %gt3A_336, %and3A_339 : i1
      %select_n3A_341 = arith.select %or3A_340, %squeeze3A_333, %select_n3A_330 : f32
      %select_n3A_342 = arith.select %or3A_340, %squeeze3A_335, %select_n3A_331 : i32
      %slice3A_343 = vector.extract_strided_slice %select_n3A_200 {offsets = [14], sizes = [1], strides = [1]} : vector<16xf32> to vector<1xf32>
      %squeeze3A_344 = vector.extract %slice3A_343[0] : f32 from vector<1xf32>
      %slice3A_345 = vector.extract_strided_slice %select_n3A_201 {offsets = [14], sizes = [1], strides = [1]} : vector<16xi32> to vector<1xi32>
      %squeeze3A_346 = vector.extract %slice3A_345[0] : i32 from vector<1xi32>
      %gt3A_347 = arith.cmpf ogt, %squeeze3A_344, %select_n3A_341 : f32
      %eq3A_348 = arith.cmpf oeq, %squeeze3A_344, %select_n3A_341 : f32
      %lt3A_349 = arith.cmpi slt, %squeeze3A_346, %select_n3A_342 : i32
      %and3A_350 = arith.andi %eq3A_348, %lt3A_349 : i1
      %or3A_351 = arith.ori %gt3A_347, %and3A_350 : i1
      %select_n3A_352 = arith.select %or3A_351, %squeeze3A_344, %select_n3A_341 : f32
      %select_n3A_353 = arith.select %or3A_351, %squeeze3A_346, %select_n3A_342 : i32
      %slice3A_354 = vector.extract_strided_slice %select_n3A_200 {offsets = [15], sizes = [1], strides = [1]} : vector<16xf32> to vector<1xf32>
      %squeeze3A_355 = vector.extract %slice3A_354[0] : f32 from vector<1xf32>
      %slice3A_356 = vector.extract_strided_slice %select_n3A_201 {offsets = [15], sizes = [1], strides = [1]} : vector<16xi32> to vector<1xi32>
      %squeeze3A_357 = vector.extract %slice3A_356[0] : i32 from vector<1xi32>
      %gt3A_358 = arith.cmpf ogt, %squeeze3A_355, %select_n3A_352 : f32
      %eq3A_359 = arith.cmpf oeq, %squeeze3A_355, %select_n3A_352 : f32
      %lt3A_360 = arith.cmpi slt, %squeeze3A_357, %select_n3A_353 : i32
      %and3A_361 = arith.andi %eq3A_359, %lt3A_360 : i1
      %or3A_362 = arith.ori %gt3A_358, %and3A_361 : i1
      %select_n3A_363 = arith.select %or3A_362, %squeeze3A_355, %select_n3A_352 : f32
      %select_n3A_364 = arith.select %or3A_362, %squeeze3A_357, %select_n3A_353 : i32
      %broadcast_in_dim3A_365 = vector.broadcast %select_n3A_364 : i32 to vector<16xi32>
      %swap3A = arith.index_cast %scan3A_152 : i32 to index
      %swap3A_366 = arith.constant 0 : index
      %swap3A_367 = tpu.vector_load %arg5[%swap3A, %swap3A_366] {strides = array<i32>} : memref<32x128xi32, #tpu.memory_space<vmem>>, vector<1x16xi32>,
      %swap3A_368 = vector.shape_cast %swap3A_367 : vector<1x16xi32> to vector<16xi32>
      %swap3A_369 = vector.shape_cast %broadcast_in_dim3A_365 : vector<16xi32> to vector<1x16xi32>
      tpu.vector_store %arg5[%swap3A, %swap3A_366], %swap3A_369 {strides = array<i32>} : memref<32x128xi32, #tpu.memory_space<vmem>>, vector<1x16xi32>,
      %swap3A_370 = arith.index_cast %scan3A_152 : i32 to index
      %swap3A_371 = arith.constant 16 : index
      %swap3A_372 = tpu.vector_load %arg5[%swap3A_370, %swap3A_371] {strides = array<i32>} : memref<32x128xi32, #tpu.memory_space<vmem>>, vector<1x16xi32>,
      %swap3A_373 = vector.shape_cast %swap3A_372 : vector<1x16xi32> to vector<16xi32>
      %swap3A_374 = vector.shape_cast %broadcast_in_dim3A_365 : vector<16xi32> to vector<1x16xi32>
      tpu.vector_store %arg5[%swap3A_370, %swap3A_371], %swap3A_374 {strides = array<i32>} : memref<32x128xi32, #tpu.memory_space<vmem>>, vector<1x16xi32>,
      %swap3A_375 = arith.index_cast %scan3A_152 : i32 to index
      %swap3A_376 = arith.constant 32 : index
      %swap3A_377 = tpu.vector_load %arg5[%swap3A_375, %swap3A_376] {strides = array<i32>} : memref<32x128xi32, #tpu.memory_space<vmem>>, vector<1x16xi32>,
      %swap3A_378 = vector.shape_cast %swap3A_377 : vector<1x16xi32> to vector<16xi32>
      %swap3A_379 = vector.shape_cast %broadcast_in_dim3A_365 : vector<16xi32> to vector<1x16xi32>
      tpu.vector_store %arg5[%swap3A_375, %swap3A_376], %swap3A_379 {strides = array<i32>} : memref<32x128xi32, #tpu.memory_space<vmem>>, vector<1x16xi32>,
      %swap3A_380 = arith.index_cast %scan3A_152 : i32 to index
      %swap3A_381 = arith.constant 48 : index
      %swap3A_382 = tpu.vector_load %arg5[%swap3A_380, %swap3A_381] {strides = array<i32>} : memref<32x128xi32, #tpu.memory_space<vmem>>, vector<1x16xi32>,
      %swap3A_383 = vector.shape_cast %swap3A_382 : vector<1x16xi32> to vector<16xi32>
      %swap3A_384 = vector.shape_cast %broadcast_in_dim3A_365 : vector<16xi32> to vector<1x16xi32>
      tpu.vector_store %arg5[%swap3A_380, %swap3A_381], %swap3A_384 {strides = array<i32>} : memref<32x128xi32, #tpu.memory_space<vmem>>, vector<1x16xi32>,
      %swap3A_385 = arith.index_cast %scan3A_152 : i32 to index
      %swap3A_386 = arith.constant 64 : index
      %swap3A_387 = tpu.vector_load %arg5[%swap3A_385, %swap3A_386] {strides = array<i32>} : memref<32x128xi32, #tpu.memory_space<vmem>>, vector<1x16xi32>,
      %swap3A_388 = vector.shape_cast %swap3A_387 : vector<1x16xi32> to vector<16xi32>
      %swap3A_389 = vector.shape_cast %broadcast_in_dim3A_365 : vector<16xi32> to vector<1x16xi32>
      tpu.vector_store %arg5[%swap3A_385, %swap3A_386], %swap3A_389 {strides = array<i32>} : memref<32x128xi32, #tpu.memory_space<vmem>>, vector<1x16xi32>,
      %swap3A_390 = arith.index_cast %scan3A_152 : i32 to index
      %swap3A_391 = arith.constant 80 : index
      %swap3A_392 = tpu.vector_load %arg5[%swap3A_390, %swap3A_391] {strides = array<i32>} : memref<32x128xi32, #tpu.memory_space<vmem>>, vector<1x16xi32>,
      %swap3A_393 = vector.shape_cast %swap3A_392 : vector<1x16xi32> to vector<16xi32>
      %swap3A_394 = vector.shape_cast %broadcast_in_dim3A_365 : vector<16xi32> to vector<1x16xi32>
      tpu.vector_store %arg5[%swap3A_390, %swap3A_391], %swap3A_394 {strides = array<i32>} : memref<32x128xi32, #tpu.memory_space<vmem>>, vector<1x16xi32>,
      %swap3A_395 = arith.index_cast %scan3A_152 : i32 to index
      %swap3A_396 = arith.constant 96 : index
      %swap3A_397 = tpu.vector_load %arg5[%swap3A_395, %swap3A_396] {strides = array<i32>} : memref<32x128xi32, #tpu.memory_space<vmem>>, vector<1x16xi32>,
      %swap3A_398 = vector.shape_cast %swap3A_397 : vector<1x16xi32> to vector<16xi32>
      %swap3A_399 = vector.shape_cast %broadcast_in_dim3A_365 : vector<16xi32> to vector<1x16xi32>
      tpu.vector_store %arg5[%swap3A_395, %swap3A_396], %swap3A_399 {strides = array<i32>} : memref<32x128xi32, #tpu.memory_space<vmem>>, vector<1x16xi32>,
      %swap3A_400 = arith.index_cast %scan3A_152 : i32 to index
      %swap3A_401 = arith.constant 112 : index
      %swap3A_402 = tpu.vector_load %arg5[%swap3A_400, %swap3A_401] {strides = array<i32>} : memref<32x128xi32, #tpu.memory_space<vmem>>, vector<1x16xi32>,
      %swap3A_403 = vector.shape_cast %swap3A_402 : vector<1x16xi32> to vector<16xi32>
      %swap3A_404 = vector.shape_cast %broadcast_in_dim3A_365 : vector<16xi32> to vector<1x16xi32>
      tpu.vector_store %arg5[%swap3A_400, %swap3A_401], %swap3A_404 {strides = array<i32>} : memref<32x128xi32, #tpu.memory_space<vmem>>, vector<1x16xi32>,
      %scan3A_405 = arith.constant 0 : i32
      scf.yield %scan3A_405 : i32
    }
    %scan3A_50 = arith.constant 32 : i32
    %add3A_51 = arith.constant 0 : i32
    %add3A_52 = arith.addi %mul3A_2, %add3A_51 : i32
    "tpu.region"() ({
      %run_scoped3A = tpu.sem_alloc : memref<!tpu.dma_semaphore, #tpu.memory_space<semaphore_mem>>
      %dma_start3A_152 = arith.constant 0 : i32
      %dma_start3A_153 = tpu.memref_slice %arg3[%add3A_52, %dma_start3A_152] : memref<4096x128xi32, #tpu.memory_space<hbm>> -> memref<32x128xi32, #tpu.memory_space<hbm>>
      %dma_start3A_154 = arith.constant 0 : i32
      %dma_start3A_155 = tpu.memref_slice %arg3[%add3A_52, %dma_start3A_154] : memref<4096x128xi32, #tpu.memory_space<hbm>> -> memref<32x128xi32, #tpu.memory_space<hbm>>
      tpu.enqueue_dma source(%arg5 : memref<32x128xi32, #tpu.memory_space<vmem>>) target(%dma_start3A_155 : memref<32x128xi32, #tpu.memory_space<hbm>>) target_semaphore(%run_scoped3A : memref<!tpu.dma_semaphore, #tpu.memory_space<semaphore_mem>>)
      %dma_wait3A_156 = arith.constant 0 : i32
      %dma_wait3A_157 = tpu.memref_slice %arg3[%add3A_52, %dma_wait3A_156] : memref<4096x128xi32, #tpu.memory_space<hbm>> -> memref<32x128xi32, #tpu.memory_space<hbm>>
      %dma_wait3A_158 = arith.constant 0 : i32
      %dma_wait3A_159 = tpu.memref_slice %arg3[%add3A_52, %dma_wait3A_158] : memref<4096x128xi32, #tpu.memory_space<hbm>> -> memref<32x128xi32, #tpu.memory_space<hbm>>
      tpu.wait_dma2 semaphore(%run_scoped3A : memref<!tpu.dma_semaphore, #tpu.memory_space<semaphore_mem>>) src(%arg5 : memref<32x128xi32, #tpu.memory_space<vmem>>) dst(%dma_wait3A_159 : memref<32x128xi32, #tpu.memory_space<hbm>>)
      tpu.yield
    }) : () -> ()
    %add3A_53 = arith.constant 64 : i32
    %add3A_54 = arith.addi %mul3A_2, %add3A_53 : i32
    %dma_start3A_55 = arith.constant 0 : i32
    %dma_start3A_56 = arith.constant 0 : i32
    %dma_start3A_57 = arith.constant 0 : i32
    %dma_start3A_58 = tpu.memref_slice %arg4[%dma_start3A_55, %dma_start3A_56, %dma_start3A_57] : memref<2x32x1000xf32, #tpu.memory_space<vmem>> -> memref<1x32x1000xf32, #tpu.memory_space<vmem>>
    %dma_start3A_59 = tpu.memref_squeeze %dma_start3A_58 : memref<1x32x1000xf32, #tpu.memory_space<vmem>> -> memref<32x1000xf32, #tpu.memory_space<vmem>>
    %dma_start3A_60 = arith.constant 0 : i32
    %dma_start3A_61 = tpu.memref_slice %arg2[%add3A_54, %dma_start3A_60] : memref<4096x1000xf32, #tpu.memory_space<hbm>> -> memref<32x1000xf32, #tpu.memory_space<hbm>>
    %dma_start3A_62 = arith.constant 0 : i32
    %dma_start3A_63 = arith.constant 0 : i32
    %dma_start3A_64 = tpu.memref_slice %arg4[%dma_start3A_55, %dma_start3A_62, %dma_start3A_63] : memref<2x32x1000xf32, #tpu.memory_space<vmem>> -> memref<1x32x1000xf32, #tpu.memory_space<vmem>>
    %dma_start3A_65 = tpu.memref_squeeze %dma_start3A_64 : memref<1x32x1000xf32, #tpu.memory_space<vmem>> -> memref<32x1000xf32, #tpu.memory_space<vmem>>
    %dma_start3A_66 = arith.constant 0 : i32
    %dma_start3A_67 = tpu.memref_slice %arg2[%add3A_54, %dma_start3A_66] : memref<4096x1000xf32, #tpu.memory_space<hbm>> -> memref<32x1000xf32, #tpu.memory_space<hbm>>
    tpu.enqueue_dma source(%dma_start3A_67 : memref<32x1000xf32, #tpu.memory_space<hbm>>) target(%dma_start3A_65 : memref<32x1000xf32, #tpu.memory_space<vmem>>) target_semaphore(%arg6 : memref<!tpu.dma_semaphore, #tpu.memory_space<semaphore_mem>>)
    %dma_wait3A_68 = arith.constant 1 : i32
    %dma_wait3A_69 = arith.constant 0 : i32
    %dma_wait3A_70 = arith.constant 0 : i32
    %dma_wait3A_71 = tpu.memref_slice %arg4[%dma_wait3A_68, %dma_wait3A_69, %dma_wait3A_70] : memref<2x32x1000xf32, #tpu.memory_space<vmem>> -> memref<1x32x1000xf32, #tpu.memory_space<vmem>>
    %dma_wait3A_72 = tpu.memref_squeeze %dma_wait3A_71 : memref<1x32x1000xf32, #tpu.memory_space<vmem>> -> memref<32x1000xf32, #tpu.memory_space<vmem>>
    %dma_wait3A_73 = arith.constant 0 : i32
    %dma_wait3A_74 = tpu.memref_slice %arg2[%add3A_18, %dma_wait3A_73] : memref<4096x1000xf32, #tpu.memory_space<hbm>> -> memref<32x1000xf32, #tpu.memory_space<hbm>>
    %dma_wait3A_75 = arith.constant 0 : i32
    %dma_wait3A_76 = arith.constant 0 : i32
    %dma_wait3A_77 = tpu.memref_slice %arg4[%dma_wait3A_68, %dma_wait3A_75, %dma_wait3A_76] : memref<2x32x1000xf32, #tpu.memory_space<vmem>> -> memref<1x32x1000xf32, #tpu.memory_space<vmem>>
    %dma_wait3A_78 = tpu.memref_squeeze %dma_wait3A_77 : memref<1x32x1000xf32, #tpu.memory_space<vmem>> -> memref<32x1000xf32, #tpu.memory_space<vmem>>
    %dma_wait3A_79 = arith.constant 0 : i32
    %dma_wait3A_80 = tpu.memref_slice %arg2[%add3A_18, %dma_wait3A_79] : memref<4096x1000xf32, #tpu.memory_space<hbm>> -> memref<32x1000xf32, #tpu.memory_space<hbm>>
    tpu.wait_dma2 semaphore(%arg7 : memref<!tpu.dma_semaphore, #tpu.memory_space<semaphore_mem>>) src(%dma_wait3A_80 : memref<32x1000xf32, #tpu.memory_space<hbm>>) dst(%dma_wait3A_78 : memref<32x1000xf32, #tpu.memory_space<vmem>>)
    %scan3A_81 = arith.constant 1 : i32
    %scan3A_82 = arith.constant 0 : i32
    %scan3A_83 = arith.constant 0 : i32
    %scan3A_84 = arith.constant 32 : i32
    %scan3A_85 = arith.addi %scan3A_83, %scan3A_84 : i32
    %scan3A_86 = arith.constant 1 : i32
    %scan3A_87 = scf.for %scan3A_152 = %scan3A_83 to %scan3A_85 step %scan3A_86 iter_args(%scan3A_153 = %scan3A_82) -> (i32)  : i32 {
      %broadcast_in_dim3A = arith.constant 0xFF800000 : f32
      %broadcast_in_dim3A_154 = vector.broadcast %broadcast_in_dim3A : f32 to vector<16xf32>
      %broadcast_in_dim3A_155 = arith.constant 0 : i32
      %broadcast_in_dim3A_156 = vector.broadcast %broadcast_in_dim3A_155 : i32 to vector<16xi32>
      %scan3A_157 = arith.constant 0 : i32
      %scan3A_158 = arith.constant 15 : i32
      %scan3A_159 = arith.addi %scan3A_157, %scan3A_158 : i32
      %scan3A_160 = arith.constant 1 : i32
      %scan3A_161:2 = scf.for %scan3A_406 = %scan3A_157 to %scan3A_159 step %scan3A_160 iter_args(%scan3A_407 = %broadcast_in_dim3A_154, %scan3A_408 = %broadcast_in_dim3A_156) -> (vector<16xf32>, vector<16xi32>)  : i32 {
        %mul3A_409 = arith.constant 64 : i32
        %mul3A_410 = arith.muli %scan3A_406, %mul3A_409 : i32
        %add3A_411 = arith.constant 0 : i32
        %add3A_412 = arith.addi %mul3A_410, %add3A_411 : i32
        %get3A_413 = arith.constant 0 : i32
        %get3A_414 = arith.constant 0 : i32
        %get3A_415 = tpu.memref_slice %arg4[%scan3A_81, %get3A_413, %get3A_414] : memref<2x32x1000xf32, #tpu.memory_space<vmem>> -> memref<1x32x1000xf32, #tpu.memory_space<vmem>>
        %get3A_416 = tpu.memref_squeeze %get3A_415 : memref<1x32x1000xf32, #tpu.memory_space<vmem>> -> memref<32x1000xf32, #tpu.memory_space<vmem>>
        %get3A_417 = arith.index_cast %scan3A_152 : i32 to index
        %get3A_418 = arith.index_cast %add3A_412 : i32 to index
        %get3A_419 = tpu.vector_load %get3A_416[%get3A_417, %get3A_418] {strides = array<i32>} : memref<32x1000xf32, #tpu.memory_space<vmem>>, vector<1x16xf32>,
        %get3A_420 = vector.shape_cast %get3A_419 : vector<1x16xf32> to vector<16xf32>
        %add3A_421 = vector.broadcast %add3A_412 : i32 to vector<16xi32>
        %add3A_422 = arith.addi %iota3A, %add3A_421 : vector<16xi32>
        %gt3A_423 = arith.cmpf ogt, %get3A_420, %scan3A_407 : vector<16xf32>
        %select_n3A_424 = arith.select %gt3A_423, %get3A_420, %scan3A_407 : vector<16xi1>, vector<16xf32>
        %select_n3A_425 = arith.select %gt3A_423, %add3A_422, %scan3A_408 : vector<16xi1>, vector<16xi32>
        %mul3A_426 = arith.constant 64 : i32
        %mul3A_427 = arith.muli %scan3A_406, %mul3A_426 : i32
        %add3A_428 = arith.constant 16 : i32
        %add3A_429 = arith.addi %mul3A_427, %add3A_428 : i32
        %get3A_430 = arith.constant 0 : i32
        %get3A_431 = arith.constant 0 : i32
        %get3A_432 = tpu.memref_slice %arg4[%scan3A_81, %get3A_430, %get3A_431] : memref<2x32x1000xf32, #tpu.memory_space<vmem>> -> memref<1x32x1000xf32, #tpu.memory_space<vmem>>
        %get3A_433 = tpu.memref_squeeze %get3A_432 : memref<1x32x1000xf32, #tpu.memory_space<vmem>> -> memref<32x1000xf32, #tpu.memory_space<vmem>>
        %get3A_434 = arith.index_cast %scan3A_152 : i32 to index
        %get3A_435 = arith.index_cast %add3A_429 : i32 to index
        %get3A_436 = tpu.vector_load %get3A_433[%get3A_434, %get3A_435] {strides = array<i32>} : memref<32x1000xf32, #tpu.memory_space<vmem>>, vector<1x16xf32>,
        %get3A_437 = vector.shape_cast %get3A_436 : vector<1x16xf32> to vector<16xf32>
        %add3A_438 = vector.broadcast %add3A_429 : i32 to vector<16xi32>
        %add3A_439 = arith.addi %iota3A, %add3A_438 : vector<16xi32>
        %gt3A_440 = arith.cmpf ogt, %get3A_437, %select_n3A_424 : vector<16xf32>
        %select_n3A_441 = arith.select %gt3A_440, %get3A_437, %select_n3A_424 : vector<16xi1>, vector<16xf32>
        %select_n3A_442 = arith.select %gt3A_440, %add3A_439, %select_n3A_425 : vector<16xi1>, vector<16xi32>
        %mul3A_443 = arith.constant 64 : i32
        %mul3A_444 = arith.muli %scan3A_406, %mul3A_443 : i32
        %add3A_445 = arith.constant 32 : i32
        %add3A_446 = arith.addi %mul3A_444, %add3A_445 : i32
        %get3A_447 = arith.constant 0 : i32
        %get3A_448 = arith.constant 0 : i32
        %get3A_449 = tpu.memref_slice %arg4[%scan3A_81, %get3A_447, %get3A_448] : memref<2x32x1000xf32, #tpu.memory_space<vmem>> -> memref<1x32x1000xf32, #tpu.memory_space<vmem>>
        %get3A_450 = tpu.memref_squeeze %get3A_449 : memref<1x32x1000xf32, #tpu.memory_space<vmem>> -> memref<32x1000xf32, #tpu.memory_space<vmem>>
        %get3A_451 = arith.index_cast %scan3A_152 : i32 to index
        %get3A_452 = arith.index_cast %add3A_446 : i32 to index
        %get3A_453 = tpu.vector_load %get3A_450[%get3A_451, %get3A_452] {strides = array<i32>} : memref<32x1000xf32, #tpu.memory_space<vmem>>, vector<1x16xf32>,
        %get3A_454 = vector.shape_cast %get3A_453 : vector<1x16xf32> to vector<16xf32>
        %add3A_455 = vector.broadcast %add3A_446 : i32 to vector<16xi32>
        %add3A_456 = arith.addi %iota3A, %add3A_455 : vector<16xi32>
        %gt3A_457 = arith.cmpf ogt, %get3A_454, %select_n3A_441 : vector<16xf32>
        %select_n3A_458 = arith.select %gt3A_457, %get3A_454, %select_n3A_441 : vector<16xi1>, vector<16xf32>
        %select_n3A_459 = arith.select %gt3A_457, %add3A_456, %select_n3A_442 : vector<16xi1>, vector<16xi32>
        %mul3A_460 = arith.constant 64 : i32
        %mul3A_461 = arith.muli %scan3A_406, %mul3A_460 : i32
        %add3A_462 = arith.constant 48 : i32
        %add3A_463 = arith.addi %mul3A_461, %add3A_462 : i32
        %get3A_464 = arith.constant 0 : i32
        %get3A_465 = arith.constant 0 : i32
        %get3A_466 = tpu.memref_slice %arg4[%scan3A_81, %get3A_464, %get3A_465] : memref<2x32x1000xf32, #tpu.memory_space<vmem>> -> memref<1x32x1000xf32, #tpu.memory_space<vmem>>
        %get3A_467 = tpu.memref_squeeze %get3A_466 : memref<1x32x1000xf32, #tpu.memory_space<vmem>> -> memref<32x1000xf32, #tpu.memory_space<vmem>>
        %get3A_468 = arith.index_cast %scan3A_152 : i32 to index
        %get3A_469 = arith.index_cast %add3A_463 : i32 to index
        %get3A_470 = tpu.vector_load %get3A_467[%get3A_468, %get3A_469] {strides = array<i32>} : memref<32x1000xf32, #tpu.memory_space<vmem>>, vector<1x16xf32>,
        %get3A_471 = vector.shape_cast %get3A_470 : vector<1x16xf32> to vector<16xf32>
        %add3A_472 = vector.broadcast %add3A_463 : i32 to vector<16xi32>
        %add3A_473 = arith.addi %iota3A, %add3A_472 : vector<16xi32>
        %gt3A_474 = arith.cmpf ogt, %get3A_471, %select_n3A_458 : vector<16xf32>
        %select_n3A_475 = arith.select %gt3A_474, %get3A_471, %select_n3A_458 : vector<16xi1>, vector<16xf32>
        %select_n3A_476 = arith.select %gt3A_474, %add3A_473, %select_n3A_459 : vector<16xi1>, vector<16xi32>
        scf.yield %select_n3A_475, %select_n3A_476 : vector<16xf32>, vector<16xi32>
      }
      %scan3A_162 = arith.constant 15 : i32
      %get3A = arith.constant 0 : i32
      %get3A_163 = arith.constant 0 : i32
      %get3A_164 = tpu.memref_slice %arg4[%scan3A_81, %get3A, %get3A_163] : memref<2x32x1000xf32, #tpu.memory_space<vmem>> -> memref<1x32x1000xf32, #tpu.memory_space<vmem>>
      %get3A_165 = tpu.memref_squeeze %get3A_164 : memref<1x32x1000xf32, #tpu.memory_space<vmem>> -> memref<32x1000xf32, #tpu.memory_space<vmem>>
      %get3A_166 = arith.index_cast %scan3A_152 : i32 to index
      %get3A_167 = arith.constant 960 : index
      %get3A_168 = tpu.vector_load %get3A_165[%get3A_166, %get3A_167] {strides = array<i32>} : memref<32x1000xf32, #tpu.memory_space<vmem>>, vector<1x16xf32>,
      %get3A_169 = vector.shape_cast %get3A_168 : vector<1x16xf32> to vector<16xf32>
      %add3A_170 = arith.constant 960 : i32
      %add3A_171 = vector.broadcast %add3A_170 : i32 to vector<16xi32>
      %add3A_172 = arith.addi %iota3A, %add3A_171 : vector<16xi32>
      %gt3A = arith.cmpf ogt, %get3A_169, %scan3A_161#0 : vector<16xf32>
      %select_n3A = arith.select %gt3A, %get3A_169, %scan3A_161#0 : vector<16xi1>, vector<16xf32>
      %select_n3A_173 = arith.select %gt3A, %add3A_172, %scan3A_161#1 : vector<16xi1>, vector<16xi32>
      %get3A_174 = arith.constant 0 : i32
      %get3A_175 = arith.constant 0 : i32
      %get3A_176 = tpu.memref_slice %arg4[%scan3A_81, %get3A_174, %get3A_175] : memref<2x32x1000xf32, #tpu.memory_space<vmem>> -> memref<1x32x1000xf32, #tpu.memory_space<vmem>>
      %get3A_177 = tpu.memref_squeeze %get3A_176 : memref<1x32x1000xf32, #tpu.memory_space<vmem>> -> memref<32x1000xf32, #tpu.memory_space<vmem>>
      %get3A_178 = arith.index_cast %scan3A_152 : i32 to index
      %get3A_179 = arith.constant 976 : index
      %get3A_180 = tpu.vector_load %get3A_177[%get3A_178, %get3A_179] {strides = array<i32>} : memref<32x1000xf32, #tpu.memory_space<vmem>>, vector<1x16xf32>,
      %get3A_181 = vector.shape_cast %get3A_180 : vector<1x16xf32> to vector<16xf32>
      %add3A_182 = arith.constant 976 : i32
      %add3A_183 = vector.broadcast %add3A_182 : i32 to vector<16xi32>
      %add3A_184 = arith.addi %iota3A, %add3A_183 : vector<16xi32>
      %gt3A_185 = arith.cmpf ogt, %get3A_181, %select_n3A : vector<16xf32>
      %select_n3A_186 = arith.select %gt3A_185, %get3A_181, %select_n3A : vector<16xi1>, vector<16xf32>
      %select_n3A_187 = arith.select %gt3A_185, %add3A_184, %select_n3A_173 : vector<16xi1>, vector<16xi32>
      %get3A_188 = arith.constant 0 : i32
      %get3A_189 = arith.constant 0 : i32
      %get3A_190 = tpu.memref_slice %arg4[%scan3A_81, %get3A_188, %get3A_189] : memref<2x32x1000xf32, #tpu.memory_space<vmem>> -> memref<1x32x1000xf32, #tpu.memory_space<vmem>>
      %get3A_191 = tpu.memref_squeeze %get3A_190 : memref<1x32x1000xf32, #tpu.memory_space<vmem>> -> memref<32x1000xf32, #tpu.memory_space<vmem>>
      %get3A_192 = arith.index_cast %scan3A_152 : i32 to index
      %get3A_193 = arith.constant 984 : index
      %get3A_194 = tpu.vector_load %get3A_191[%get3A_192, %get3A_193] {strides = array<i32>} : memref<32x1000xf32, #tpu.memory_space<vmem>>, vector<1x16xf32>,
      %get3A_195 = vector.shape_cast %get3A_194 : vector<1x16xf32> to vector<16xf32>
      %add3A_196 = arith.constant 984 : i32
      %add3A_197 = vector.broadcast %add3A_196 : i32 to vector<16xi32>
      %add3A_198 = arith.addi %iota3A, %add3A_197 : vector<16xi32>
      %gt3A_199 = arith.cmpf ogt, %get3A_195, %select_n3A_186 : vector<16xf32>
      %select_n3A_200 = arith.select %gt3A_199, %get3A_195, %select_n3A_186 : vector<16xi1>, vector<16xf32>
      %select_n3A_201 = arith.select %gt3A_199, %add3A_198, %select_n3A_187 : vector<16xi1>, vector<16xi32>
      %slice3A = vector.extract_strided_slice %select_n3A_200 {offsets = [0], sizes = [1], strides = [1]} : vector<16xf32> to vector<1xf32>
      %squeeze3A = vector.extract %slice3A[0] : f32 from vector<1xf32>
      %slice3A_202 = vector.extract_strided_slice %select_n3A_201 {offsets = [0], sizes = [1], strides = [1]} : vector<16xi32> to vector<1xi32>
      %squeeze3A_203 = vector.extract %slice3A_202[0] : i32 from vector<1xi32>
      %slice3A_204 = vector.extract_strided_slice %select_n3A_200 {offsets = [1], sizes = [1], strides = [1]} : vector<16xf32> to vector<1xf32>
      %squeeze3A_205 = vector.extract %slice3A_204[0] : f32 from vector<1xf32>
      %slice3A_206 = vector.extract_strided_slice %select_n3A_201 {offsets = [1], sizes = [1], strides = [1]} : vector<16xi32> to vector<1xi32>
      %squeeze3A_207 = vector.extract %slice3A_206[0] : i32 from vector<1xi32>
      %gt3A_208 = arith.cmpf ogt, %squeeze3A_205, %squeeze3A : f32
      %eq3A = arith.cmpf oeq, %squeeze3A_205, %squeeze3A : f32
      %lt3A = arith.cmpi slt, %squeeze3A_207, %squeeze3A_203 : i32
      %and3A = arith.andi %eq3A, %lt3A : i1
      %or3A = arith.ori %gt3A_208, %and3A : i1
      %select_n3A_209 = arith.select %or3A, %squeeze3A_205, %squeeze3A : f32
      %select_n3A_210 = arith.select %or3A, %squeeze3A_207, %squeeze3A_203 : i32
      %slice3A_211 = vector.extract_strided_slice %select_n3A_200 {offsets = [2], sizes = [1], strides = [1]} : vector<16xf32> to vector<1xf32>
      %squeeze3A_212 = vector.extract %slice3A_211[0] : f32 from vector<1xf32>
      %slice3A_213 = vector.extract_strided_slice %select_n3A_201 {offsets = [2], sizes = [1], strides = [1]} : vector<16xi32> to vector<1xi32>
      %squeeze3A_214 = vector.extract %slice3A_213[0] : i32 from vector<1xi32>
      %gt3A_215 = arith.cmpf ogt, %squeeze3A_212, %select_n3A_209 : f32
      %eq3A_216 = arith.cmpf oeq, %squeeze3A_212, %select_n3A_209 : f32
      %lt3A_217 = arith.cmpi slt, %squeeze3A_214, %select_n3A_210 : i32
      %and3A_218 = arith.andi %eq3A_216, %lt3A_217 : i1
      %or3A_219 = arith.ori %gt3A_215, %and3A_218 : i1
      %select_n3A_220 = arith.select %or3A_219, %squeeze3A_212, %select_n3A_209 : f32
      %select_n3A_221 = arith.select %or3A_219, %squeeze3A_214, %select_n3A_210 : i32
      %slice3A_222 = vector.extract_strided_slice %select_n3A_200 {offsets = [3], sizes = [1], strides = [1]} : vector<16xf32> to vector<1xf32>
      %squeeze3A_223 = vector.extract %slice3A_222[0] : f32 from vector<1xf32>
      %slice3A_224 = vector.extract_strided_slice %select_n3A_201 {offsets = [3], sizes = [1], strides = [1]} : vector<16xi32> to vector<1xi32>
      %squeeze3A_225 = vector.extract %slice3A_224[0] : i32 from vector<1xi32>
      %gt3A_226 = arith.cmpf ogt, %squeeze3A_223, %select_n3A_220 : f32
      %eq3A_227 = arith.cmpf oeq, %squeeze3A_223, %select_n3A_220 : f32
      %lt3A_228 = arith.cmpi slt, %squeeze3A_225, %select_n3A_221 : i32
      %and3A_229 = arith.andi %eq3A_227, %lt3A_228 : i1
      %or3A_230 = arith.ori %gt3A_226, %and3A_229 : i1
      %select_n3A_231 = arith.select %or3A_230, %squeeze3A_223, %select_n3A_220 : f32
      %select_n3A_232 = arith.select %or3A_230, %squeeze3A_225, %select_n3A_221 : i32
      %slice3A_233 = vector.extract_strided_slice %select_n3A_200 {offsets = [4], sizes = [1], strides = [1]} : vector<16xf32> to vector<1xf32>
      %squeeze3A_234 = vector.extract %slice3A_233[0] : f32 from vector<1xf32>
      %slice3A_235 = vector.extract_strided_slice %select_n3A_201 {offsets = [4], sizes = [1], strides = [1]} : vector<16xi32> to vector<1xi32>
      %squeeze3A_236 = vector.extract %slice3A_235[0] : i32 from vector<1xi32>
      %gt3A_237 = arith.cmpf ogt, %squeeze3A_234, %select_n3A_231 : f32
      %eq3A_238 = arith.cmpf oeq, %squeeze3A_234, %select_n3A_231 : f32
      %lt3A_239 = arith.cmpi slt, %squeeze3A_236, %select_n3A_232 : i32
      %and3A_240 = arith.andi %eq3A_238, %lt3A_239 : i1
      %or3A_241 = arith.ori %gt3A_237, %and3A_240 : i1
      %select_n3A_242 = arith.select %or3A_241, %squeeze3A_234, %select_n3A_231 : f32
      %select_n3A_243 = arith.select %or3A_241, %squeeze3A_236, %select_n3A_232 : i32
      %slice3A_244 = vector.extract_strided_slice %select_n3A_200 {offsets = [5], sizes = [1], strides = [1]} : vector<16xf32> to vector<1xf32>
      %squeeze3A_245 = vector.extract %slice3A_244[0] : f32 from vector<1xf32>
      %slice3A_246 = vector.extract_strided_slice %select_n3A_201 {offsets = [5], sizes = [1], strides = [1]} : vector<16xi32> to vector<1xi32>
      %squeeze3A_247 = vector.extract %slice3A_246[0] : i32 from vector<1xi32>
      %gt3A_248 = arith.cmpf ogt, %squeeze3A_245, %select_n3A_242 : f32
      %eq3A_249 = arith.cmpf oeq, %squeeze3A_245, %select_n3A_242 : f32
      %lt3A_250 = arith.cmpi slt, %squeeze3A_247, %select_n3A_243 : i32
      %and3A_251 = arith.andi %eq3A_249, %lt3A_250 : i1
      %or3A_252 = arith.ori %gt3A_248, %and3A_251 : i1
      %select_n3A_253 = arith.select %or3A_252, %squeeze3A_245, %select_n3A_242 : f32
      %select_n3A_254 = arith.select %or3A_252, %squeeze3A_247, %select_n3A_243 : i32
      %slice3A_255 = vector.extract_strided_slice %select_n3A_200 {offsets = [6], sizes = [1], strides = [1]} : vector<16xf32> to vector<1xf32>
      %squeeze3A_256 = vector.extract %slice3A_255[0] : f32 from vector<1xf32>
      %slice3A_257 = vector.extract_strided_slice %select_n3A_201 {offsets = [6], sizes = [1], strides = [1]} : vector<16xi32> to vector<1xi32>
      %squeeze3A_258 = vector.extract %slice3A_257[0] : i32 from vector<1xi32>
      %gt3A_259 = arith.cmpf ogt, %squeeze3A_256, %select_n3A_253 : f32
      %eq3A_260 = arith.cmpf oeq, %squeeze3A_256, %select_n3A_253 : f32
      %lt3A_261 = arith.cmpi slt, %squeeze3A_258, %select_n3A_254 : i32
      %and3A_262 = arith.andi %eq3A_260, %lt3A_261 : i1
      %or3A_263 = arith.ori %gt3A_259, %and3A_262 : i1
      %select_n3A_264 = arith.select %or3A_263, %squeeze3A_256, %select_n3A_253 : f32
      %select_n3A_265 = arith.select %or3A_263, %squeeze3A_258, %select_n3A_254 : i32
      %slice3A_266 = vector.extract_strided_slice %select_n3A_200 {offsets = [7], sizes = [1], strides = [1]} : vector<16xf32> to vector<1xf32>
      %squeeze3A_267 = vector.extract %slice3A_266[0] : f32 from vector<1xf32>
      %slice3A_268 = vector.extract_strided_slice %select_n3A_201 {offsets = [7], sizes = [1], strides = [1]} : vector<16xi32> to vector<1xi32>
      %squeeze3A_269 = vector.extract %slice3A_268[0] : i32 from vector<1xi32>
      %gt3A_270 = arith.cmpf ogt, %squeeze3A_267, %select_n3A_264 : f32
      %eq3A_271 = arith.cmpf oeq, %squeeze3A_267, %select_n3A_264 : f32
      %lt3A_272 = arith.cmpi slt, %squeeze3A_269, %select_n3A_265 : i32
      %and3A_273 = arith.andi %eq3A_271, %lt3A_272 : i1
      %or3A_274 = arith.ori %gt3A_270, %and3A_273 : i1
      %select_n3A_275 = arith.select %or3A_274, %squeeze3A_267, %select_n3A_264 : f32
      %select_n3A_276 = arith.select %or3A_274, %squeeze3A_269, %select_n3A_265 : i32
      %slice3A_277 = vector.extract_strided_slice %select_n3A_200 {offsets = [8], sizes = [1], strides = [1]} : vector<16xf32> to vector<1xf32>
      %squeeze3A_278 = vector.extract %slice3A_277[0] : f32 from vector<1xf32>
      %slice3A_279 = vector.extract_strided_slice %select_n3A_201 {offsets = [8], sizes = [1], strides = [1]} : vector<16xi32> to vector<1xi32>
      %squeeze3A_280 = vector.extract %slice3A_279[0] : i32 from vector<1xi32>
      %gt3A_281 = arith.cmpf ogt, %squeeze3A_278, %select_n3A_275 : f32
      %eq3A_282 = arith.cmpf oeq, %squeeze3A_278, %select_n3A_275 : f32
      %lt3A_283 = arith.cmpi slt, %squeeze3A_280, %select_n3A_276 : i32
      %and3A_284 = arith.andi %eq3A_282, %lt3A_283 : i1
      %or3A_285 = arith.ori %gt3A_281, %and3A_284 : i1
      %select_n3A_286 = arith.select %or3A_285, %squeeze3A_278, %select_n3A_275 : f32
      %select_n3A_287 = arith.select %or3A_285, %squeeze3A_280, %select_n3A_276 : i32
      %slice3A_288 = vector.extract_strided_slice %select_n3A_200 {offsets = [9], sizes = [1], strides = [1]} : vector<16xf32> to vector<1xf32>
      %squeeze3A_289 = vector.extract %slice3A_288[0] : f32 from vector<1xf32>
      %slice3A_290 = vector.extract_strided_slice %select_n3A_201 {offsets = [9], sizes = [1], strides = [1]} : vector<16xi32> to vector<1xi32>
      %squeeze3A_291 = vector.extract %slice3A_290[0] : i32 from vector<1xi32>
      %gt3A_292 = arith.cmpf ogt, %squeeze3A_289, %select_n3A_286 : f32
      %eq3A_293 = arith.cmpf oeq, %squeeze3A_289, %select_n3A_286 : f32
      %lt3A_294 = arith.cmpi slt, %squeeze3A_291, %select_n3A_287 : i32
      %and3A_295 = arith.andi %eq3A_293, %lt3A_294 : i1
      %or3A_296 = arith.ori %gt3A_292, %and3A_295 : i1
      %select_n3A_297 = arith.select %or3A_296, %squeeze3A_289, %select_n3A_286 : f32
      %select_n3A_298 = arith.select %or3A_296, %squeeze3A_291, %select_n3A_287 : i32
      %slice3A_299 = vector.extract_strided_slice %select_n3A_200 {offsets = [10], sizes = [1], strides = [1]} : vector<16xf32> to vector<1xf32>
      %squeeze3A_300 = vector.extract %slice3A_299[0] : f32 from vector<1xf32>
      %slice3A_301 = vector.extract_strided_slice %select_n3A_201 {offsets = [10], sizes = [1], strides = [1]} : vector<16xi32> to vector<1xi32>
      %squeeze3A_302 = vector.extract %slice3A_301[0] : i32 from vector<1xi32>
      %gt3A_303 = arith.cmpf ogt, %squeeze3A_300, %select_n3A_297 : f32
      %eq3A_304 = arith.cmpf oeq, %squeeze3A_300, %select_n3A_297 : f32
      %lt3A_305 = arith.cmpi slt, %squeeze3A_302, %select_n3A_298 : i32
      %and3A_306 = arith.andi %eq3A_304, %lt3A_305 : i1
      %or3A_307 = arith.ori %gt3A_303, %and3A_306 : i1
      %select_n3A_308 = arith.select %or3A_307, %squeeze3A_300, %select_n3A_297 : f32
      %select_n3A_309 = arith.select %or3A_307, %squeeze3A_302, %select_n3A_298 : i32
      %slice3A_310 = vector.extract_strided_slice %select_n3A_200 {offsets = [11], sizes = [1], strides = [1]} : vector<16xf32> to vector<1xf32>
      %squeeze3A_311 = vector.extract %slice3A_310[0] : f32 from vector<1xf32>
      %slice3A_312 = vector.extract_strided_slice %select_n3A_201 {offsets = [11], sizes = [1], strides = [1]} : vector<16xi32> to vector<1xi32>
      %squeeze3A_313 = vector.extract %slice3A_312[0] : i32 from vector<1xi32>
      %gt3A_314 = arith.cmpf ogt, %squeeze3A_311, %select_n3A_308 : f32
      %eq3A_315 = arith.cmpf oeq, %squeeze3A_311, %select_n3A_308 : f32
      %lt3A_316 = arith.cmpi slt, %squeeze3A_313, %select_n3A_309 : i32
      %and3A_317 = arith.andi %eq3A_315, %lt3A_316 : i1
      %or3A_318 = arith.ori %gt3A_314, %and3A_317 : i1
      %select_n3A_319 = arith.select %or3A_318, %squeeze3A_311, %select_n3A_308 : f32
      %select_n3A_320 = arith.select %or3A_318, %squeeze3A_313, %select_n3A_309 : i32
      %slice3A_321 = vector.extract_strided_slice %select_n3A_200 {offsets = [12], sizes = [1], strides = [1]} : vector<16xf32> to vector<1xf32>
      %squeeze3A_322 = vector.extract %slice3A_321[0] : f32 from vector<1xf32>
      %slice3A_323 = vector.extract_strided_slice %select_n3A_201 {offsets = [12], sizes = [1], strides = [1]} : vector<16xi32> to vector<1xi32>
      %squeeze3A_324 = vector.extract %slice3A_323[0] : i32 from vector<1xi32>
      %gt3A_325 = arith.cmpf ogt, %squeeze3A_322, %select_n3A_319 : f32
      %eq3A_326 = arith.cmpf oeq, %squeeze3A_322, %select_n3A_319 : f32
      %lt3A_327 = arith.cmpi slt, %squeeze3A_324, %select_n3A_320 : i32
      %and3A_328 = arith.andi %eq3A_326, %lt3A_327 : i1
      %or3A_329 = arith.ori %gt3A_325, %and3A_328 : i1
      %select_n3A_330 = arith.select %or3A_329, %squeeze3A_322, %select_n3A_319 : f32
      %select_n3A_331 = arith.select %or3A_329, %squeeze3A_324, %select_n3A_320 : i32
      %slice3A_332 = vector.extract_strided_slice %select_n3A_200 {offsets = [13], sizes = [1], strides = [1]} : vector<16xf32> to vector<1xf32>
      %squeeze3A_333 = vector.extract %slice3A_332[0] : f32 from vector<1xf32>
      %slice3A_334 = vector.extract_strided_slice %select_n3A_201 {offsets = [13], sizes = [1], strides = [1]} : vector<16xi32> to vector<1xi32>
      %squeeze3A_335 = vector.extract %slice3A_334[0] : i32 from vector<1xi32>
      %gt3A_336 = arith.cmpf ogt, %squeeze3A_333, %select_n3A_330 : f32
      %eq3A_337 = arith.cmpf oeq, %squeeze3A_333, %select_n3A_330 : f32
      %lt3A_338 = arith.cmpi slt, %squeeze3A_335, %select_n3A_331 : i32
      %and3A_339 = arith.andi %eq3A_337, %lt3A_338 : i1
      %or3A_340 = arith.ori %gt3A_336, %and3A_339 : i1
      %select_n3A_341 = arith.select %or3A_340, %squeeze3A_333, %select_n3A_330 : f32
      %select_n3A_342 = arith.select %or3A_340, %squeeze3A_335, %select_n3A_331 : i32
      %slice3A_343 = vector.extract_strided_slice %select_n3A_200 {offsets = [14], sizes = [1], strides = [1]} : vector<16xf32> to vector<1xf32>
      %squeeze3A_344 = vector.extract %slice3A_343[0] : f32 from vector<1xf32>
      %slice3A_345 = vector.extract_strided_slice %select_n3A_201 {offsets = [14], sizes = [1], strides = [1]} : vector<16xi32> to vector<1xi32>
      %squeeze3A_346 = vector.extract %slice3A_345[0] : i32 from vector<1xi32>
      %gt3A_347 = arith.cmpf ogt, %squeeze3A_344, %select_n3A_341 : f32
      %eq3A_348 = arith.cmpf oeq, %squeeze3A_344, %select_n3A_341 : f32
      %lt3A_349 = arith.cmpi slt, %squeeze3A_346, %select_n3A_342 : i32
      %and3A_350 = arith.andi %eq3A_348, %lt3A_349 : i1
      %or3A_351 = arith.ori %gt3A_347, %and3A_350 : i1
      %select_n3A_352 = arith.select %or3A_351, %squeeze3A_344, %select_n3A_341 : f32
      %select_n3A_353 = arith.select %or3A_351, %squeeze3A_346, %select_n3A_342 : i32
      %slice3A_354 = vector.extract_strided_slice %select_n3A_200 {offsets = [15], sizes = [1], strides = [1]} : vector<16xf32> to vector<1xf32>
      %squeeze3A_355 = vector.extract %slice3A_354[0] : f32 from vector<1xf32>
      %slice3A_356 = vector.extract_strided_slice %select_n3A_201 {offsets = [15], sizes = [1], strides = [1]} : vector<16xi32> to vector<1xi32>
      %squeeze3A_357 = vector.extract %slice3A_356[0] : i32 from vector<1xi32>
      %gt3A_358 = arith.cmpf ogt, %squeeze3A_355, %select_n3A_352 : f32
      %eq3A_359 = arith.cmpf oeq, %squeeze3A_355, %select_n3A_352 : f32
      %lt3A_360 = arith.cmpi slt, %squeeze3A_357, %select_n3A_353 : i32
      %and3A_361 = arith.andi %eq3A_359, %lt3A_360 : i1
      %or3A_362 = arith.ori %gt3A_358, %and3A_361 : i1
      %select_n3A_363 = arith.select %or3A_362, %squeeze3A_355, %select_n3A_352 : f32
      %select_n3A_364 = arith.select %or3A_362, %squeeze3A_357, %select_n3A_353 : i32
      %broadcast_in_dim3A_365 = vector.broadcast %select_n3A_364 : i32 to vector<16xi32>
      %swap3A = arith.index_cast %scan3A_152 : i32 to index
      %swap3A_366 = arith.constant 0 : index
      %swap3A_367 = tpu.vector_load %arg5[%swap3A, %swap3A_366] {strides = array<i32>} : memref<32x128xi32, #tpu.memory_space<vmem>>, vector<1x16xi32>,
      %swap3A_368 = vector.shape_cast %swap3A_367 : vector<1x16xi32> to vector<16xi32>
      %swap3A_369 = vector.shape_cast %broadcast_in_dim3A_365 : vector<16xi32> to vector<1x16xi32>
      tpu.vector_store %arg5[%swap3A, %swap3A_366], %swap3A_369 {strides = array<i32>} : memref<32x128xi32, #tpu.memory_space<vmem>>, vector<1x16xi32>,
      %swap3A_370 = arith.index_cast %scan3A_152 : i32 to index
      %swap3A_371 = arith.constant 16 : index
      %swap3A_372 = tpu.vector_load %arg5[%swap3A_370, %swap3A_371] {strides = array<i32>} : memref<32x128xi32, #tpu.memory_space<vmem>>, vector<1x16xi32>,
      %swap3A_373 = vector.shape_cast %swap3A_372 : vector<1x16xi32> to vector<16xi32>
      %swap3A_374 = vector.shape_cast %broadcast_in_dim3A_365 : vector<16xi32> to vector<1x16xi32>
      tpu.vector_store %arg5[%swap3A_370, %swap3A_371], %swap3A_374 {strides = array<i32>} : memref<32x128xi32, #tpu.memory_space<vmem>>, vector<1x16xi32>,
      %swap3A_375 = arith.index_cast %scan3A_152 : i32 to index
      %swap3A_376 = arith.constant 32 : index
      %swap3A_377 = tpu.vector_load %arg5[%swap3A_375, %swap3A_376] {strides = array<i32>} : memref<32x128xi32, #tpu.memory_space<vmem>>, vector<1x16xi32>,
      %swap3A_378 = vector.shape_cast %swap3A_377 : vector<1x16xi32> to vector<16xi32>
      %swap3A_379 = vector.shape_cast %broadcast_in_dim3A_365 : vector<16xi32> to vector<1x16xi32>
      tpu.vector_store %arg5[%swap3A_375, %swap3A_376], %swap3A_379 {strides = array<i32>} : memref<32x128xi32, #tpu.memory_space<vmem>>, vector<1x16xi32>,
      %swap3A_380 = arith.index_cast %scan3A_152 : i32 to index
      %swap3A_381 = arith.constant 48 : index
      %swap3A_382 = tpu.vector_load %arg5[%swap3A_380, %swap3A_381] {strides = array<i32>} : memref<32x128xi32, #tpu.memory_space<vmem>>, vector<1x16xi32>,
      %swap3A_383 = vector.shape_cast %swap3A_382 : vector<1x16xi32> to vector<16xi32>
      %swap3A_384 = vector.shape_cast %broadcast_in_dim3A_365 : vector<16xi32> to vector<1x16xi32>
      tpu.vector_store %arg5[%swap3A_380, %swap3A_381], %swap3A_384 {strides = array<i32>} : memref<32x128xi32, #tpu.memory_space<vmem>>, vector<1x16xi32>,
      %swap3A_385 = arith.index_cast %scan3A_152 : i32 to index
      %swap3A_386 = arith.constant 64 : index
      %swap3A_387 = tpu.vector_load %arg5[%swap3A_385, %swap3A_386] {strides = array<i32>} : memref<32x128xi32, #tpu.memory_space<vmem>>, vector<1x16xi32>,
      %swap3A_388 = vector.shape_cast %swap3A_387 : vector<1x16xi32> to vector<16xi32>
      %swap3A_389 = vector.shape_cast %broadcast_in_dim3A_365 : vector<16xi32> to vector<1x16xi32>
      tpu.vector_store %arg5[%swap3A_385, %swap3A_386], %swap3A_389 {strides = array<i32>} : memref<32x128xi32, #tpu.memory_space<vmem>>, vector<1x16xi32>,
      %swap3A_390 = arith.index_cast %scan3A_152 : i32 to index
      %swap3A_391 = arith.constant 80 : index
      %swap3A_392 = tpu.vector_load %arg5[%swap3A_390, %swap3A_391] {strides = array<i32>} : memref<32x128xi32, #tpu.memory_space<vmem>>, vector<1x16xi32>,
      %swap3A_393 = vector.shape_cast %swap3A_392 : vector<1x16xi32> to vector<16xi32>
      %swap3A_394 = vector.shape_cast %broadcast_in_dim3A_365 : vector<16xi32> to vector<1x16xi32>
      tpu.vector_store %arg5[%swap3A_390, %swap3A_391], %swap3A_394 {strides = array<i32>} : memref<32x128xi32, #tpu.memory_space<vmem>>, vector<1x16xi32>,
      %swap3A_395 = arith.index_cast %scan3A_152 : i32 to index
      %swap3A_396 = arith.constant 96 : index
      %swap3A_397 = tpu.vector_load %arg5[%swap3A_395, %swap3A_396] {strides = array<i32>} : memref<32x128xi32, #tpu.memory_space<vmem>>, vector<1x16xi32>,
      %swap3A_398 = vector.shape_cast %swap3A_397 : vector<1x16xi32> to vector<16xi32>
      %swap3A_399 = vector.shape_cast %broadcast_in_dim3A_365 : vector<16xi32> to vector<1x16xi32>
      tpu.vector_store %arg5[%swap3A_395, %swap3A_396], %swap3A_399 {strides = array<i32>} : memref<32x128xi32, #tpu.memory_space<vmem>>, vector<1x16xi32>,
      %swap3A_400 = arith.index_cast %scan3A_152 : i32 to index
      %swap3A_401 = arith.constant 112 : index
      %swap3A_402 = tpu.vector_load %arg5[%swap3A_400, %swap3A_401] {strides = array<i32>} : memref<32x128xi32, #tpu.memory_space<vmem>>, vector<1x16xi32>,
      %swap3A_403 = vector.shape_cast %swap3A_402 : vector<1x16xi32> to vector<16xi32>
      %swap3A_404 = vector.shape_cast %broadcast_in_dim3A_365 : vector<16xi32> to vector<1x16xi32>
      tpu.vector_store %arg5[%swap3A_400, %swap3A_401], %swap3A_404 {strides = array<i32>} : memref<32x128xi32, #tpu.memory_space<vmem>>, vector<1x16xi32>,
      %scan3A_405 = arith.constant 0 : i32
      scf.yield %scan3A_405 : i32
    }
    %scan3A_88 = arith.constant 32 : i32
    %add3A_89 = arith.constant 32 : i32
    %add3A_90 = arith.addi %mul3A_2, %add3A_89 : i32
    "tpu.region"() ({
      %run_scoped3A = tpu.sem_alloc : memref<!tpu.dma_semaphore, #tpu.memory_space<semaphore_mem>>
      %dma_start3A_152 = arith.constant 0 : i32
      %dma_start3A_153 = tpu.memref_slice %arg3[%add3A_90, %dma_start3A_152] : memref<4096x128xi32, #tpu.memory_space<hbm>> -> memref<32x128xi32, #tpu.memory_space<hbm>>
      %dma_start3A_154 = arith.constant 0 : i32
      %dma_start3A_155 = tpu.memref_slice %arg3[%add3A_90, %dma_start3A_154] : memref<4096x128xi32, #tpu.memory_space<hbm>> -> memref<32x128xi32, #tpu.memory_space<hbm>>
      tpu.enqueue_dma source(%arg5 : memref<32x128xi32, #tpu.memory_space<vmem>>) target(%dma_start3A_155 : memref<32x128xi32, #tpu.memory_space<hbm>>) target_semaphore(%run_scoped3A : memref<!tpu.dma_semaphore, #tpu.memory_space<semaphore_mem>>)
      %dma_wait3A_156 = arith.constant 0 : i32
      %dma_wait3A_157 = tpu.memref_slice %arg3[%add3A_90, %dma_wait3A_156] : memref<4096x128xi32, #tpu.memory_space<hbm>> -> memref<32x128xi32, #tpu.memory_space<hbm>>
      %dma_wait3A_158 = arith.constant 0 : i32
      %dma_wait3A_159 = tpu.memref_slice %arg3[%add3A_90, %dma_wait3A_158] : memref<4096x128xi32, #tpu.memory_space<hbm>> -> memref<32x128xi32, #tpu.memory_space<hbm>>
      tpu.wait_dma2 semaphore(%run_scoped3A : memref<!tpu.dma_semaphore, #tpu.memory_space<semaphore_mem>>) src(%arg5 : memref<32x128xi32, #tpu.memory_space<vmem>>) dst(%dma_wait3A_159 : memref<32x128xi32, #tpu.memory_space<hbm>>)
      tpu.yield
    }) : () -> ()
    %add3A_91 = arith.constant 96 : i32
    %add3A_92 = arith.addi %mul3A_2, %add3A_91 : i32
    %dma_start3A_93 = arith.constant 1 : i32
    %dma_start3A_94 = arith.constant 0 : i32
    %dma_start3A_95 = arith.constant 0 : i32
    %dma_start3A_96 = tpu.memref_slice %arg4[%dma_start3A_93, %dma_start3A_94, %dma_start3A_95] : memref<2x32x1000xf32, #tpu.memory_space<vmem>> -> memref<1x32x1000xf32, #tpu.memory_space<vmem>>
    %dma_start3A_97 = tpu.memref_squeeze %dma_start3A_96 : memref<1x32x1000xf32, #tpu.memory_space<vmem>> -> memref<32x1000xf32, #tpu.memory_space<vmem>>
    %dma_start3A_98 = arith.constant 0 : i32
    %dma_start3A_99 = tpu.memref_slice %arg2[%add3A_92, %dma_start3A_98] : memref<4096x1000xf32, #tpu.memory_space<hbm>> -> memref<32x1000xf32, #tpu.memory_space<hbm>>
    %dma_start3A_100 = arith.constant 0 : i32
    %dma_start3A_101 = arith.constant 0 : i32
    %dma_start3A_102 = tpu.memref_slice %arg4[%dma_start3A_93, %dma_start3A_100, %dma_start3A_101] : memref<2x32x1000xf32, #tpu.memory_space<vmem>> -> memref<1x32x1000xf32, #tpu.memory_space<vmem>>
    %dma_start3A_103 = tpu.memref_squeeze %dma_start3A_102 : memref<1x32x1000xf32, #tpu.memory_space<vmem>> -> memref<32x1000xf32, #tpu.memory_space<vmem>>
    %dma_start3A_104 = arith.constant 0 : i32
    %dma_start3A_105 = tpu.memref_slice %arg2[%add3A_92, %dma_start3A_104] : memref<4096x1000xf32, #tpu.memory_space<hbm>> -> memref<32x1000xf32, #tpu.memory_space<hbm>>
    tpu.enqueue_dma source(%dma_start3A_105 : memref<32x1000xf32, #tpu.memory_space<hbm>>) target(%dma_start3A_103 : memref<32x1000xf32, #tpu.memory_space<vmem>>) target_semaphore(%arg7 : memref<!tpu.dma_semaphore, #tpu.memory_space<semaphore_mem>>)
    %dma_wait3A_106 = arith.constant 0 : i32
    %dma_wait3A_107 = arith.constant 0 : i32
    %dma_wait3A_108 = arith.constant 0 : i32
    %dma_wait3A_109 = tpu.memref_slice %arg4[%dma_wait3A_106, %dma_wait3A_107, %dma_wait3A_108] : memref<2x32x1000xf32, #tpu.memory_space<vmem>> -> memref<1x32x1000xf32, #tpu.memory_space<vmem>>
    %dma_wait3A_110 = tpu.memref_squeeze %dma_wait3A_109 : memref<1x32x1000xf32, #tpu.memory_space<vmem>> -> memref<32x1000xf32, #tpu.memory_space<vmem>>
    %dma_wait3A_111 = arith.constant 0 : i32
    %dma_wait3A_112 = tpu.memref_slice %arg2[%add3A_54, %dma_wait3A_111] : memref<4096x1000xf32, #tpu.memory_space<hbm>> -> memref<32x1000xf32, #tpu.memory_space<hbm>>
    %dma_wait3A_113 = arith.constant 0 : i32
    %dma_wait3A_114 = arith.constant 0 : i32
    %dma_wait3A_115 = tpu.memref_slice %arg4[%dma_wait3A_106, %dma_wait3A_113, %dma_wait3A_114] : memref<2x32x1000xf32, #tpu.memory_space<vmem>> -> memref<1x32x1000xf32, #tpu.memory_space<vmem>>
    %dma_wait3A_116 = tpu.memref_squeeze %dma_wait3A_115 : memref<1x32x1000xf32, #tpu.memory_space<vmem>> -> memref<32x1000xf32, #tpu.memory_space<vmem>>
    %dma_wait3A_117 = arith.constant 0 : i32
    %dma_wait3A_118 = tpu.memref_slice %arg2[%add3A_54, %dma_wait3A_117] : memref<4096x1000xf32, #tpu.memory_space<hbm>> -> memref<32x1000xf32, #tpu.memory_space<hbm>>
    tpu.wait_dma2 semaphore(%arg6 : memref<!tpu.dma_semaphore, #tpu.memory_space<semaphore_mem>>) src(%dma_wait3A_118 : memref<32x1000xf32, #tpu.memory_space<hbm>>) dst(%dma_wait3A_116 : memref<32x1000xf32, #tpu.memory_space<vmem>>)
    %scan3A_119 = arith.constant 0 : i32
    %scan3A_120 = arith.constant 0 : i32
    %scan3A_121 = arith.constant 0 : i32
    %scan3A_122 = arith.constant 32 : i32
    %scan3A_123 = arith.addi %scan3A_121, %scan3A_122 : i32
    %scan3A_124 = arith.constant 1 : i32
    %scan3A_125 = scf.for %scan3A_152 = %scan3A_121 to %scan3A_123 step %scan3A_124 iter_args(%scan3A_153 = %scan3A_120) -> (i32)  : i32 {
      %broadcast_in_dim3A = arith.constant 0xFF800000 : f32
      %broadcast_in_dim3A_154 = vector.broadcast %broadcast_in_dim3A : f32 to vector<16xf32>
      %broadcast_in_dim3A_155 = arith.constant 0 : i32
      %broadcast_in_dim3A_156 = vector.broadcast %broadcast_in_dim3A_155 : i32 to vector<16xi32>
      %scan3A_157 = arith.constant 0 : i32
      %scan3A_158 = arith.constant 15 : i32
      %scan3A_159 = arith.addi %scan3A_157, %scan3A_158 : i32
      %scan3A_160 = arith.constant 1 : i32
      %scan3A_161:2 = scf.for %scan3A_406 = %scan3A_157 to %scan3A_159 step %scan3A_160 iter_args(%scan3A_407 = %broadcast_in_dim3A_154, %scan3A_408 = %broadcast_in_dim3A_156) -> (vector<16xf32>, vector<16xi32>)  : i32 {
        %mul3A_409 = arith.constant 64 : i32
        %mul3A_410 = arith.muli %scan3A_406, %mul3A_409 : i32
        %add3A_411 = arith.constant 0 : i32
        %add3A_412 = arith.addi %mul3A_410, %add3A_411 : i32
        %get3A_413 = arith.constant 0 : i32
        %get3A_414 = arith.constant 0 : i32
        %get3A_415 = tpu.memref_slice %arg4[%scan3A_119, %get3A_413, %get3A_414] : memref<2x32x1000xf32, #tpu.memory_space<vmem>> -> memref<1x32x1000xf32, #tpu.memory_space<vmem>>
        %get3A_416 = tpu.memref_squeeze %get3A_415 : memref<1x32x1000xf32, #tpu.memory_space<vmem>> -> memref<32x1000xf32, #tpu.memory_space<vmem>>
        %get3A_417 = arith.index_cast %scan3A_152 : i32 to index
        %get3A_418 = arith.index_cast %add3A_412 : i32 to index
        %get3A_419 = tpu.vector_load %get3A_416[%get3A_417, %get3A_418] {strides = array<i32>} : memref<32x1000xf32, #tpu.memory_space<vmem>>, vector<1x16xf32>,
        %get3A_420 = vector.shape_cast %get3A_419 : vector<1x16xf32> to vector<16xf32>
        %add3A_421 = vector.broadcast %add3A_412 : i32 to vector<16xi32>
        %add3A_422 = arith.addi %iota3A, %add3A_421 : vector<16xi32>
        %gt3A_423 = arith.cmpf ogt, %get3A_420, %scan3A_407 : vector<16xf32>
        %select_n3A_424 = arith.select %gt3A_423, %get3A_420, %scan3A_407 : vector<16xi1>, vector<16xf32>
        %select_n3A_425 = arith.select %gt3A_423, %add3A_422, %scan3A_408 : vector<16xi1>, vector<16xi32>
        %mul3A_426 = arith.constant 64 : i32
        %mul3A_427 = arith.muli %scan3A_406, %mul3A_426 : i32
        %add3A_428 = arith.constant 16 : i32
        %add3A_429 = arith.addi %mul3A_427, %add3A_428 : i32
        %get3A_430 = arith.constant 0 : i32
        %get3A_431 = arith.constant 0 : i32
        %get3A_432 = tpu.memref_slice %arg4[%scan3A_119, %get3A_430, %get3A_431] : memref<2x32x1000xf32, #tpu.memory_space<vmem>> -> memref<1x32x1000xf32, #tpu.memory_space<vmem>>
        %get3A_433 = tpu.memref_squeeze %get3A_432 : memref<1x32x1000xf32, #tpu.memory_space<vmem>> -> memref<32x1000xf32, #tpu.memory_space<vmem>>
        %get3A_434 = arith.index_cast %scan3A_152 : i32 to index
        %get3A_435 = arith.index_cast %add3A_429 : i32 to index
        %get3A_436 = tpu.vector_load %get3A_433[%get3A_434, %get3A_435] {strides = array<i32>} : memref<32x1000xf32, #tpu.memory_space<vmem>>, vector<1x16xf32>,
        %get3A_437 = vector.shape_cast %get3A_436 : vector<1x16xf32> to vector<16xf32>
        %add3A_438 = vector.broadcast %add3A_429 : i32 to vector<16xi32>
        %add3A_439 = arith.addi %iota3A, %add3A_438 : vector<16xi32>
        %gt3A_440 = arith.cmpf ogt, %get3A_437, %select_n3A_424 : vector<16xf32>
        %select_n3A_441 = arith.select %gt3A_440, %get3A_437, %select_n3A_424 : vector<16xi1>, vector<16xf32>
        %select_n3A_442 = arith.select %gt3A_440, %add3A_439, %select_n3A_425 : vector<16xi1>, vector<16xi32>
        %mul3A_443 = arith.constant 64 : i32
        %mul3A_444 = arith.muli %scan3A_406, %mul3A_443 : i32
        %add3A_445 = arith.constant 32 : i32
        %add3A_446 = arith.addi %mul3A_444, %add3A_445 : i32
        %get3A_447 = arith.constant 0 : i32
        %get3A_448 = arith.constant 0 : i32
        %get3A_449 = tpu.memref_slice %arg4[%scan3A_119, %get3A_447, %get3A_448] : memref<2x32x1000xf32, #tpu.memory_space<vmem>> -> memref<1x32x1000xf32, #tpu.memory_space<vmem>>
        %get3A_450 = tpu.memref_squeeze %get3A_449 : memref<1x32x1000xf32, #tpu.memory_space<vmem>> -> memref<32x1000xf32, #tpu.memory_space<vmem>>
        %get3A_451 = arith.index_cast %scan3A_152 : i32 to index
        %get3A_452 = arith.index_cast %add3A_446 : i32 to index
        %get3A_453 = tpu.vector_load %get3A_450[%get3A_451, %get3A_452] {strides = array<i32>} : memref<32x1000xf32, #tpu.memory_space<vmem>>, vector<1x16xf32>,
        %get3A_454 = vector.shape_cast %get3A_453 : vector<1x16xf32> to vector<16xf32>
        %add3A_455 = vector.broadcast %add3A_446 : i32 to vector<16xi32>
        %add3A_456 = arith.addi %iota3A, %add3A_455 : vector<16xi32>
        %gt3A_457 = arith.cmpf ogt, %get3A_454, %select_n3A_441 : vector<16xf32>
        %select_n3A_458 = arith.select %gt3A_457, %get3A_454, %select_n3A_441 : vector<16xi1>, vector<16xf32>
        %select_n3A_459 = arith.select %gt3A_457, %add3A_456, %select_n3A_442 : vector<16xi1>, vector<16xi32>
        %mul3A_460 = arith.constant 64 : i32
        %mul3A_461 = arith.muli %scan3A_406, %mul3A_460 : i32
        %add3A_462 = arith.constant 48 : i32
        %add3A_463 = arith.addi %mul3A_461, %add3A_462 : i32
        %get3A_464 = arith.constant 0 : i32
        %get3A_465 = arith.constant 0 : i32
        %get3A_466 = tpu.memref_slice %arg4[%scan3A_119, %get3A_464, %get3A_465] : memref<2x32x1000xf32, #tpu.memory_space<vmem>> -> memref<1x32x1000xf32, #tpu.memory_space<vmem>>
        %get3A_467 = tpu.memref_squeeze %get3A_466 : memref<1x32x1000xf32, #tpu.memory_space<vmem>> -> memref<32x1000xf32, #tpu.memory_space<vmem>>
        %get3A_468 = arith.index_cast %scan3A_152 : i32 to index
        %get3A_469 = arith.index_cast %add3A_463 : i32 to index
        %get3A_470 = tpu.vector_load %get3A_467[%get3A_468, %get3A_469] {strides = array<i32>} : memref<32x1000xf32, #tpu.memory_space<vmem>>, vector<1x16xf32>,
        %get3A_471 = vector.shape_cast %get3A_470 : vector<1x16xf32> to vector<16xf32>
        %add3A_472 = vector.broadcast %add3A_463 : i32 to vector<16xi32>
        %add3A_473 = arith.addi %iota3A, %add3A_472 : vector<16xi32>
        %gt3A_474 = arith.cmpf ogt, %get3A_471, %select_n3A_458 : vector<16xf32>
        %select_n3A_475 = arith.select %gt3A_474, %get3A_471, %select_n3A_458 : vector<16xi1>, vector<16xf32>
        %select_n3A_476 = arith.select %gt3A_474, %add3A_473, %select_n3A_459 : vector<16xi1>, vector<16xi32>
        scf.yield %select_n3A_475, %select_n3A_476 : vector<16xf32>, vector<16xi32>
      }
      %scan3A_162 = arith.constant 15 : i32
      %get3A = arith.constant 0 : i32
      %get3A_163 = arith.constant 0 : i32
      %get3A_164 = tpu.memref_slice %arg4[%scan3A_119, %get3A, %get3A_163] : memref<2x32x1000xf32, #tpu.memory_space<vmem>> -> memref<1x32x1000xf32, #tpu.memory_space<vmem>>
      %get3A_165 = tpu.memref_squeeze %get3A_164 : memref<1x32x1000xf32, #tpu.memory_space<vmem>> -> memref<32x1000xf32, #tpu.memory_space<vmem>>
      %get3A_166 = arith.index_cast %scan3A_152 : i32 to index
      %get3A_167 = arith.constant 960 : index
      %get3A_168 = tpu.vector_load %get3A_165[%get3A_166, %get3A_167] {strides = array<i32>} : memref<32x1000xf32, #tpu.memory_space<vmem>>, vector<1x16xf32>,
      %get3A_169 = vector.shape_cast %get3A_168 : vector<1x16xf32> to vector<16xf32>
      %add3A_170 = arith.constant 960 : i32
      %add3A_171 = vector.broadcast %add3A_170 : i32 to vector<16xi32>
      %add3A_172 = arith.addi %iota3A, %add3A_171 : vector<16xi32>
      %gt3A = arith.cmpf ogt, %get3A_169, %scan3A_161#0 : vector<16xf32>
      %select_n3A = arith.select %gt3A, %get3A_169, %scan3A_161#0 : vector<16xi1>, vector<16xf32>
      %select_n3A_173 = arith.select %gt3A, %add3A_172, %scan3A_161#1 : vector<16xi1>, vector<16xi32>
      %get3A_174 = arith.constant 0 : i32
      %get3A_175 = arith.constant 0 : i32
      %get3A_176 = tpu.memref_slice %arg4[%scan3A_119, %get3A_174, %get3A_175] : memref<2x32x1000xf32, #tpu.memory_space<vmem>> -> memref<1x32x1000xf32, #tpu.memory_space<vmem>>
      %get3A_177 = tpu.memref_squeeze %get3A_176 : memref<1x32x1000xf32, #tpu.memory_space<vmem>> -> memref<32x1000xf32, #tpu.memory_space<vmem>>
      %get3A_178 = arith.index_cast %scan3A_152 : i32 to index
      %get3A_179 = arith.constant 976 : index
      %get3A_180 = tpu.vector_load %get3A_177[%get3A_178, %get3A_179] {strides = array<i32>} : memref<32x1000xf32, #tpu.memory_space<vmem>>, vector<1x16xf32>,
      %get3A_181 = vector.shape_cast %get3A_180 : vector<1x16xf32> to vector<16xf32>
      %add3A_182 = arith.constant 976 : i32
      %add3A_183 = vector.broadcast %add3A_182 : i32 to vector<16xi32>
      %add3A_184 = arith.addi %iota3A, %add3A_183 : vector<16xi32>
      %gt3A_185 = arith.cmpf ogt, %get3A_181, %select_n3A : vector<16xf32>
      %select_n3A_186 = arith.select %gt3A_185, %get3A_181, %select_n3A : vector<16xi1>, vector<16xf32>
      %select_n3A_187 = arith.select %gt3A_185, %add3A_184, %select_n3A_173 : vector<16xi1>, vector<16xi32>
      %get3A_188 = arith.constant 0 : i32
      %get3A_189 = arith.constant 0 : i32
      %get3A_190 = tpu.memref_slice %arg4[%scan3A_119, %get3A_188, %get3A_189] : memref<2x32x1000xf32, #tpu.memory_space<vmem>> -> memref<1x32x1000xf32, #tpu.memory_space<vmem>>
      %get3A_191 = tpu.memref_squeeze %get3A_190 : memref<1x32x1000xf32, #tpu.memory_space<vmem>> -> memref<32x1000xf32, #tpu.memory_space<vmem>>
      %get3A_192 = arith.index_cast %scan3A_152 : i32 to index
      %get3A_193 = arith.constant 984 : index
      %get3A_194 = tpu.vector_load %get3A_191[%get3A_192, %get3A_193] {strides = array<i32>} : memref<32x1000xf32, #tpu.memory_space<vmem>>, vector<1x16xf32>,
      %get3A_195 = vector.shape_cast %get3A_194 : vector<1x16xf32> to vector<16xf32>
      %add3A_196 = arith.constant 984 : i32
      %add3A_197 = vector.broadcast %add3A_196 : i32 to vector<16xi32>
      %add3A_198 = arith.addi %iota3A, %add3A_197 : vector<16xi32>
      %gt3A_199 = arith.cmpf ogt, %get3A_195, %select_n3A_186 : vector<16xf32>
      %select_n3A_200 = arith.select %gt3A_199, %get3A_195, %select_n3A_186 : vector<16xi1>, vector<16xf32>
      %select_n3A_201 = arith.select %gt3A_199, %add3A_198, %select_n3A_187 : vector<16xi1>, vector<16xi32>
      %slice3A = vector.extract_strided_slice %select_n3A_200 {offsets = [0], sizes = [1], strides = [1]} : vector<16xf32> to vector<1xf32>
      %squeeze3A = vector.extract %slice3A[0] : f32 from vector<1xf32>
      %slice3A_202 = vector.extract_strided_slice %select_n3A_201 {offsets = [0], sizes = [1], strides = [1]} : vector<16xi32> to vector<1xi32>
      %squeeze3A_203 = vector.extract %slice3A_202[0] : i32 from vector<1xi32>
      %slice3A_204 = vector.extract_strided_slice %select_n3A_200 {offsets = [1], sizes = [1], strides = [1]} : vector<16xf32> to vector<1xf32>
      %squeeze3A_205 = vector.extract %slice3A_204[0] : f32 from vector<1xf32>
      %slice3A_206 = vector.extract_strided_slice %select_n3A_201 {offsets = [1], sizes = [1], strides = [1]} : vector<16xi32> to vector<1xi32>
      %squeeze3A_207 = vector.extract %slice3A_206[0] : i32 from vector<1xi32>
      %gt3A_208 = arith.cmpf ogt, %squeeze3A_205, %squeeze3A : f32
      %eq3A = arith.cmpf oeq, %squeeze3A_205, %squeeze3A : f32
      %lt3A = arith.cmpi slt, %squeeze3A_207, %squeeze3A_203 : i32
      %and3A = arith.andi %eq3A, %lt3A : i1
      %or3A = arith.ori %gt3A_208, %and3A : i1
      %select_n3A_209 = arith.select %or3A, %squeeze3A_205, %squeeze3A : f32
      %select_n3A_210 = arith.select %or3A, %squeeze3A_207, %squeeze3A_203 : i32
      %slice3A_211 = vector.extract_strided_slice %select_n3A_200 {offsets = [2], sizes = [1], strides = [1]} : vector<16xf32> to vector<1xf32>
      %squeeze3A_212 = vector.extract %slice3A_211[0] : f32 from vector<1xf32>
      %slice3A_213 = vector.extract_strided_slice %select_n3A_201 {offsets = [2], sizes = [1], strides = [1]} : vector<16xi32> to vector<1xi32>
      %squeeze3A_214 = vector.extract %slice3A_213[0] : i32 from vector<1xi32>
      %gt3A_215 = arith.cmpf ogt, %squeeze3A_212, %select_n3A_209 : f32
      %eq3A_216 = arith.cmpf oeq, %squeeze3A_212, %select_n3A_209 : f32
      %lt3A_217 = arith.cmpi slt, %squeeze3A_214, %select_n3A_210 : i32
      %and3A_218 = arith.andi %eq3A_216, %lt3A_217 : i1
      %or3A_219 = arith.ori %gt3A_215, %and3A_218 : i1
      %select_n3A_220 = arith.select %or3A_219, %squeeze3A_212, %select_n3A_209 : f32
      %select_n3A_221 = arith.select %or3A_219, %squeeze3A_214, %select_n3A_210 : i32
      %slice3A_222 = vector.extract_strided_slice %select_n3A_200 {offsets = [3], sizes = [1], strides = [1]} : vector<16xf32> to vector<1xf32>
      %squeeze3A_223 = vector.extract %slice3A_222[0] : f32 from vector<1xf32>
      %slice3A_224 = vector.extract_strided_slice %select_n3A_201 {offsets = [3], sizes = [1], strides = [1]} : vector<16xi32> to vector<1xi32>
      %squeeze3A_225 = vector.extract %slice3A_224[0] : i32 from vector<1xi32>
      %gt3A_226 = arith.cmpf ogt, %squeeze3A_223, %select_n3A_220 : f32
      %eq3A_227 = arith.cmpf oeq, %squeeze3A_223, %select_n3A_220 : f32
      %lt3A_228 = arith.cmpi slt, %squeeze3A_225, %select_n3A_221 : i32
      %and3A_229 = arith.andi %eq3A_227, %lt3A_228 : i1
      %or3A_230 = arith.ori %gt3A_226, %and3A_229 : i1
      %select_n3A_231 = arith.select %or3A_230, %squeeze3A_223, %select_n3A_220 : f32
      %select_n3A_232 = arith.select %or3A_230, %squeeze3A_225, %select_n3A_221 : i32
      %slice3A_233 = vector.extract_strided_slice %select_n3A_200 {offsets = [4], sizes = [1], strides = [1]} : vector<16xf32> to vector<1xf32>
      %squeeze3A_234 = vector.extract %slice3A_233[0] : f32 from vector<1xf32>
      %slice3A_235 = vector.extract_strided_slice %select_n3A_201 {offsets = [4], sizes = [1], strides = [1]} : vector<16xi32> to vector<1xi32>
      %squeeze3A_236 = vector.extract %slice3A_235[0] : i32 from vector<1xi32>
      %gt3A_237 = arith.cmpf ogt, %squeeze3A_234, %select_n3A_231 : f32
      %eq3A_238 = arith.cmpf oeq, %squeeze3A_234, %select_n3A_231 : f32
      %lt3A_239 = arith.cmpi slt, %squeeze3A_236, %select_n3A_232 : i32
      %and3A_240 = arith.andi %eq3A_238, %lt3A_239 : i1
      %or3A_241 = arith.ori %gt3A_237, %and3A_240 : i1
      %select_n3A_242 = arith.select %or3A_241, %squeeze3A_234, %select_n3A_231 : f32
      %select_n3A_243 = arith.select %or3A_241, %squeeze3A_236, %select_n3A_232 : i32
      %slice3A_244 = vector.extract_strided_slice %select_n3A_200 {offsets = [5], sizes = [1], strides = [1]} : vector<16xf32> to vector<1xf32>
      %squeeze3A_245 = vector.extract %slice3A_244[0] : f32 from vector<1xf32>
      %slice3A_246 = vector.extract_strided_slice %select_n3A_201 {offsets = [5], sizes = [1], strides = [1]} : vector<16xi32> to vector<1xi32>
      %squeeze3A_247 = vector.extract %slice3A_246[0] : i32 from vector<1xi32>
      %gt3A_248 = arith.cmpf ogt, %squeeze3A_245, %select_n3A_242 : f32
      %eq3A_249 = arith.cmpf oeq, %squeeze3A_245, %select_n3A_242 : f32
      %lt3A_250 = arith.cmpi slt, %squeeze3A_247, %select_n3A_243 : i32
      %and3A_251 = arith.andi %eq3A_249, %lt3A_250 : i1
      %or3A_252 = arith.ori %gt3A_248, %and3A_251 : i1
      %select_n3A_253 = arith.select %or3A_252, %squeeze3A_245, %select_n3A_242 : f32
      %select_n3A_254 = arith.select %or3A_252, %squeeze3A_247, %select_n3A_243 : i32
      %slice3A_255 = vector.extract_strided_slice %select_n3A_200 {offsets = [6], sizes = [1], strides = [1]} : vector<16xf32> to vector<1xf32>
      %squeeze3A_256 = vector.extract %slice3A_255[0] : f32 from vector<1xf32>
      %slice3A_257 = vector.extract_strided_slice %select_n3A_201 {offsets = [6], sizes = [1], strides = [1]} : vector<16xi32> to vector<1xi32>
      %squeeze3A_258 = vector.extract %slice3A_257[0] : i32 from vector<1xi32>
      %gt3A_259 = arith.cmpf ogt, %squeeze3A_256, %select_n3A_253 : f32
      %eq3A_260 = arith.cmpf oeq, %squeeze3A_256, %select_n3A_253 : f32
      %lt3A_261 = arith.cmpi slt, %squeeze3A_258, %select_n3A_254 : i32
      %and3A_262 = arith.andi %eq3A_260, %lt3A_261 : i1
      %or3A_263 = arith.ori %gt3A_259, %and3A_262 : i1
      %select_n3A_264 = arith.select %or3A_263, %squeeze3A_256, %select_n3A_253 : f32
      %select_n3A_265 = arith.select %or3A_263, %squeeze3A_258, %select_n3A_254 : i32
      %slice3A_266 = vector.extract_strided_slice %select_n3A_200 {offsets = [7], sizes = [1], strides = [1]} : vector<16xf32> to vector<1xf32>
      %squeeze3A_267 = vector.extract %slice3A_266[0] : f32 from vector<1xf32>
      %slice3A_268 = vector.extract_strided_slice %select_n3A_201 {offsets = [7], sizes = [1], strides = [1]} : vector<16xi32> to vector<1xi32>
      %squeeze3A_269 = vector.extract %slice3A_268[0] : i32 from vector<1xi32>
      %gt3A_270 = arith.cmpf ogt, %squeeze3A_267, %select_n3A_264 : f32
      %eq3A_271 = arith.cmpf oeq, %squeeze3A_267, %select_n3A_264 : f32
      %lt3A_272 = arith.cmpi slt, %squeeze3A_269, %select_n3A_265 : i32
      %and3A_273 = arith.andi %eq3A_271, %lt3A_272 : i1
      %or3A_274 = arith.ori %gt3A_270, %and3A_273 : i1
      %select_n3A_275 = arith.select %or3A_274, %squeeze3A_267, %select_n3A_264 : f32
      %select_n3A_276 = arith.select %or3A_274, %squeeze3A_269, %select_n3A_265 : i32
      %slice3A_277 = vector.extract_strided_slice %select_n3A_200 {offsets = [8], sizes = [1], strides = [1]} : vector<16xf32> to vector<1xf32>
      %squeeze3A_278 = vector.extract %slice3A_277[0] : f32 from vector<1xf32>
      %slice3A_279 = vector.extract_strided_slice %select_n3A_201 {offsets = [8], sizes = [1], strides = [1]} : vector<16xi32> to vector<1xi32>
      %squeeze3A_280 = vector.extract %slice3A_279[0] : i32 from vector<1xi32>
      %gt3A_281 = arith.cmpf ogt, %squeeze3A_278, %select_n3A_275 : f32
      %eq3A_282 = arith.cmpf oeq, %squeeze3A_278, %select_n3A_275 : f32
      %lt3A_283 = arith.cmpi slt, %squeeze3A_280, %select_n3A_276 : i32
      %and3A_284 = arith.andi %eq3A_282, %lt3A_283 : i1
      %or3A_285 = arith.ori %gt3A_281, %and3A_284 : i1
      %select_n3A_286 = arith.select %or3A_285, %squeeze3A_278, %select_n3A_275 : f32
      %select_n3A_287 = arith.select %or3A_285, %squeeze3A_280, %select_n3A_276 : i32
      %slice3A_288 = vector.extract_strided_slice %select_n3A_200 {offsets = [9], sizes = [1], strides = [1]} : vector<16xf32> to vector<1xf32>
      %squeeze3A_289 = vector.extract %slice3A_288[0] : f32 from vector<1xf32>
      %slice3A_290 = vector.extract_strided_slice %select_n3A_201 {offsets = [9], sizes = [1], strides = [1]} : vector<16xi32> to vector<1xi32>
      %squeeze3A_291 = vector.extract %slice3A_290[0] : i32 from vector<1xi32>
      %gt3A_292 = arith.cmpf ogt, %squeeze3A_289, %select_n3A_286 : f32
      %eq3A_293 = arith.cmpf oeq, %squeeze3A_289, %select_n3A_286 : f32
      %lt3A_294 = arith.cmpi slt, %squeeze3A_291, %select_n3A_287 : i32
      %and3A_295 = arith.andi %eq3A_293, %lt3A_294 : i1
      %or3A_296 = arith.ori %gt3A_292, %and3A_295 : i1
      %select_n3A_297 = arith.select %or3A_296, %squeeze3A_289, %select_n3A_286 : f32
      %select_n3A_298 = arith.select %or3A_296, %squeeze3A_291, %select_n3A_287 : i32
      %slice3A_299 = vector.extract_strided_slice %select_n3A_200 {offsets = [10], sizes = [1], strides = [1]} : vector<16xf32> to vector<1xf32>
      %squeeze3A_300 = vector.extract %slice3A_299[0] : f32 from vector<1xf32>
      %slice3A_301 = vector.extract_strided_slice %select_n3A_201 {offsets = [10], sizes = [1], strides = [1]} : vector<16xi32> to vector<1xi32>
      %squeeze3A_302 = vector.extract %slice3A_301[0] : i32 from vector<1xi32>
      %gt3A_303 = arith.cmpf ogt, %squeeze3A_300, %select_n3A_297 : f32
      %eq3A_304 = arith.cmpf oeq, %squeeze3A_300, %select_n3A_297 : f32
      %lt3A_305 = arith.cmpi slt, %squeeze3A_302, %select_n3A_298 : i32
      %and3A_306 = arith.andi %eq3A_304, %lt3A_305 : i1
      %or3A_307 = arith.ori %gt3A_303, %and3A_306 : i1
      %select_n3A_308 = arith.select %or3A_307, %squeeze3A_300, %select_n3A_297 : f32
      %select_n3A_309 = arith.select %or3A_307, %squeeze3A_302, %select_n3A_298 : i32
      %slice3A_310 = vector.extract_strided_slice %select_n3A_200 {offsets = [11], sizes = [1], strides = [1]} : vector<16xf32> to vector<1xf32>
      %squeeze3A_311 = vector.extract %slice3A_310[0] : f32 from vector<1xf32>
      %slice3A_312 = vector.extract_strided_slice %select_n3A_201 {offsets = [11], sizes = [1], strides = [1]} : vector<16xi32> to vector<1xi32>
      %squeeze3A_313 = vector.extract %slice3A_312[0] : i32 from vector<1xi32>
      %gt3A_314 = arith.cmpf ogt, %squeeze3A_311, %select_n3A_308 : f32
      %eq3A_315 = arith.cmpf oeq, %squeeze3A_311, %select_n3A_308 : f32
      %lt3A_316 = arith.cmpi slt, %squeeze3A_313, %select_n3A_309 : i32
      %and3A_317 = arith.andi %eq3A_315, %lt3A_316 : i1
      %or3A_318 = arith.ori %gt3A_314, %and3A_317 : i1
      %select_n3A_319 = arith.select %or3A_318, %squeeze3A_311, %select_n3A_308 : f32
      %select_n3A_320 = arith.select %or3A_318, %squeeze3A_313, %select_n3A_309 : i32
      %slice3A_321 = vector.extract_strided_slice %select_n3A_200 {offsets = [12], sizes = [1], strides = [1]} : vector<16xf32> to vector<1xf32>
      %squeeze3A_322 = vector.extract %slice3A_321[0] : f32 from vector<1xf32>
      %slice3A_323 = vector.extract_strided_slice %select_n3A_201 {offsets = [12], sizes = [1], strides = [1]} : vector<16xi32> to vector<1xi32>
      %squeeze3A_324 = vector.extract %slice3A_323[0] : i32 from vector<1xi32>
      %gt3A_325 = arith.cmpf ogt, %squeeze3A_322, %select_n3A_319 : f32
      %eq3A_326 = arith.cmpf oeq, %squeeze3A_322, %select_n3A_319 : f32
      %lt3A_327 = arith.cmpi slt, %squeeze3A_324, %select_n3A_320 : i32
      %and3A_328 = arith.andi %eq3A_326, %lt3A_327 : i1
      %or3A_329 = arith.ori %gt3A_325, %and3A_328 : i1
      %select_n3A_330 = arith.select %or3A_329, %squeeze3A_322, %select_n3A_319 : f32
      %select_n3A_331 = arith.select %or3A_329, %squeeze3A_324, %select_n3A_320 : i32
      %slice3A_332 = vector.extract_strided_slice %select_n3A_200 {offsets = [13], sizes = [1], strides = [1]} : vector<16xf32> to vector<1xf32>
      %squeeze3A_333 = vector.extract %slice3A_332[0] : f32 from vector<1xf32>
      %slice3A_334 = vector.extract_strided_slice %select_n3A_201 {offsets = [13], sizes = [1], strides = [1]} : vector<16xi32> to vector<1xi32>
      %squeeze3A_335 = vector.extract %slice3A_334[0] : i32 from vector<1xi32>
      %gt3A_336 = arith.cmpf ogt, %squeeze3A_333, %select_n3A_330 : f32
      %eq3A_337 = arith.cmpf oeq, %squeeze3A_333, %select_n3A_330 : f32
      %lt3A_338 = arith.cmpi slt, %squeeze3A_335, %select_n3A_331 : i32
      %and3A_339 = arith.andi %eq3A_337, %lt3A_338 : i1
      %or3A_340 = arith.ori %gt3A_336, %and3A_339 : i1
      %select_n3A_341 = arith.select %or3A_340, %squeeze3A_333, %select_n3A_330 : f32
      %select_n3A_342 = arith.select %or3A_340, %squeeze3A_335, %select_n3A_331 : i32
      %slice3A_343 = vector.extract_strided_slice %select_n3A_200 {offsets = [14], sizes = [1], strides = [1]} : vector<16xf32> to vector<1xf32>
      %squeeze3A_344 = vector.extract %slice3A_343[0] : f32 from vector<1xf32>
      %slice3A_345 = vector.extract_strided_slice %select_n3A_201 {offsets = [14], sizes = [1], strides = [1]} : vector<16xi32> to vector<1xi32>
      %squeeze3A_346 = vector.extract %slice3A_345[0] : i32 from vector<1xi32>
      %gt3A_347 = arith.cmpf ogt, %squeeze3A_344, %select_n3A_341 : f32
      %eq3A_348 = arith.cmpf oeq, %squeeze3A_344, %select_n3A_341 : f32
      %lt3A_349 = arith.cmpi slt, %squeeze3A_346, %select_n3A_342 : i32
      %and3A_350 = arith.andi %eq3A_348, %lt3A_349 : i1
      %or3A_351 = arith.ori %gt3A_347, %and3A_350 : i1
      %select_n3A_352 = arith.select %or3A_351, %squeeze3A_344, %select_n3A_341 : f32
      %select_n3A_353 = arith.select %or3A_351, %squeeze3A_346, %select_n3A_342 : i32
      %slice3A_354 = vector.extract_strided_slice %select_n3A_200 {offsets = [15], sizes = [1], strides = [1]} : vector<16xf32> to vector<1xf32>
      %squeeze3A_355 = vector.extract %slice3A_354[0] : f32 from vector<1xf32>
      %slice3A_356 = vector.extract_strided_slice %select_n3A_201 {offsets = [15], sizes = [1], strides = [1]} : vector<16xi32> to vector<1xi32>
      %squeeze3A_357 = vector.extract %slice3A_356[0] : i32 from vector<1xi32>
      %gt3A_358 = arith.cmpf ogt, %squeeze3A_355, %select_n3A_352 : f32
      %eq3A_359 = arith.cmpf oeq, %squeeze3A_355, %select_n3A_352 : f32
      %lt3A_360 = arith.cmpi slt, %squeeze3A_357, %select_n3A_353 : i32
      %and3A_361 = arith.andi %eq3A_359, %lt3A_360 : i1
      %or3A_362 = arith.ori %gt3A_358, %and3A_361 : i1
      %select_n3A_363 = arith.select %or3A_362, %squeeze3A_355, %select_n3A_352 : f32
      %select_n3A_364 = arith.select %or3A_362, %squeeze3A_357, %select_n3A_353 : i32
      %broadcast_in_dim3A_365 = vector.broadcast %select_n3A_364 : i32 to vector<16xi32>
      %swap3A = arith.index_cast %scan3A_152 : i32 to index
      %swap3A_366 = arith.constant 0 : index
      %swap3A_367 = tpu.vector_load %arg5[%swap3A, %swap3A_366] {strides = array<i32>} : memref<32x128xi32, #tpu.memory_space<vmem>>, vector<1x16xi32>,
      %swap3A_368 = vector.shape_cast %swap3A_367 : vector<1x16xi32> to vector<16xi32>
      %swap3A_369 = vector.shape_cast %broadcast_in_dim3A_365 : vector<16xi32> to vector<1x16xi32>
      tpu.vector_store %arg5[%swap3A, %swap3A_366], %swap3A_369 {strides = array<i32>} : memref<32x128xi32, #tpu.memory_space<vmem>>, vector<1x16xi32>,
      %swap3A_370 = arith.index_cast %scan3A_152 : i32 to index
      %swap3A_371 = arith.constant 16 : index
      %swap3A_372 = tpu.vector_load %arg5[%swap3A_370, %swap3A_371] {strides = array<i32>} : memref<32x128xi32, #tpu.memory_space<vmem>>, vector<1x16xi32>,
      %swap3A_373 = vector.shape_cast %swap3A_372 : vector<1x16xi32> to vector<16xi32>
      %swap3A_374 = vector.shape_cast %broadcast_in_dim3A_365 : vector<16xi32> to vector<1x16xi32>
      tpu.vector_store %arg5[%swap3A_370, %swap3A_371], %swap3A_374 {strides = array<i32>} : memref<32x128xi32, #tpu.memory_space<vmem>>, vector<1x16xi32>,
      %swap3A_375 = arith.index_cast %scan3A_152 : i32 to index
      %swap3A_376 = arith.constant 32 : index
      %swap3A_377 = tpu.vector_load %arg5[%swap3A_375, %swap3A_376] {strides = array<i32>} : memref<32x128xi32, #tpu.memory_space<vmem>>, vector<1x16xi32>,
      %swap3A_378 = vector.shape_cast %swap3A_377 : vector<1x16xi32> to vector<16xi32>
      %swap3A_379 = vector.shape_cast %broadcast_in_dim3A_365 : vector<16xi32> to vector<1x16xi32>
      tpu.vector_store %arg5[%swap3A_375, %swap3A_376], %swap3A_379 {strides = array<i32>} : memref<32x128xi32, #tpu.memory_space<vmem>>, vector<1x16xi32>,
      %swap3A_380 = arith.index_cast %scan3A_152 : i32 to index
      %swap3A_381 = arith.constant 48 : index
      %swap3A_382 = tpu.vector_load %arg5[%swap3A_380, %swap3A_381] {strides = array<i32>} : memref<32x128xi32, #tpu.memory_space<vmem>>, vector<1x16xi32>,
      %swap3A_383 = vector.shape_cast %swap3A_382 : vector<1x16xi32> to vector<16xi32>
      %swap3A_384 = vector.shape_cast %broadcast_in_dim3A_365 : vector<16xi32> to vector<1x16xi32>
      tpu.vector_store %arg5[%swap3A_380, %swap3A_381], %swap3A_384 {strides = array<i32>} : memref<32x128xi32, #tpu.memory_space<vmem>>, vector<1x16xi32>,
      %swap3A_385 = arith.index_cast %scan3A_152 : i32 to index
      %swap3A_386 = arith.constant 64 : index
      %swap3A_387 = tpu.vector_load %arg5[%swap3A_385, %swap3A_386] {strides = array<i32>} : memref<32x128xi32, #tpu.memory_space<vmem>>, vector<1x16xi32>,
      %swap3A_388 = vector.shape_cast %swap3A_387 : vector<1x16xi32> to vector<16xi32>
      %swap3A_389 = vector.shape_cast %broadcast_in_dim3A_365 : vector<16xi32> to vector<1x16xi32>
      tpu.vector_store %arg5[%swap3A_385, %swap3A_386], %swap3A_389 {strides = array<i32>} : memref<32x128xi32, #tpu.memory_space<vmem>>, vector<1x16xi32>,
      %swap3A_390 = arith.index_cast %scan3A_152 : i32 to index
      %swap3A_391 = arith.constant 80 : index
      %swap3A_392 = tpu.vector_load %arg5[%swap3A_390, %swap3A_391] {strides = array<i32>} : memref<32x128xi32, #tpu.memory_space<vmem>>, vector<1x16xi32>,
      %swap3A_393 = vector.shape_cast %swap3A_392 : vector<1x16xi32> to vector<16xi32>
      %swap3A_394 = vector.shape_cast %broadcast_in_dim3A_365 : vector<16xi32> to vector<1x16xi32>
      tpu.vector_store %arg5[%swap3A_390, %swap3A_391], %swap3A_394 {strides = array<i32>} : memref<32x128xi32, #tpu.memory_space<vmem>>, vector<1x16xi32>,
      %swap3A_395 = arith.index_cast %scan3A_152 : i32 to index
      %swap3A_396 = arith.constant 96 : index
      %swap3A_397 = tpu.vector_load %arg5[%swap3A_395, %swap3A_396] {strides = array<i32>} : memref<32x128xi32, #tpu.memory_space<vmem>>, vector<1x16xi32>,
      %swap3A_398 = vector.shape_cast %swap3A_397 : vector<1x16xi32> to vector<16xi32>
      %swap3A_399 = vector.shape_cast %broadcast_in_dim3A_365 : vector<16xi32> to vector<1x16xi32>
      tpu.vector_store %arg5[%swap3A_395, %swap3A_396], %swap3A_399 {strides = array<i32>} : memref<32x128xi32, #tpu.memory_space<vmem>>, vector<1x16xi32>,
      %swap3A_400 = arith.index_cast %scan3A_152 : i32 to index
      %swap3A_401 = arith.constant 112 : index
      %swap3A_402 = tpu.vector_load %arg5[%swap3A_400, %swap3A_401] {strides = array<i32>} : memref<32x128xi32, #tpu.memory_space<vmem>>, vector<1x16xi32>,
      %swap3A_403 = vector.shape_cast %swap3A_402 : vector<1x16xi32> to vector<16xi32>
      %swap3A_404 = vector.shape_cast %broadcast_in_dim3A_365 : vector<16xi32> to vector<1x16xi32>
      tpu.vector_store %arg5[%swap3A_400, %swap3A_401], %swap3A_404 {strides = array<i32>} : memref<32x128xi32, #tpu.memory_space<vmem>>, vector<1x16xi32>,
      %scan3A_405 = arith.constant 0 : i32
      scf.yield %scan3A_405 : i32
    }
    %scan3A_126 = arith.constant 32 : i32
    %add3A_127 = arith.constant 64 : i32
    %add3A_128 = arith.addi %mul3A_2, %add3A_127 : i32
    "tpu.region"() ({
      %run_scoped3A = tpu.sem_alloc : memref<!tpu.dma_semaphore, #tpu.memory_space<semaphore_mem>>
      %dma_start3A_152 = arith.constant 0 : i32
      %dma_start3A_153 = tpu.memref_slice %arg3[%add3A_128, %dma_start3A_152] : memref<4096x128xi32, #tpu.memory_space<hbm>> -> memref<32x128xi32, #tpu.memory_space<hbm>>
      %dma_start3A_154 = arith.constant 0 : i32
      %dma_start3A_155 = tpu.memref_slice %arg3[%add3A_128, %dma_start3A_154] : memref<4096x128xi32, #tpu.memory_space<hbm>> -> memref<32x128xi32, #tpu.memory_space<hbm>>
      tpu.enqueue_dma source(%arg5 : memref<32x128xi32, #tpu.memory_space<vmem>>) target(%dma_start3A_155 : memref<32x128xi32, #tpu.memory_space<hbm>>) target_semaphore(%run_scoped3A : memref<!tpu.dma_semaphore, #tpu.memory_space<semaphore_mem>>)
      %dma_wait3A_156 = arith.constant 0 : i32
      %dma_wait3A_157 = tpu.memref_slice %arg3[%add3A_128, %dma_wait3A_156] : memref<4096x128xi32, #tpu.memory_space<hbm>> -> memref<32x128xi32, #tpu.memory_space<hbm>>
      %dma_wait3A_158 = arith.constant 0 : i32
      %dma_wait3A_159 = tpu.memref_slice %arg3[%add3A_128, %dma_wait3A_158] : memref<4096x128xi32, #tpu.memory_space<hbm>> -> memref<32x128xi32, #tpu.memory_space<hbm>>
      tpu.wait_dma2 semaphore(%run_scoped3A : memref<!tpu.dma_semaphore, #tpu.memory_space<semaphore_mem>>) src(%arg5 : memref<32x128xi32, #tpu.memory_space<vmem>>) dst(%dma_wait3A_159 : memref<32x128xi32, #tpu.memory_space<hbm>>)
      tpu.yield
    }) : () -> ()
    %dma_wait3A_129 = arith.constant 1 : i32
    %dma_wait3A_130 = arith.constant 0 : i32
    %dma_wait3A_131 = arith.constant 0 : i32
    %dma_wait3A_132 = tpu.memref_slice %arg4[%dma_wait3A_129, %dma_wait3A_130, %dma_wait3A_131] : memref<2x32x1000xf32, #tpu.memory_space<vmem>> -> memref<1x32x1000xf32, #tpu.memory_space<vmem>>
    %dma_wait3A_133 = tpu.memref_squeeze %dma_wait3A_132 : memref<1x32x1000xf32, #tpu.memory_space<vmem>> -> memref<32x1000xf32, #tpu.memory_space<vmem>>
    %dma_wait3A_134 = arith.constant 0 : i32
    %dma_wait3A_135 = tpu.memref_slice %arg2[%add3A_92, %dma_wait3A_134] : memref<4096x1000xf32, #tpu.memory_space<hbm>> -> memref<32x1000xf32, #tpu.memory_space<hbm>>
    %dma_wait3A_136 = arith.constant 0 : i32
    %dma_wait3A_137 = arith.constant 0 : i32
    %dma_wait3A_138 = tpu.memref_slice %arg4[%dma_wait3A_129, %dma_wait3A_136, %dma_wait3A_137] : memref<2x32x1000xf32, #tpu.memory_space<vmem>> -> memref<1x32x1000xf32, #tpu.memory_space<vmem>>
    %dma_wait3A_139 = tpu.memref_squeeze %dma_wait3A_138 : memref<1x32x1000xf32, #tpu.memory_space<vmem>> -> memref<32x1000xf32, #tpu.memory_space<vmem>>
    %dma_wait3A_140 = arith.constant 0 : i32
    %dma_wait3A_141 = tpu.memref_slice %arg2[%add3A_92, %dma_wait3A_140] : memref<4096x1000xf32, #tpu.memory_space<hbm>> -> memref<32x1000xf32, #tpu.memory_space<hbm>>
    tpu.wait_dma2 semaphore(%arg7 : memref<!tpu.dma_semaphore, #tpu.memory_space<semaphore_mem>>) src(%dma_wait3A_141 : memref<32x1000xf32, #tpu.memory_space<hbm>>) dst(%dma_wait3A_139 : memref<32x1000xf32, #tpu.memory_space<vmem>>)
    %scan3A_142 = arith.constant 1 : i32
    %scan3A_143 = arith.constant 0 : i32
    %scan3A_144 = arith.constant 0 : i32
    %scan3A_145 = arith.constant 32 : i32
    %scan3A_146 = arith.addi %scan3A_144, %scan3A_145 : i32
    %scan3A_147 = arith.constant 1 : i32
    %scan3A_148 = scf.for %scan3A_152 = %scan3A_144 to %scan3A_146 step %scan3A_147 iter_args(%scan3A_153 = %scan3A_143) -> (i32)  : i32 {
      %broadcast_in_dim3A = arith.constant 0xFF800000 : f32
      %broadcast_in_dim3A_154 = vector.broadcast %broadcast_in_dim3A : f32 to vector<16xf32>
      %broadcast_in_dim3A_155 = arith.constant 0 : i32
      %broadcast_in_dim3A_156 = vector.broadcast %broadcast_in_dim3A_155 : i32 to vector<16xi32>
      %scan3A_157 = arith.constant 0 : i32
      %scan3A_158 = arith.constant 15 : i32
      %scan3A_159 = arith.addi %scan3A_157, %scan3A_158 : i32
      %scan3A_160 = arith.constant 1 : i32
      %scan3A_161:2 = scf.for %scan3A_406 = %scan3A_157 to %scan3A_159 step %scan3A_160 iter_args(%scan3A_407 = %broadcast_in_dim3A_154, %scan3A_408 = %broadcast_in_dim3A_156) -> (vector<16xf32>, vector<16xi32>)  : i32 {
        %mul3A_409 = arith.constant 64 : i32
        %mul3A_410 = arith.muli %scan3A_406, %mul3A_409 : i32
        %add3A_411 = arith.constant 0 : i32
        %add3A_412 = arith.addi %mul3A_410, %add3A_411 : i32
        %get3A_413 = arith.constant 0 : i32
        %get3A_414 = arith.constant 0 : i32
        %get3A_415 = tpu.memref_slice %arg4[%scan3A_142, %get3A_413, %get3A_414] : memref<2x32x1000xf32, #tpu.memory_space<vmem>> -> memref<1x32x1000xf32, #tpu.memory_space<vmem>>
        %get3A_416 = tpu.memref_squeeze %get3A_415 : memref<1x32x1000xf32, #tpu.memory_space<vmem>> -> memref<32x1000xf32, #tpu.memory_space<vmem>>
        %get3A_417 = arith.index_cast %scan3A_152 : i32 to index
        %get3A_418 = arith.index_cast %add3A_412 : i32 to index
        %get3A_419 = tpu.vector_load %get3A_416[%get3A_417, %get3A_418] {strides = array<i32>} : memref<32x1000xf32, #tpu.memory_space<vmem>>, vector<1x16xf32>,
        %get3A_420 = vector.shape_cast %get3A_419 : vector<1x16xf32> to vector<16xf32>
        %add3A_421 = vector.broadcast %add3A_412 : i32 to vector<16xi32>
        %add3A_422 = arith.addi %iota3A, %add3A_421 : vector<16xi32>
        %gt3A_423 = arith.cmpf ogt, %get3A_420, %scan3A_407 : vector<16xf32>
        %select_n3A_424 = arith.select %gt3A_423, %get3A_420, %scan3A_407 : vector<16xi1>, vector<16xf32>
        %select_n3A_425 = arith.select %gt3A_423, %add3A_422, %scan3A_408 : vector<16xi1>, vector<16xi32>
        %mul3A_426 = arith.constant 64 : i32
        %mul3A_427 = arith.muli %scan3A_406, %mul3A_426 : i32
        %add3A_428 = arith.constant 16 : i32
        %add3A_429 = arith.addi %mul3A_427, %add3A_428 : i32
        %get3A_430 = arith.constant 0 : i32
        %get3A_431 = arith.constant 0 : i32
        %get3A_432 = tpu.memref_slice %arg4[%scan3A_142, %get3A_430, %get3A_431] : memref<2x32x1000xf32, #tpu.memory_space<vmem>> -> memref<1x32x1000xf32, #tpu.memory_space<vmem>>
        %get3A_433 = tpu.memref_squeeze %get3A_432 : memref<1x32x1000xf32, #tpu.memory_space<vmem>> -> memref<32x1000xf32, #tpu.memory_space<vmem>>
        %get3A_434 = arith.index_cast %scan3A_152 : i32 to index
        %get3A_435 = arith.index_cast %add3A_429 : i32 to index
        %get3A_436 = tpu.vector_load %get3A_433[%get3A_434, %get3A_435] {strides = array<i32>} : memref<32x1000xf32, #tpu.memory_space<vmem>>, vector<1x16xf32>,
        %get3A_437 = vector.shape_cast %get3A_436 : vector<1x16xf32> to vector<16xf32>
        %add3A_438 = vector.broadcast %add3A_429 : i32 to vector<16xi32>
        %add3A_439 = arith.addi %iota3A, %add3A_438 : vector<16xi32>
        %gt3A_440 = arith.cmpf ogt, %get3A_437, %select_n3A_424 : vector<16xf32>
        %select_n3A_441 = arith.select %gt3A_440, %get3A_437, %select_n3A_424 : vector<16xi1>, vector<16xf32>
        %select_n3A_442 = arith.select %gt3A_440, %add3A_439, %select_n3A_425 : vector<16xi1>, vector<16xi32>
        %mul3A_443 = arith.constant 64 : i32
        %mul3A_444 = arith.muli %scan3A_406, %mul3A_443 : i32
        %add3A_445 = arith.constant 32 : i32
        %add3A_446 = arith.addi %mul3A_444, %add3A_445 : i32
        %get3A_447 = arith.constant 0 : i32
        %get3A_448 = arith.constant 0 : i32
        %get3A_449 = tpu.memref_slice %arg4[%scan3A_142, %get3A_447, %get3A_448] : memref<2x32x1000xf32, #tpu.memory_space<vmem>> -> memref<1x32x1000xf32, #tpu.memory_space<vmem>>
        %get3A_450 = tpu.memref_squeeze %get3A_449 : memref<1x32x1000xf32, #tpu.memory_space<vmem>> -> memref<32x1000xf32, #tpu.memory_space<vmem>>
        %get3A_451 = arith.index_cast %scan3A_152 : i32 to index
        %get3A_452 = arith.index_cast %add3A_446 : i32 to index
        %get3A_453 = tpu.vector_load %get3A_450[%get3A_451, %get3A_452] {strides = array<i32>} : memref<32x1000xf32, #tpu.memory_space<vmem>>, vector<1x16xf32>,
        %get3A_454 = vector.shape_cast %get3A_453 : vector<1x16xf32> to vector<16xf32>
        %add3A_455 = vector.broadcast %add3A_446 : i32 to vector<16xi32>
        %add3A_456 = arith.addi %iota3A, %add3A_455 : vector<16xi32>
        %gt3A_457 = arith.cmpf ogt, %get3A_454, %select_n3A_441 : vector<16xf32>
        %select_n3A_458 = arith.select %gt3A_457, %get3A_454, %select_n3A_441 : vector<16xi1>, vector<16xf32>
        %select_n3A_459 = arith.select %gt3A_457, %add3A_456, %select_n3A_442 : vector<16xi1>, vector<16xi32>
        %mul3A_460 = arith.constant 64 : i32
        %mul3A_461 = arith.muli %scan3A_406, %mul3A_460 : i32
        %add3A_462 = arith.constant 48 : i32
        %add3A_463 = arith.addi %mul3A_461, %add3A_462 : i32
        %get3A_464 = arith.constant 0 : i32
        %get3A_465 = arith.constant 0 : i32
        %get3A_466 = tpu.memref_slice %arg4[%scan3A_142, %get3A_464, %get3A_465] : memref<2x32x1000xf32, #tpu.memory_space<vmem>> -> memref<1x32x1000xf32, #tpu.memory_space<vmem>>
        %get3A_467 = tpu.memref_squeeze %get3A_466 : memref<1x32x1000xf32, #tpu.memory_space<vmem>> -> memref<32x1000xf32, #tpu.memory_space<vmem>>
        %get3A_468 = arith.index_cast %scan3A_152 : i32 to index
        %get3A_469 = arith.index_cast %add3A_463 : i32 to index
        %get3A_470 = tpu.vector_load %get3A_467[%get3A_468, %get3A_469] {strides = array<i32>} : memref<32x1000xf32, #tpu.memory_space<vmem>>, vector<1x16xf32>,
        %get3A_471 = vector.shape_cast %get3A_470 : vector<1x16xf32> to vector<16xf32>
        %add3A_472 = vector.broadcast %add3A_463 : i32 to vector<16xi32>
        %add3A_473 = arith.addi %iota3A, %add3A_472 : vector<16xi32>
        %gt3A_474 = arith.cmpf ogt, %get3A_471, %select_n3A_458 : vector<16xf32>
        %select_n3A_475 = arith.select %gt3A_474, %get3A_471, %select_n3A_458 : vector<16xi1>, vector<16xf32>
        %select_n3A_476 = arith.select %gt3A_474, %add3A_473, %select_n3A_459 : vector<16xi1>, vector<16xi32>
        scf.yield %select_n3A_475, %select_n3A_476 : vector<16xf32>, vector<16xi32>
      }
      %scan3A_162 = arith.constant 15 : i32
      %get3A = arith.constant 0 : i32
      %get3A_163 = arith.constant 0 : i32
      %get3A_164 = tpu.memref_slice %arg4[%scan3A_142, %get3A, %get3A_163] : memref<2x32x1000xf32, #tpu.memory_space<vmem>> -> memref<1x32x1000xf32, #tpu.memory_space<vmem>>
      %get3A_165 = tpu.memref_squeeze %get3A_164 : memref<1x32x1000xf32, #tpu.memory_space<vmem>> -> memref<32x1000xf32, #tpu.memory_space<vmem>>
      %get3A_166 = arith.index_cast %scan3A_152 : i32 to index
      %get3A_167 = arith.constant 960 : index
      %get3A_168 = tpu.vector_load %get3A_165[%get3A_166, %get3A_167] {strides = array<i32>} : memref<32x1000xf32, #tpu.memory_space<vmem>>, vector<1x16xf32>,
      %get3A_169 = vector.shape_cast %get3A_168 : vector<1x16xf32> to vector<16xf32>
      %add3A_170 = arith.constant 960 : i32
      %add3A_171 = vector.broadcast %add3A_170 : i32 to vector<16xi32>
      %add3A_172 = arith.addi %iota3A, %add3A_171 : vector<16xi32>
      %gt3A = arith.cmpf ogt, %get3A_169, %scan3A_161#0 : vector<16xf32>
      %select_n3A = arith.select %gt3A, %get3A_169, %scan3A_161#0 : vector<16xi1>, vector<16xf32>
      %select_n3A_173 = arith.select %gt3A, %add3A_172, %scan3A_161#1 : vector<16xi1>, vector<16xi32>
      %get3A_174 = arith.constant 0 : i32
      %get3A_175 = arith.constant 0 : i32
      %get3A_176 = tpu.memref_slice %arg4[%scan3A_142, %get3A_174, %get3A_175] : memref<2x32x1000xf32, #tpu.memory_space<vmem>> -> memref<1x32x1000xf32, #tpu.memory_space<vmem>>
      %get3A_177 = tpu.memref_squeeze %get3A_176 : memref<1x32x1000xf32, #tpu.memory_space<vmem>> -> memref<32x1000xf32, #tpu.memory_space<vmem>>
      %get3A_178 = arith.index_cast %scan3A_152 : i32 to index
      %get3A_179 = arith.constant 976 : index
      %get3A_180 = tpu.vector_load %get3A_177[%get3A_178, %get3A_179] {strides = array<i32>} : memref<32x1000xf32, #tpu.memory_space<vmem>>, vector<1x16xf32>,
      %get3A_181 = vector.shape_cast %get3A_180 : vector<1x16xf32> to vector<16xf32>
      %add3A_182 = arith.constant 976 : i32
      %add3A_183 = vector.broadcast %add3A_182 : i32 to vector<16xi32>
      %add3A_184 = arith.addi %iota3A, %add3A_183 : vector<16xi32>
      %gt3A_185 = arith.cmpf ogt, %get3A_181, %select_n3A : vector<16xf32>
      %select_n3A_186 = arith.select %gt3A_185, %get3A_181, %select_n3A : vector<16xi1>, vector<16xf32>
      %select_n3A_187 = arith.select %gt3A_185, %add3A_184, %select_n3A_173 : vector<16xi1>, vector<16xi32>
      %get3A_188 = arith.constant 0 : i32
      %get3A_189 = arith.constant 0 : i32
      %get3A_190 = tpu.memref_slice %arg4[%scan3A_142, %get3A_188, %get3A_189] : memref<2x32x1000xf32, #tpu.memory_space<vmem>> -> memref<1x32x1000xf32, #tpu.memory_space<vmem>>
      %get3A_191 = tpu.memref_squeeze %get3A_190 : memref<1x32x1000xf32, #tpu.memory_space<vmem>> -> memref<32x1000xf32, #tpu.memory_space<vmem>>
      %get3A_192 = arith.index_cast %scan3A_152 : i32 to index
      %get3A_193 = arith.constant 984 : index
      %get3A_194 = tpu.vector_load %get3A_191[%get3A_192, %get3A_193] {strides = array<i32>} : memref<32x1000xf32, #tpu.memory_space<vmem>>, vector<1x16xf32>,
      %get3A_195 = vector.shape_cast %get3A_194 : vector<1x16xf32> to vector<16xf32>
      %add3A_196 = arith.constant 984 : i32
      %add3A_197 = vector.broadcast %add3A_196 : i32 to vector<16xi32>
      %add3A_198 = arith.addi %iota3A, %add3A_197 : vector<16xi32>
      %gt3A_199 = arith.cmpf ogt, %get3A_195, %select_n3A_186 : vector<16xf32>
      %select_n3A_200 = arith.select %gt3A_199, %get3A_195, %select_n3A_186 : vector<16xi1>, vector<16xf32>
      %select_n3A_201 = arith.select %gt3A_199, %add3A_198, %select_n3A_187 : vector<16xi1>, vector<16xi32>
      %slice3A = vector.extract_strided_slice %select_n3A_200 {offsets = [0], sizes = [1], strides = [1]} : vector<16xf32> to vector<1xf32>
      %squeeze3A = vector.extract %slice3A[0] : f32 from vector<1xf32>
      %slice3A_202 = vector.extract_strided_slice %select_n3A_201 {offsets = [0], sizes = [1], strides = [1]} : vector<16xi32> to vector<1xi32>
      %squeeze3A_203 = vector.extract %slice3A_202[0] : i32 from vector<1xi32>
      %slice3A_204 = vector.extract_strided_slice %select_n3A_200 {offsets = [1], sizes = [1], strides = [1]} : vector<16xf32> to vector<1xf32>
      %squeeze3A_205 = vector.extract %slice3A_204[0] : f32 from vector<1xf32>
      %slice3A_206 = vector.extract_strided_slice %select_n3A_201 {offsets = [1], sizes = [1], strides = [1]} : vector<16xi32> to vector<1xi32>
      %squeeze3A_207 = vector.extract %slice3A_206[0] : i32 from vector<1xi32>
      %gt3A_208 = arith.cmpf ogt, %squeeze3A_205, %squeeze3A : f32
      %eq3A = arith.cmpf oeq, %squeeze3A_205, %squeeze3A : f32
      %lt3A = arith.cmpi slt, %squeeze3A_207, %squeeze3A_203 : i32
      %and3A = arith.andi %eq3A, %lt3A : i1
      %or3A = arith.ori %gt3A_208, %and3A : i1
      %select_n3A_209 = arith.select %or3A, %squeeze3A_205, %squeeze3A : f32
      %select_n3A_210 = arith.select %or3A, %squeeze3A_207, %squeeze3A_203 : i32
      %slice3A_211 = vector.extract_strided_slice %select_n3A_200 {offsets = [2], sizes = [1], strides = [1]} : vector<16xf32> to vector<1xf32>
      %squeeze3A_212 = vector.extract %slice3A_211[0] : f32 from vector<1xf32>
      %slice3A_213 = vector.extract_strided_slice %select_n3A_201 {offsets = [2], sizes = [1], strides = [1]} : vector<16xi32> to vector<1xi32>
      %squeeze3A_214 = vector.extract %slice3A_213[0] : i32 from vector<1xi32>
      %gt3A_215 = arith.cmpf ogt, %squeeze3A_212, %select_n3A_209 : f32
      %eq3A_216 = arith.cmpf oeq, %squeeze3A_212, %select_n3A_209 : f32
      %lt3A_217 = arith.cmpi slt, %squeeze3A_214, %select_n3A_210 : i32
      %and3A_218 = arith.andi %eq3A_216, %lt3A_217 : i1
      %or3A_219 = arith.ori %gt3A_215, %and3A_218 : i1
      %select_n3A_220 = arith.select %or3A_219, %squeeze3A_212, %select_n3A_209 : f32
      %select_n3A_221 = arith.select %or3A_219, %squeeze3A_214, %select_n3A_210 : i32
      %slice3A_222 = vector.extract_strided_slice %select_n3A_200 {offsets = [3], sizes = [1], strides = [1]} : vector<16xf32> to vector<1xf32>
      %squeeze3A_223 = vector.extract %slice3A_222[0] : f32 from vector<1xf32>
      %slice3A_224 = vector.extract_strided_slice %select_n3A_201 {offsets = [3], sizes = [1], strides = [1]} : vector<16xi32> to vector<1xi32>
      %squeeze3A_225 = vector.extract %slice3A_224[0] : i32 from vector<1xi32>
      %gt3A_226 = arith.cmpf ogt, %squeeze3A_223, %select_n3A_220 : f32
      %eq3A_227 = arith.cmpf oeq, %squeeze3A_223, %select_n3A_220 : f32
      %lt3A_228 = arith.cmpi slt, %squeeze3A_225, %select_n3A_221 : i32
      %and3A_229 = arith.andi %eq3A_227, %lt3A_228 : i1
      %or3A_230 = arith.ori %gt3A_226, %and3A_229 : i1
      %select_n3A_231 = arith.select %or3A_230, %squeeze3A_223, %select_n3A_220 : f32
      %select_n3A_232 = arith.select %or3A_230, %squeeze3A_225, %select_n3A_221 : i32
      %slice3A_233 = vector.extract_strided_slice %select_n3A_200 {offsets = [4], sizes = [1], strides = [1]} : vector<16xf32> to vector<1xf32>
      %squeeze3A_234 = vector.extract %slice3A_233[0] : f32 from vector<1xf32>
      %slice3A_235 = vector.extract_strided_slice %select_n3A_201 {offsets = [4], sizes = [1], strides = [1]} : vector<16xi32> to vector<1xi32>
      %squeeze3A_236 = vector.extract %slice3A_235[0] : i32 from vector<1xi32>
      %gt3A_237 = arith.cmpf ogt, %squeeze3A_234, %select_n3A_231 : f32
      %eq3A_238 = arith.cmpf oeq, %squeeze3A_234, %select_n3A_231 : f32
      %lt3A_239 = arith.cmpi slt, %squeeze3A_236, %select_n3A_232 : i32
      %and3A_240 = arith.andi %eq3A_238, %lt3A_239 : i1
      %or3A_241 = arith.ori %gt3A_237, %and3A_240 : i1
      %select_n3A_242 = arith.select %or3A_241, %squeeze3A_234, %select_n3A_231 : f32
      %select_n3A_243 = arith.select %or3A_241, %squeeze3A_236, %select_n3A_232 : i32
      %slice3A_244 = vector.extract_strided_slice %select_n3A_200 {offsets = [5], sizes = [1], strides = [1]} : vector<16xf32> to vector<1xf32>
      %squeeze3A_245 = vector.extract %slice3A_244[0] : f32 from vector<1xf32>
      %slice3A_246 = vector.extract_strided_slice %select_n3A_201 {offsets = [5], sizes = [1], strides = [1]} : vector<16xi32> to vector<1xi32>
      %squeeze3A_247 = vector.extract %slice3A_246[0] : i32 from vector<1xi32>
      %gt3A_248 = arith.cmpf ogt, %squeeze3A_245, %select_n3A_242 : f32
      %eq3A_249 = arith.cmpf oeq, %squeeze3A_245, %select_n3A_242 : f32
      %lt3A_250 = arith.cmpi slt, %squeeze3A_247, %select_n3A_243 : i32
      %and3A_251 = arith.andi %eq3A_249, %lt3A_250 : i1
      %or3A_252 = arith.ori %gt3A_248, %and3A_251 : i1
      %select_n3A_253 = arith.select %or3A_252, %squeeze3A_245, %select_n3A_242 : f32
      %select_n3A_254 = arith.select %or3A_252, %squeeze3A_247, %select_n3A_243 : i32
      %slice3A_255 = vector.extract_strided_slice %select_n3A_200 {offsets = [6], sizes = [1], strides = [1]} : vector<16xf32> to vector<1xf32>
      %squeeze3A_256 = vector.extract %slice3A_255[0] : f32 from vector<1xf32>
      %slice3A_257 = vector.extract_strided_slice %select_n3A_201 {offsets = [6], sizes = [1], strides = [1]} : vector<16xi32> to vector<1xi32>
      %squeeze3A_258 = vector.extract %slice3A_257[0] : i32 from vector<1xi32>
      %gt3A_259 = arith.cmpf ogt, %squeeze3A_256, %select_n3A_253 : f32
      %eq3A_260 = arith.cmpf oeq, %squeeze3A_256, %select_n3A_253 : f32
      %lt3A_261 = arith.cmpi slt, %squeeze3A_258, %select_n3A_254 : i32
      %and3A_262 = arith.andi %eq3A_260, %lt3A_261 : i1
      %or3A_263 = arith.ori %gt3A_259, %and3A_262 : i1
      %select_n3A_264 = arith.select %or3A_263, %squeeze3A_256, %select_n3A_253 : f32
      %select_n3A_265 = arith.select %or3A_263, %squeeze3A_258, %select_n3A_254 : i32
      %slice3A_266 = vector.extract_strided_slice %select_n3A_200 {offsets = [7], sizes = [1], strides = [1]} : vector<16xf32> to vector<1xf32>
      %squeeze3A_267 = vector.extract %slice3A_266[0] : f32 from vector<1xf32>
      %slice3A_268 = vector.extract_strided_slice %select_n3A_201 {offsets = [7], sizes = [1], strides = [1]} : vector<16xi32> to vector<1xi32>
      %squeeze3A_269 = vector.extract %slice3A_268[0] : i32 from vector<1xi32>
      %gt3A_270 = arith.cmpf ogt, %squeeze3A_267, %select_n3A_264 : f32
      %eq3A_271 = arith.cmpf oeq, %squeeze3A_267, %select_n3A_264 : f32
      %lt3A_272 = arith.cmpi slt, %squeeze3A_269, %select_n3A_265 : i32
      %and3A_273 = arith.andi %eq3A_271, %lt3A_272 : i1
      %or3A_274 = arith.ori %gt3A_270, %and3A_273 : i1
      %select_n3A_275 = arith.select %or3A_274, %squeeze3A_267, %select_n3A_264 : f32
      %select_n3A_276 = arith.select %or3A_274, %squeeze3A_269, %select_n3A_265 : i32
      %slice3A_277 = vector.extract_strided_slice %select_n3A_200 {offsets = [8], sizes = [1], strides = [1]} : vector<16xf32> to vector<1xf32>
      %squeeze3A_278 = vector.extract %slice3A_277[0] : f32 from vector<1xf32>
      %slice3A_279 = vector.extract_strided_slice %select_n3A_201 {offsets = [8], sizes = [1], strides = [1]} : vector<16xi32> to vector<1xi32>
      %squeeze3A_280 = vector.extract %slice3A_279[0] : i32 from vector<1xi32>
      %gt3A_281 = arith.cmpf ogt, %squeeze3A_278, %select_n3A_275 : f32
      %eq3A_282 = arith.cmpf oeq, %squeeze3A_278, %select_n3A_275 : f32
      %lt3A_283 = arith.cmpi slt, %squeeze3A_280, %select_n3A_276 : i32
      %and3A_284 = arith.andi %eq3A_282, %lt3A_283 : i1
      %or3A_285 = arith.ori %gt3A_281, %and3A_284 : i1
      %select_n3A_286 = arith.select %or3A_285, %squeeze3A_278, %select_n3A_275 : f32
      %select_n3A_287 = arith.select %or3A_285, %squeeze3A_280, %select_n3A_276 : i32
      %slice3A_288 = vector.extract_strided_slice %select_n3A_200 {offsets = [9], sizes = [1], strides = [1]} : vector<16xf32> to vector<1xf32>
      %squeeze3A_289 = vector.extract %slice3A_288[0] : f32 from vector<1xf32>
      %slice3A_290 = vector.extract_strided_slice %select_n3A_201 {offsets = [9], sizes = [1], strides = [1]} : vector<16xi32> to vector<1xi32>
      %squeeze3A_291 = vector.extract %slice3A_290[0] : i32 from vector<1xi32>
      %gt3A_292 = arith.cmpf ogt, %squeeze3A_289, %select_n3A_286 : f32
      %eq3A_293 = arith.cmpf oeq, %squeeze3A_289, %select_n3A_286 : f32
      %lt3A_294 = arith.cmpi slt, %squeeze3A_291, %select_n3A_287 : i32
      %and3A_295 = arith.andi %eq3A_293, %lt3A_294 : i1
      %or3A_296 = arith.ori %gt3A_292, %and3A_295 : i1
      %select_n3A_297 = arith.select %or3A_296, %squeeze3A_289, %select_n3A_286 : f32
      %select_n3A_298 = arith.select %or3A_296, %squeeze3A_291, %select_n3A_287 : i32
      %slice3A_299 = vector.extract_strided_slice %select_n3A_200 {offsets = [10], sizes = [1], strides = [1]} : vector<16xf32> to vector<1xf32>
      %squeeze3A_300 = vector.extract %slice3A_299[0] : f32 from vector<1xf32>
      %slice3A_301 = vector.extract_strided_slice %select_n3A_201 {offsets = [10], sizes = [1], strides = [1]} : vector<16xi32> to vector<1xi32>
      %squeeze3A_302 = vector.extract %slice3A_301[0] : i32 from vector<1xi32>
      %gt3A_303 = arith.cmpf ogt, %squeeze3A_300, %select_n3A_297 : f32
      %eq3A_304 = arith.cmpf oeq, %squeeze3A_300, %select_n3A_297 : f32
      %lt3A_305 = arith.cmpi slt, %squeeze3A_302, %select_n3A_298 : i32
      %and3A_306 = arith.andi %eq3A_304, %lt3A_305 : i1
      %or3A_307 = arith.ori %gt3A_303, %and3A_306 : i1
      %select_n3A_308 = arith.select %or3A_307, %squeeze3A_300, %select_n3A_297 : f32
      %select_n3A_309 = arith.select %or3A_307, %squeeze3A_302, %select_n3A_298 : i32
      %slice3A_310 = vector.extract_strided_slice %select_n3A_200 {offsets = [11], sizes = [1], strides = [1]} : vector<16xf32> to vector<1xf32>
      %squeeze3A_311 = vector.extract %slice3A_310[0] : f32 from vector<1xf32>
      %slice3A_312 = vector.extract_strided_slice %select_n3A_201 {offsets = [11], sizes = [1], strides = [1]} : vector<16xi32> to vector<1xi32>
      %squeeze3A_313 = vector.extract %slice3A_312[0] : i32 from vector<1xi32>
      %gt3A_314 = arith.cmpf ogt, %squeeze3A_311, %select_n3A_308 : f32
      %eq3A_315 = arith.cmpf oeq, %squeeze3A_311, %select_n3A_308 : f32
      %lt3A_316 = arith.cmpi slt, %squeeze3A_313, %select_n3A_309 : i32
      %and3A_317 = arith.andi %eq3A_315, %lt3A_316 : i1
      %or3A_318 = arith.ori %gt3A_314, %and3A_317 : i1
      %select_n3A_319 = arith.select %or3A_318, %squeeze3A_311, %select_n3A_308 : f32
      %select_n3A_320 = arith.select %or3A_318, %squeeze3A_313, %select_n3A_309 : i32
      %slice3A_321 = vector.extract_strided_slice %select_n3A_200 {offsets = [12], sizes = [1], strides = [1]} : vector<16xf32> to vector<1xf32>
      %squeeze3A_322 = vector.extract %slice3A_321[0] : f32 from vector<1xf32>
      %slice3A_323 = vector.extract_strided_slice %select_n3A_201 {offsets = [12], sizes = [1], strides = [1]} : vector<16xi32> to vector<1xi32>
      %squeeze3A_324 = vector.extract %slice3A_323[0] : i32 from vector<1xi32>
      %gt3A_325 = arith.cmpf ogt, %squeeze3A_322, %select_n3A_319 : f32
      %eq3A_326 = arith.cmpf oeq, %squeeze3A_322, %select_n3A_319 : f32
      %lt3A_327 = arith.cmpi slt, %squeeze3A_324, %select_n3A_320 : i32
      %and3A_328 = arith.andi %eq3A_326, %lt3A_327 : i1
      %or3A_329 = arith.ori %gt3A_325, %and3A_328 : i1
      %select_n3A_330 = arith.select %or3A_329, %squeeze3A_322, %select_n3A_319 : f32
      %select_n3A_331 = arith.select %or3A_329, %squeeze3A_324, %select_n3A_320 : i32
      %slice3A_332 = vector.extract_strided_slice %select_n3A_200 {offsets = [13], sizes = [1], strides = [1]} : vector<16xf32> to vector<1xf32>
      %squeeze3A_333 = vector.extract %slice3A_332[0] : f32 from vector<1xf32>
      %slice3A_334 = vector.extract_strided_slice %select_n3A_201 {offsets = [13], sizes = [1], strides = [1]} : vector<16xi32> to vector<1xi32>
      %squeeze3A_335 = vector.extract %slice3A_334[0] : i32 from vector<1xi32>
      %gt3A_336 = arith.cmpf ogt, %squeeze3A_333, %select_n3A_330 : f32
      %eq3A_337 = arith.cmpf oeq, %squeeze3A_333, %select_n3A_330 : f32
      %lt3A_338 = arith.cmpi slt, %squeeze3A_335, %select_n3A_331 : i32
      %and3A_339 = arith.andi %eq3A_337, %lt3A_338 : i1
      %or3A_340 = arith.ori %gt3A_336, %and3A_339 : i1
      %select_n3A_341 = arith.select %or3A_340, %squeeze3A_333, %select_n3A_330 : f32
      %select_n3A_342 = arith.select %or3A_340, %squeeze3A_335, %select_n3A_331 : i32
      %slice3A_343 = vector.extract_strided_slice %select_n3A_200 {offsets = [14], sizes = [1], strides = [1]} : vector<16xf32> to vector<1xf32>
      %squeeze3A_344 = vector.extract %slice3A_343[0] : f32 from vector<1xf32>
      %slice3A_345 = vector.extract_strided_slice %select_n3A_201 {offsets = [14], sizes = [1], strides = [1]} : vector<16xi32> to vector<1xi32>
      %squeeze3A_346 = vector.extract %slice3A_345[0] : i32 from vector<1xi32>
      %gt3A_347 = arith.cmpf ogt, %squeeze3A_344, %select_n3A_341 : f32
      %eq3A_348 = arith.cmpf oeq, %squeeze3A_344, %select_n3A_341 : f32
      %lt3A_349 = arith.cmpi slt, %squeeze3A_346, %select_n3A_342 : i32
      %and3A_350 = arith.andi %eq3A_348, %lt3A_349 : i1
      %or3A_351 = arith.ori %gt3A_347, %and3A_350 : i1
      %select_n3A_352 = arith.select %or3A_351, %squeeze3A_344, %select_n3A_341 : f32
      %select_n3A_353 = arith.select %or3A_351, %squeeze3A_346, %select_n3A_342 : i32
      %slice3A_354 = vector.extract_strided_slice %select_n3A_200 {offsets = [15], sizes = [1], strides = [1]} : vector<16xf32> to vector<1xf32>
      %squeeze3A_355 = vector.extract %slice3A_354[0] : f32 from vector<1xf32>
      %slice3A_356 = vector.extract_strided_slice %select_n3A_201 {offsets = [15], sizes = [1], strides = [1]} : vector<16xi32> to vector<1xi32>
      %squeeze3A_357 = vector.extract %slice3A_356[0] : i32 from vector<1xi32>
      %gt3A_358 = arith.cmpf ogt, %squeeze3A_355, %select_n3A_352 : f32
      %eq3A_359 = arith.cmpf oeq, %squeeze3A_355, %select_n3A_352 : f32
      %lt3A_360 = arith.cmpi slt, %squeeze3A_357, %select_n3A_353 : i32
      %and3A_361 = arith.andi %eq3A_359, %lt3A_360 : i1
      %or3A_362 = arith.ori %gt3A_358, %and3A_361 : i1
      %select_n3A_363 = arith.select %or3A_362, %squeeze3A_355, %select_n3A_352 : f32
      %select_n3A_364 = arith.select %or3A_362, %squeeze3A_357, %select_n3A_353 : i32
      %broadcast_in_dim3A_365 = vector.broadcast %select_n3A_364 : i32 to vector<16xi32>
      %swap3A = arith.index_cast %scan3A_152 : i32 to index
      %swap3A_366 = arith.constant 0 : index
      %swap3A_367 = tpu.vector_load %arg5[%swap3A, %swap3A_366] {strides = array<i32>} : memref<32x128xi32, #tpu.memory_space<vmem>>, vector<1x16xi32>,
      %swap3A_368 = vector.shape_cast %swap3A_367 : vector<1x16xi32> to vector<16xi32>
      %swap3A_369 = vector.shape_cast %broadcast_in_dim3A_365 : vector<16xi32> to vector<1x16xi32>
      tpu.vector_store %arg5[%swap3A, %swap3A_366], %swap3A_369 {strides = array<i32>} : memref<32x128xi32, #tpu.memory_space<vmem>>, vector<1x16xi32>,
      %swap3A_370 = arith.index_cast %scan3A_152 : i32 to index
      %swap3A_371 = arith.constant 16 : index
      %swap3A_372 = tpu.vector_load %arg5[%swap3A_370, %swap3A_371] {strides = array<i32>} : memref<32x128xi32, #tpu.memory_space<vmem>>, vector<1x16xi32>,
      %swap3A_373 = vector.shape_cast %swap3A_372 : vector<1x16xi32> to vector<16xi32>
      %swap3A_374 = vector.shape_cast %broadcast_in_dim3A_365 : vector<16xi32> to vector<1x16xi32>
      tpu.vector_store %arg5[%swap3A_370, %swap3A_371], %swap3A_374 {strides = array<i32>} : memref<32x128xi32, #tpu.memory_space<vmem>>, vector<1x16xi32>,
      %swap3A_375 = arith.index_cast %scan3A_152 : i32 to index
      %swap3A_376 = arith.constant 32 : index
      %swap3A_377 = tpu.vector_load %arg5[%swap3A_375, %swap3A_376] {strides = array<i32>} : memref<32x128xi32, #tpu.memory_space<vmem>>, vector<1x16xi32>,
      %swap3A_378 = vector.shape_cast %swap3A_377 : vector<1x16xi32> to vector<16xi32>
      %swap3A_379 = vector.shape_cast %broadcast_in_dim3A_365 : vector<16xi32> to vector<1x16xi32>
      tpu.vector_store %arg5[%swap3A_375, %swap3A_376], %swap3A_379 {strides = array<i32>} : memref<32x128xi32, #tpu.memory_space<vmem>>, vector<1x16xi32>,
      %swap3A_380 = arith.index_cast %scan3A_152 : i32 to index
      %swap3A_381 = arith.constant 48 : index
      %swap3A_382 = tpu.vector_load %arg5[%swap3A_380, %swap3A_381] {strides = array<i32>} : memref<32x128xi32, #tpu.memory_space<vmem>>, vector<1x16xi32>,
      %swap3A_383 = vector.shape_cast %swap3A_382 : vector<1x16xi32> to vector<16xi32>
      %swap3A_384 = vector.shape_cast %broadcast_in_dim3A_365 : vector<16xi32> to vector<1x16xi32>
      tpu.vector_store %arg5[%swap3A_380, %swap3A_381], %swap3A_384 {strides = array<i32>} : memref<32x128xi32, #tpu.memory_space<vmem>>, vector<1x16xi32>,
      %swap3A_385 = arith.index_cast %scan3A_152 : i32 to index
      %swap3A_386 = arith.constant 64 : index
      %swap3A_387 = tpu.vector_load %arg5[%swap3A_385, %swap3A_386] {strides = array<i32>} : memref<32x128xi32, #tpu.memory_space<vmem>>, vector<1x16xi32>,
      %swap3A_388 = vector.shape_cast %swap3A_387 : vector<1x16xi32> to vector<16xi32>
      %swap3A_389 = vector.shape_cast %broadcast_in_dim3A_365 : vector<16xi32> to vector<1x16xi32>
      tpu.vector_store %arg5[%swap3A_385, %swap3A_386], %swap3A_389 {strides = array<i32>} : memref<32x128xi32, #tpu.memory_space<vmem>>, vector<1x16xi32>,
      %swap3A_390 = arith.index_cast %scan3A_152 : i32 to index
      %swap3A_391 = arith.constant 80 : index
      %swap3A_392 = tpu.vector_load %arg5[%swap3A_390, %swap3A_391] {strides = array<i32>} : memref<32x128xi32, #tpu.memory_space<vmem>>, vector<1x16xi32>,
      %swap3A_393 = vector.shape_cast %swap3A_392 : vector<1x16xi32> to vector<16xi32>
      %swap3A_394 = vector.shape_cast %broadcast_in_dim3A_365 : vector<16xi32> to vector<1x16xi32>
      tpu.vector_store %arg5[%swap3A_390, %swap3A_391], %swap3A_394 {strides = array<i32>} : memref<32x128xi32, #tpu.memory_space<vmem>>, vector<1x16xi32>,
      %swap3A_395 = arith.index_cast %scan3A_152 : i32 to index
      %swap3A_396 = arith.constant 96 : index
      %swap3A_397 = tpu.vector_load %arg5[%swap3A_395, %swap3A_396] {strides = array<i32>} : memref<32x128xi32, #tpu.memory_space<vmem>>, vector<1x16xi32>,
      %swap3A_398 = vector.shape_cast %swap3A_397 : vector<1x16xi32> to vector<16xi32>
      %swap3A_399 = vector.shape_cast %broadcast_in_dim3A_365 : vector<16xi32> to vector<1x16xi32>
      tpu.vector_store %arg5[%swap3A_395, %swap3A_396], %swap3A_399 {strides = array<i32>} : memref<32x128xi32, #tpu.memory_space<vmem>>, vector<1x16xi32>,
      %swap3A_400 = arith.index_cast %scan3A_152 : i32 to index
      %swap3A_401 = arith.constant 112 : index
      %swap3A_402 = tpu.vector_load %arg5[%swap3A_400, %swap3A_401] {strides = array<i32>} : memref<32x128xi32, #tpu.memory_space<vmem>>, vector<1x16xi32>,
      %swap3A_403 = vector.shape_cast %swap3A_402 : vector<1x16xi32> to vector<16xi32>
      %swap3A_404 = vector.shape_cast %broadcast_in_dim3A_365 : vector<16xi32> to vector<1x16xi32>
      tpu.vector_store %arg5[%swap3A_400, %swap3A_401], %swap3A_404 {strides = array<i32>} : memref<32x128xi32, #tpu.memory_space<vmem>>, vector<1x16xi32>,
      %scan3A_405 = arith.constant 0 : i32
      scf.yield %scan3A_405 : i32
    }
    %scan3A_149 = arith.constant 32 : i32
    %add3A_150 = arith.constant 96 : i32
    %add3A_151 = arith.addi %mul3A_2, %add3A_150 : i32
    "tpu.region"() ({
      %run_scoped3A = tpu.sem_alloc : memref<!tpu.dma_semaphore, #tpu.memory_space<semaphore_mem>>
      %dma_start3A_152 = arith.constant 0 : i32
      %dma_start3A_153 = tpu.memref_slice %arg3[%add3A_151, %dma_start3A_152] : memref<4096x128xi32, #tpu.memory_space<hbm>> -> memref<32x128xi32, #tpu.memory_space<hbm>>
      %dma_start3A_154 = arith.constant 0 : i32
      %dma_start3A_155 = tpu.memref_slice %arg3[%add3A_151, %dma_start3A_154] : memref<4096x128xi32, #tpu.memory_space<hbm>> -> memref<32x128xi32, #tpu.memory_space<hbm>>
      tpu.enqueue_dma source(%arg5 : memref<32x128xi32, #tpu.memory_space<vmem>>) target(%dma_start3A_155 : memref<32x128xi32, #tpu.memory_space<hbm>>) target_semaphore(%run_scoped3A : memref<!tpu.dma_semaphore, #tpu.memory_space<semaphore_mem>>)
      %dma_wait3A_156 = arith.constant 0 : i32
      %dma_wait3A_157 = tpu.memref_slice %arg3[%add3A_151, %dma_wait3A_156] : memref<4096x128xi32, #tpu.memory_space<hbm>> -> memref<32x128xi32, #tpu.memory_space<hbm>>
      %dma_wait3A_158 = arith.constant 0 : i32
      %dma_wait3A_159 = tpu.memref_slice %arg3[%add3A_151, %dma_wait3A_158] : memref<4096x128xi32, #tpu.memory_space<hbm>> -> memref<32x128xi32, #tpu.memory_space<hbm>>
      tpu.wait_dma2 semaphore(%run_scoped3A : memref<!tpu.dma_semaphore, #tpu.memory_space<semaphore_mem>>) src(%arg5 : memref<32x128xi32, #tpu.memory_space<vmem>>) dst(%dma_wait3A_159 : memref<32x128xi32, #tpu.memory_space<hbm>>)
      tpu.yield
    }) : () -> ()
    return
  }
}

module attributes {stable_mosaic.version = 14 : i64} {
  func.func @_tc_kernel(%arg0: i32, %arg1: memref<1024x1000xf32, #tpu.memory_space<vmem>>, %arg2: memref<1024x128xi32, #tpu.memory_space<vmem>>, %arg3: memref<1x1000xi32, #tpu.memory_space<vmem>>, %arg4: memref<1x1xf32, #tpu.memory_space<vmem>>, %arg5: memref<1x1xf32, #tpu.memory_space<vmem>>) attributes {dimension_semantics = [#tpu.dimension_semantics<arbitrary>], iteration_bounds = array<i64: 4>, scalar_prefetch = 0 : i64, scratch_operands = 0 : i64, tpu.core_type = #tpu.core_type<tc>, window_params = [{transform_indices = @transform_0, window_bounds = array<i64: 1024, 1000>}, {transform_indices = @transform_1, window_bounds = array<i64: 1024, 128>}, {pipeline_mode = #tpu.pipeline_mode<synchronous>, transform_indices = @transform_2, window_bounds = array<i64: 1, 1000>}, {pipeline_mode = #tpu.pipeline_mode<synchronous>, transform_indices = @transform_3, window_bounds = array<i64: 1, 1>}, {pipeline_mode = #tpu.pipeline_mode<synchronous>, transform_indices = @transform_4, window_bounds = array<i64: 1, 1>}]} {
    %get3A = arith.constant 0 : index
    %get3A_0 = arith.constant 0 : index
    %get3A_1 = vector.load %arg1[%get3A, %get3A_0] : memref<1024x1000xf32, #tpu.memory_space<vmem>>, vector<1024x1000xf32>
    %iota3A = tpu.iota {dimensions = array<i32: 1>} : vector<1024x1000xi32>
    %get3A_2 = arith.constant 0 : index
    %get3A_3 = arith.constant 0 : index
    %get3A_4 = vector.load %arg2[%get3A_2, %get3A_3] : memref<1024x128xi32, #tpu.memory_space<vmem>>, vector<1024x1xi32>
    %get3A_5 = arith.constant 0 : index
    %get3A_6 = arith.constant 0 : index
    %get3A_7 = vector.load %arg3[%get3A_5, %get3A_6] : memref<1x1000xi32, #tpu.memory_space<vmem>>, vector<1x1000xi32>
    %get3A_8 = vector.shape_cast %get3A_7 : vector<1x1000xi32> to vector<1000xi32>
    %broadcast_in_dim3A = vector.shape_cast %get3A_8 : vector<1000xi32> to vector<1x1000xi32>
    %eq3A = vector.broadcast %get3A_4 : vector<1024x1xi32> to vector<1024x1000xi32>
    %eq3A_9 = arith.cmpi eq, %iota3A, %eq3A : vector<1024x1000xi32>
    %jit3A = arith.constant 0.000000e+00 : f32
    %broadcast_in_dim3A_10 = vector.broadcast %jit3A : f32 to vector<1024x1000xf32>
    %select_n3A = arith.select %eq3A_9, %get3A_1, %broadcast_in_dim3A_10 : vector<1024x1000xi1>, vector<1024x1000xf32>
    %reduce_sum3A = arith.constant dense<0.000000e+00> : vector<1024xf32>
    %reduce_sum3A_11 = vector.multi_reduction <add>, %select_n3A, %reduce_sum3A [1] : vector<1024x1000xf32> to vector<1024xf32>
    %broadcast_in_dim3A_12 = vector.shape_cast %reduce_sum3A_11 : vector<1024xf32> to vector<1024x1xf32>
    %eq3A_13 = vector.broadcast %broadcast_in_dim3A : vector<1x1000xi32> to vector<1024x1000xi32>
    %eq3A_14 = vector.broadcast %get3A_4 : vector<1024x1xi32> to vector<1024x1000xi32>
    %eq3A_15 = arith.cmpi eq, %eq3A_13, %eq3A_14 : vector<1024x1000xi32>
    %jit3A_16 = arith.constant 0.000000e+00 : f32
    %broadcast_in_dim3A_17 = vector.broadcast %jit3A_16 : f32 to vector<1024x1000xf32>
    %select_n3A_18 = arith.select %eq3A_15, %get3A_1, %broadcast_in_dim3A_17 : vector<1024x1000xi1>, vector<1024x1000xf32>
    %reduce_sum3A_19 = arith.constant dense<0.000000e+00> : vector<1024xf32>
    %reduce_sum3A_20 = vector.multi_reduction <add>, %select_n3A_18, %reduce_sum3A_19 [1] : vector<1024x1000xf32> to vector<1024xf32>
    %broadcast_in_dim3A_21 = vector.shape_cast %reduce_sum3A_20 : vector<1024xf32> to vector<1024x1xf32>
    %neg3A = arith.constant 0.000000e+00 : f32
    %neg3A_22 = vector.broadcast %neg3A : f32 to vector<1024x1000xf32>
    %neg3A_23 = arith.subf %neg3A_22, %get3A_1 : vector<1024x1000xf32>
    %exp3A = math.exp %neg3A_23 : vector<1024x1000xf32>
    %reduce_sum3A_24 = arith.constant dense<0.000000e+00> : vector<1024xf32>
    %reduce_sum3A_25 = vector.multi_reduction <add>, %exp3A, %reduce_sum3A_24 [1] : vector<1024x1000xf32> to vector<1024xf32>
    %broadcast_in_dim3A_26 = vector.shape_cast %reduce_sum3A_25 : vector<1024xf32> to vector<1024x1xf32>
    %neg3A_27 = arith.constant 0.000000e+00 : f32
    %neg3A_28 = vector.broadcast %neg3A_27 : f32 to vector<1024x1xf32>
    %neg3A_29 = arith.subf %neg3A_28, %broadcast_in_dim3A_12 : vector<1024x1xf32>
    %exp3A_30 = math.exp %neg3A_29 : vector<1024x1xf32>
    %sub3A = arith.subf %broadcast_in_dim3A_26, %exp3A_30 : vector<1024x1xf32>
    %get3A_31 = arith.constant 0 : index
    %get3A_32 = arith.constant 0 : index
    %get3A_33 = vector.load %arg4[%get3A_31, %get3A_32] : memref<1x1xf32, #tpu.memory_space<vmem>>, vector<1x1xf32>
    %get3A_34 = vector.extract %get3A_33[0, 0] : f32 from vector<1x1xf32>
    %exp3A_35 = math.exp %get3A_34 : f32
    %exp3A_36 = math.exp %broadcast_in_dim3A_21 : vector<1024x1xf32>
    %mul3A = vector.broadcast %exp3A_35 : f32 to vector<1024x1xf32>
    %mul3A_37 = arith.mulf %mul3A, %exp3A_36 : vector<1024x1xf32>
    %log1p3A = math.log1p %mul3A_37 : vector<1024x1xf32>
    %log1p3A_38 = math.log1p %sub3A : vector<1024x1xf32>
    %add3A = arith.addf %log1p3A, %log1p3A_38 : vector<1024x1xf32>
    %reduce_sum3A_39 = vector.shape_cast %add3A : vector<1024x1xf32> to vector<1x1024x1xf32>
    %reduce_sum3A_40 = arith.constant dense<0.000000e+00> : vector<1xf32>
    %reduce_sum3A_41 = vector.multi_reduction <add>, %reduce_sum3A_39, %reduce_sum3A_40 [1, 2] : vector<1x1024x1xf32> to vector<1xf32>
    %reduce_sum3A_42 = vector.shape_cast %reduce_sum3A_41 : vector<1xf32> to vector<1x1x1xf32>
    %reduce_sum3A_43 = vector.extract %reduce_sum3A_42[0, 0, 0] : f32 from vector<1x1x1xf32>
    %reshape3A = vector.broadcast %reduce_sum3A_43 : f32 to vector<1x1xf32>
    %eq3A_44 = arith.constant 0 : i32
    %eq3A_45 = arith.cmpi eq, %arg0, %eq3A_44 : i32
    %convert_element_type3A = arith.extui %eq3A_45 : i1 to i32
    %cond3A = arith.constant 0 : i32
    %cond3A_46 = arith.cmpi ne, %convert_element_type3A, %cond3A : i32
    scf.if %cond3A_46 {
      %swap3A = arith.constant 0 : index
      %swap3A_56 = arith.constant 0 : index
      %swap3A_57 = vector.load %arg5[%swap3A, %swap3A_56] : memref<1x1xf32, #tpu.memory_space<vmem>>, vector<1x1xf32>
      tpu.vector_store %arg5[%swap3A, %swap3A_56], %reshape3A {strides = array<i32>} : memref<1x1xf32, #tpu.memory_space<vmem>>, vector<1x1xf32>,
    } else {
    }
    %gt3A = arith.constant 0 : i32
    %gt3A_47 = arith.cmpi sgt, %arg0, %gt3A : i32
    %convert_element_type3A_48 = arith.extui %gt3A_47 : i1 to i32
    %cond3A_49 = arith.constant 0 : i32
    %cond3A_50 = arith.cmpi ne, %convert_element_type3A_48, %cond3A_49 : i32
    scf.if %cond3A_50 {
      %get3A_56 = arith.constant 0 : index
      %get3A_57 = arith.constant 0 : index
      %get3A_58 = vector.load %arg5[%get3A_56, %get3A_57] : memref<1x1xf32, #tpu.memory_space<vmem>>, vector<1x1xf32>
      %add3A_59 = arith.addf %get3A_58, %reshape3A : vector<1x1xf32>
      %swap3A = arith.constant 0 : index
      %swap3A_60 = arith.constant 0 : index
      %swap3A_61 = vector.load %arg5[%swap3A, %swap3A_60] : memref<1x1xf32, #tpu.memory_space<vmem>>, vector<1x1xf32>
      tpu.vector_store %arg5[%swap3A, %swap3A_60], %add3A_59 {strides = array<i32>} : memref<1x1xf32, #tpu.memory_space<vmem>>, vector<1x1xf32>,
    } else {
    }
    %eq3A_51 = arith.constant 3 : i32
    %eq3A_52 = arith.cmpi eq, %arg0, %eq3A_51 : i32
    %convert_element_type3A_53 = arith.extui %eq3A_52 : i1 to i32
    %cond3A_54 = arith.constant 0 : i32
    %cond3A_55 = arith.cmpi ne, %convert_element_type3A_53, %cond3A_54 : i32
    scf.if %cond3A_55 {
      %get3A_56 = arith.constant 0 : index
      %get3A_57 = arith.constant 0 : index
      %get3A_58 = vector.load %arg5[%get3A_56, %get3A_57] : memref<1x1xf32, #tpu.memory_space<vmem>>, vector<1x1xf32>
      %mul3A_59 = arith.constant 2.44140625E-4 : f32
      %mul3A_60 = vector.broadcast %mul3A_59 : f32 to vector<1x1xf32>
      %mul3A_61 = arith.mulf %get3A_58, %mul3A_60 : vector<1x1xf32>
      %swap3A = arith.constant 0 : index
      %swap3A_62 = arith.constant 0 : index
      %swap3A_63 = vector.load %arg5[%swap3A, %swap3A_62] : memref<1x1xf32, #tpu.memory_space<vmem>>, vector<1x1xf32>
      tpu.vector_store %arg5[%swap3A, %swap3A_62], %mul3A_61 {strides = array<i32>} : memref<1x1xf32, #tpu.memory_space<vmem>>, vector<1x1xf32>,
    } else {
    }
    return
  }
  func.func @transform_0(%arg0: i32) -> (i32, i32) {
    %c0_i32 = arith.constant 0 : i32
    %c0_i32_0 = arith.constant 0 : i32
    return %arg0, %c0_i32 : i32, i32
  }
  func.func @transform_1(%arg0: i32) -> (i32, i32) {
    %c0_i32 = arith.constant 0 : i32
    %c0_i32_0 = arith.constant 0 : i32
    return %arg0, %c0_i32 : i32, i32
  }
  func.func @transform_2(%arg0: i32) -> (i32, i32) {
    %c0_i32 = arith.constant 0 : i32
    %c0_i32_0 = arith.constant 0 : i32
    %c0_i32_1 = arith.constant 0 : i32
    return %c0_i32, %c0_i32_0 : i32, i32
  }
  func.func @transform_3(%arg0: i32) -> (i32, i32) {
    %c0_i32 = arith.constant 0 : i32
    %c0_i32_0 = arith.constant 0 : i32
    %c0_i32_1 = arith.constant 0 : i32
    return %c0_i32, %c0_i32_0 : i32, i32
  }
  func.func @transform_4(%arg0: i32) -> (i32, i32) {
    %c0_i32 = arith.constant 0 : i32
    %c0_i32_0 = arith.constant 0 : i32
    %c0_i32_1 = arith.constant 0 : i32
    return %c0_i32, %c0_i32_0 : i32, i32
  }
}

</mosaic_0001>

<sc_bundles>
// kernel: kernel.4.cloned.1.call-start
scs
__scs_entry_jumppad:
0x0: {  	(pc) =	sbr.rel $0x88, $3  }
0x1: {  	(tag) =	ssettag $0x0;
	lr =	simm.s32 $0x1  }
0x2: {  	[smem:$0x3F9D] =	sst lr;
	_ =	strace $0xD0000000  }
0x3: {  	_ = 	snop  }
0x4: {  	_ = 	snop  }
0x5: {  	_ = 	snop  }
0x6: {  	_ = 	snop  }
0x7: {  	_ = 	snop  }
__scs_overlays_trampoline_lowered:
0x8: {  	[smem:$0x3FAC] =	sst s0  }
0x9: {  	[smem:$0x3FAD] =	sst s1  }
0xa: {  	[smem:$0x3FAE] =	sst s2  }
0xb: {  	[smem:$0x3FAF] =	sst s3  }
0xc: {  	[smem:$0x3FB0] =	sst s4  }
0xd: {  	[smem:$0x3FB1] =	sst s5  }
0xe: {  	[smem:$0x3FB2] =	sst s6  }
0xf: {  	[smem:$0x3FB3] =	sst s7  }
0x10: {  	[smem:$0x3FB4] =	sst s8  }
0x11: {  	[smem:$0x3FB5] =	sst s9;
	s0 =	simm.s32 @!p0 $0x0  }
0x12: {  	s1 =	sld [smem:$0x3F9B];
	s0 =	simm.s32 @p0 $0x1  }
0x13: {  	[smem:$0x3FB6] =	sst s0;
	s0 =	simm.s32 @!p1 $0x0  }
0x14: {  	s2 =	sld [smem:$0x3F9A];
	s0 =	simm.s32 @p1 $0x1  }
0x15: {  	[smem:$0x3FB7] =	sst s0;
	s0 =	simm.s32 @!p2 $0x0  }
0x16: {  	s3 =	sld [smem:$0x3FDB];
	s0 =	simm.s32 @p2 $0x1  }
0x17: {  	s4 =	simm.s32 $0x1BF5;
	[smem:$0x3FB9] =	sst s0  }
0x18: {  	s0 =	sld [smem:$0x3F9C];
	_ =	swait.ge [sflag:s4], $0x0  }
0x19: {  	s7 =	sld [smem:$0x3F9D]  }
0x1a: {  	s8 =	sadd.s32 $0xFFFFE003, lr  }
0x1b: {  	s9 =	sadd.s32 $0xFFFFFEF7, lr;
	s5 =	simm.s32 $0xFFFFFFFF;
	p2 =	slt.u32 s8, $0xFFFFF086  }
0x1c: {  	p1 =	slt.u32 s9, $0xF7A;
	s5 =	simm.s32 @!p2 $0x0  }
0x1d: {  	s5 =	simm.s32 @p1 $0x1;
	p0 =	seq.s32 s7, s2  }
0x1e: {  	s7 =	smul.u32 @!p0 $0xF7A, s2;
	p2 =	seq.s32 @!p0 s5, $0x0  }
0x1f: {  	s9 =	smul.u32 $0xF7A, s1;
	s8 =	simm.s32 @!p0 $0x1BF5;
	p2 =	por !p2, p0  }
0x20: {  	[sflag:s8] =	ssyncset.s32 @!p0 $0xFFFFF086;
	s6 =	sadd.s32 @!p0 s3, s7;
	s7 =	simm.s32 @!p0 $0x108  }
0x21: {  	s3 =	sadd.s32 s3, s9;
	s6 =	sadd.s32 @!p0 $0x88, s6;
	s7 =	simm.s32 @p2 $0x1082  }
0x22: {  	[simem:s7], [sflag:s8] =	dma.local @!p0 [hbm:s6], $0xF7A  }
0x23: {  	s9 =	sor.u32 $0xD0000000, s2;
	s6 =	simm.s32 $0x108;
	_ =	swait.ge @!p0 [sflag:s8], $0x0  }
0x24: {  	s3 =	sadd.s32 $0x88, s3;
	s6 =	simm.s32 @!p1 $0x1082;
	[sflag:s4] =	ssyncset.s32 $0xFFFFF086  }
0x25: {  	[simem:s6], [sflag:s4] =	dma.local [hbm:s3], $0xF7A  }
0x26: {  	[smem:$0x3F9D] =	sst s1;
	(tag) =	ssettag s2;
	_ =	strace s9  }
0x27: {  	s1 =	sld [smem:$0x3FAD]  }
0x28: {  	s2 =	sld [smem:$0x3FAE]  }
0x29: {  	s4 =	sld [smem:$0x3FB0]  }
0x2a: {  	p0 =	seq.s32 s5, $0x0;
	s5 =	sld [smem:$0x3FB1]  }
0x2b: {  	s6 =	sld [smem:$0x3FB2]  }
0x2c: {  	s7 =	sld [smem:$0x3FB3]  }
0x2d: {  	s3 =	simm.s32 $0x108;
	s8 =	sld [smem:$0x3FB4]  }
0x2e: {  	s3 =	simm.s32 @!p0 $0x1082;
	s9 =	sld [smem:$0x3FB5]  }
0x2f: {  	lr =	sadd.s32 s0, s3;
	s0 =	sld [smem:$0x3FAC]  }
0x30: {  	s3 =	sld [smem:$0x3FAF]  }
0x31: {  	[smem:$0x3FB8] =	sst s10  }
0x32: {  	s10 =	sld [smem:$0x3FB6];
	_ =	sdelay $0x3  }
0x33: {  	p0 =	seq.s32 s10, $0x1;
	s10 =	sld [smem:$0x3FB8];
	_ =	sdelay $0x3  }
0x34: {  	[smem:$0x3FB8] =	sst s10  }
0x35: {  	s10 =	sld [smem:$0x3FB7];
	_ =	sdelay $0x3  }
0x36: {  	p1 =	seq.s32 s10, $0x1;
	s10 =	sld [smem:$0x3FB8];
	_ =	sdelay $0x3  }
0x37: {  	[smem:$0x3FB8] =	sst s10  }
0x38: {  	s10 =	sld [smem:$0x3FB9]  }
0x39: {  	_ = 	snop;
	(pc) =	sbr.ind lr, $3  }
0x3a: {  	_ = 	snop  }
0x3b: {  	_ = 	snop  }
0x3c: {  	p2 =	seq.s32 s10, $0x1;
	s10 =	sld [smem:$0x3FB8]  }
0x3d: {  	_ =	shalt  }
0x3e: {  	_ =	shalt  }
0x3f: {  	_ =	shalt  }
0x40: {  	_ =	shalt  }
0x41: {  	_ =	shalt  }
0x42: {  	_ =	shalt  }
0x43: {  	_ =	shalt  }
0x44: {  	_ =	shalt  }
0x45: {  	_ =	shalt  }
0x46: {  	_ =	shalt  }
0x47: {  	_ =	shalt  }
0x48: {  	_ =	shalt  }
0x49: {  	_ =	shalt  }
0x4a: {  	_ =	shalt  }
0x4b: {  	_ =	shalt  }
0x4c: {  	_ =	shalt  }
0x4d: {  	_ =	shalt  }
0x4e: {  	_ =	shalt  }
0x4f: {  	_ =	shalt  }
0x50: {  	_ =	shalt  }
0x51: {  	_ =	shalt  }
0x52: {  	_ =	shalt  }
0x53: {  	_ =	shalt  }
0x54: {  	_ =	shalt  }
0x55: {  	_ =	shalt  }
0x56: {  	_ =	shalt  }
0x57: {  	_ =	shalt  }
0x58: {  	_ =	shalt  }
0x59: {  	_ =	shalt  }
0x5a: {  	_ =	shalt  }
0x5b: {  	_ =	shalt  }
0x5c: {  	_ =	shalt  }
0x5d: {  	_ =	shalt  }
0x5e: {  	_ =	shalt  }
0x5f: {  	_ =	shalt  }
0x60: {  	_ =	shalt  }
0x61: {  	_ =	shalt  }
0x62: {  	_ =	shalt  }
0x63: {  	_ =	shalt  }
0x64: {  	_ =	shalt  }
0x65: {  	_ =	shalt  }
0x66: {  	_ =	shalt  }
0x67: {  	_ =	shalt  }
0x68: {  	_ =	shalt  }
0x69: {  	_ =	shalt  }
0x6a: {  	_ =	shalt  }
0x6b: {  	_ =	shalt  }
0x6c: {  	_ =	shalt  }
0x6d: {  	_ =	shalt  }
0x6e: {  	_ =	shalt  }
0x6f: {  	_ =	shalt  }
0x70: {  	_ =	shalt  }
0x71: {  	_ =	shalt  }
0x72: {  	_ =	shalt  }
0x73: {  	_ =	shalt  }
0x74: {  	_ =	shalt  }
0x75: {  	_ =	shalt  }
0x76: {  	_ =	shalt  }
0x77: {  	_ =	shalt  }
0x78: {  	_ =	shalt  }
0x79: {  	_ =	shalt  }
0x7a: {  	_ =	shalt  }
0x7b: {  	_ =	shalt  }
0x7c: {  	_ =	shalt  }
0x7d: {  	_ =	shalt  }
0x7e: {  	_ =	shalt  }
0x7f: {  	_ =	shalt  }
0x80: {  	_ =	shalt  }
0x81: {  	_ =	shalt  }
0x82: {  	_ =	shalt  }
0x83: {  	_ =	shalt  }
0x84: {  	_ =	shalt  }
0x85: {  	_ =	shalt  }
0x86: {  	_ =	shalt  }
0x87: {  	_ =	shalt  }
.Lfunc_end0:
.L_simem_size_0:
called_computation_lowered:
.L_overlay_start_0:
0x88: {  	s2 =	sld [smem:$0x3FD9]  }
0x89: {  	s3 =	sld [smem:$0x3FFE];
	_ =	sdelay $0x1  }
0x8a: {  	s1 =	srdreg.scid  }
0x8b: {  	s0 =	sand.u32 $0x1, s1  }
0x8c: {  	s16 =	sshll.u32 s0, $0xA;
	s2 =	sadd.s32 s3, s2  }
0x8d: {  	s2 =	sadd.s32 s2, s16  }
0x8e: {  	[smem:$0x3FC4] =	sst s2  }
0x8f: {  	_ = 	snop  }
0x90: {  	(tm) =	ssettm $0x1  }
0x91: {  	s17 =	sld [smem:$0x3FFB];
	_ =	sdelay $0x3  }
0x92: {  	_ =	strace s17  }
0x93: {  	s2 =	sld [smem:$0x3FFC];
	_ =	sdelay $0x3  }
0x94: {  	_ =	strace s2  }
0x95: {  	s2 =	sld [smem:$0x3FFD];
	_ =	sdelay $0x3  }
0x96: {  	_ =	strace s2  }
0x97: {  	_ =	strace $0x8FFFFFFF  }
0x98: {  	s18 =	sld [smem:$0x3FDB];
	_ =	sdelay $0x1  }
0x99: {  	s19 =	simm.s32 $_scs_section_size  }
0x9a: {  	s4 =	simm.s32 $_size__tile_overlayer_lowered;
	s5 =	simm.s32 $_tile_overlayer_lowered  }
0x9b: {  	s22 =	simm.s32 $0x1BFF;
	s21 =	sshll.u32 s5, $0x1;
	s2 =	sadd.s32 s19, s18  }
0x9c: {  	s6 =	simm.s32 $0x0;
	s20 =	sshll.u32 s4, $0x1;
	s4 =	sadd.s32 s21, s2  }
0x9d: {  	[timem:s6], [sflag:s22] =	dma.local [hbm:s4], s20  }
0x9e: {  	_ =	swait.ge [sflag:s22], s20  }
0x9f: {  	s3 =	ssub.s32 $0x0, s20;
	[sflag:s22] =	ssyncset.done $0x0  }
0xa0: {  	[sflag:s22] =	ssyncadd.s32 s3;
	_ =	sdelay $0x1  }
0xa1: {  	s23 =	simm.s32 $0x1B8B  }
0xa2: {  	_ =	swait.ge [sflag:s23], $0x1  }
0xa3: {  	[sflag:s23] =	ssyncset.done $0x0  }
0xa4: {  	s25 =	simm.s32 $0x1B8E;
	s24 =	sld [smem:$0x3FFE];
	[sflag:s23] =	ssyncadd.s32 $0xFFFFFFFF  }
0xa5: {  	s26 =	simm.s32 $execute0_lowered;
	[smem:$0x3FD2] =	sst s25  }
0xa6: {  	s4 =	sshll.u32 s26, $0x1;
	_ =	strace $0x80000046;
	[dreg:$0x1] =	wrdreg $0xFFFFFFFF  }
0xa7: {  	s28 =	simm.s32 $_size_execute0_lowered;
	s2 =	sadd.s32 s2, s4;
	[dreg:$0x0] =	wrdreg $0x0  }
0xa8: {  	s4 =	sshll.u32 s28, $0x1;
	[dreg:$0x2] =	wrdreg s2  }
0xa9: {  	[dreg:$0x3] =	wrdreg s4  }
0xaa: {  	[dreg:$0x4] =	wrdreg $0xC0  }
0xab: {  	_ =	task [dreg:s6], $0x5FFFF  }
0xac: {  	[dreg:$0x1] =	wrdreg $0xFFFFFFFF  }
0xad: {  	[dreg:$0x0] =	wrdreg $0x60  }
0xae: {  	[dreg:$0x2] =	wrdreg s24  }
0xaf: {  	[dreg:$0x3] =	wrdreg $0x9  }
0xb0: {  	_ =	task.clear_ibuf [dreg:s6], $0x4FFFF;
	_ =	strace $0x90000046  }
0xb1: {  	s29 =	simm.s32 $0x9;
	_ =	strace $0x80000048  }
0xb2: {  	_ =	swait.ge [sflag:s29], $0x1  }
0xb3: {  	[sflag:s29] =	ssyncadd.s32 $0xFFFFFFFF  }
0xb4: {  	_ =	strace $0x90000048  }
0xb5: {  	_ =	sfence  }
0xb6: {  	s30 =	sld [smem:$0x0];
	_ =	sdelay $0x2  }
0xb7: {  	s31 =	sshll.u32 s1, $0xD;
	s1 =	sshrl.u32 s1, $0x2  }
0xb8: {  	s3 =	sand.u32 $0x4000, s31;
	s1 =	sadd.s32 s1, s30  }
0xb9: {  	s0 =	sor.u32 s3, s0;
	s1 =	sshll.u32 s1, $0x11  }
0xba: {  	s0 =	sor.u32 s1, s0  }
0xbb: {  	s0 =	sadd.s32 $0x8F2B, s0  }
0xbc: {  	[sflag:s0] =	ssyncadd.remote.s32 $0x1  }
0xbd: {  	_ =	sfence.sel $0xFFFF  }
0xbe: {  	[dreg:$0x0] =	wrdreg $0xFFFFFFFF;
	(pc) =	sbr.abs _section_cstart, $3  }
0xbf: {  	[dreg:$0x1] =	wrdreg $0xFFFFFFFF  }
0xc0: {  	_ =	task.clear_ibuf [dreg:s6], $0x2FFFF;
	_ =	strace $0x9FFFFFFF  }
0xc1: {  	(tm) =	ssettm $0x7FFFFFFF  }
tec
execute0_lowered:
.L_overlay_start_1:
0x0: {  	(tag) =	ssettag $0x1  }
0x1: {  	s0 =	rddreg [dreg:$0x0]  }
0x2: {  	s2 =	simm.s32 $0x0;
	s1 =	srdreg.scid;
	s3 =	stileid.u32  }
0x3: {  	s13 =	simm.s32 $0x1;
	s14 =	simm.s32 $0x10000;
	s15 =	simm.s32 $0x3  }
0x4: {  	s16 =	simm.s32 $0x2;
	s17 =	simm.s32 $0x0;
	[smem:$0x7FF] =	sst s2  }
0x5: {  	s1 =	sand.u32 $0x1, s1;
	s3 =	sshll.u32 s3, $0x8;
	s8 =	sadd.s32 $0x1800, s0  }
0x6: {  	s0 =	sadd.s32 $0x81800, s0;
	s4 =	sshll.u32 s1, $0x7;
	s1 =	ssub.s32 $0x2, s1  }
0x7: {  	v0 =	vimm.s32 $0xFEDCBA98;
	_ =	strace $0x80000047;
	s3 =	sor.u32 s4, s3;
	s26 =	sshrl.u32 s1, $0x1  }
0x8: {  	v1 =	vimm.s32 $0x76543210;
	v0 =	vunpack.c.l.s4.s8 v0;
	s6 =	sshrl.u32 s3, $0x3;
	s1 =	ssub.s32 s1, s26;
	s28 =	sshll.u32 s3, $0x7  }
0x9: {  	v1 =	vunpack.c.l.s4.s8 v1;
	s3 =	sshll.u32 s3, $0x4;
	s7 =	sor.u32 $0x4, s6;
	s4 =	sadd.s32 s8, s28  }
0xa: {  	v0 =	vunpack.c.0.s8.s32 v0;
	s5 =	sadd.s32 s0, s3;
	s30 =	sor.u32 $0x8, s6;
	s10 =	sor.u32 $0xC, s6  }
0xb: {  	v1 =	vunpack.c.0.s8.s32 v1;
	s11 =	smax.u32 s1, $0x1;
	[dreg:$0x2] =	wrdreg s4;
	s29 =	sshll.u32 s7, $0xA  }
0xc: {  	v2 =	vand.u32 $0xF, v0;
	s9 =	sshll.u32 s30, $0xA;
	s7 =	sshll.u32 s7, $0x7;
	s31 =	sshll.u32 s10, $0xA  }
0xd: {  	v0 =	vlaneseq.u32;
	s3 =	sshll.u32 s30, $0x7;
	s10 =	sshll.u32 s10, $0x7;
	v1 =	vcombine.low v2, v1;
	s4 =	sadd.s32 s8, s29  }
0xe: {  	v4 =	vadd.s32 $0x3D8, v0;
	s6 =	sadd.s32 s8, s9;
	s7 =	sadd.s32 s0, s7;
	s8 =	sadd.s32 s8, s31  }
0xf: {  	v2 =	vor.u32 $0x3C0, v0;
	v3 =	vor.u32 $0x3D0, v0;
	s9 =	sadd.s32 s0, s3;
	s10 =	sadd.s32 s0, s10;
	[dreg:$0x3] =	wrdreg s4;
	v4 =	vperm.xlane v4, v1  }
.LBB2_1:
0x10: {  	s0 =	rddreg [dreg:$0x2]  }
0x11: {  	[tilespmem:s2], [sflag:$0x1] =	stream.linear.gather [hbm4b:s0+s2], $0x8000, $0x38;
	[tilespmem:$0x11000] =	vst v63  }
0x12: {  	s31 =	rddreg [dreg:$0x3];
	s1 =	simm.s32 $0x8000  }
0x13: {  	[tilespmem:s1], [sflag:$0x2] =	stream.linear.gather [hbm4b:s31+s2], $0x8000, $0x38;
	[tilespmem:$0x11000] =	vst v63  }
0x14: {  	_ =	swait.ge [sflag:s13], $0x8000  }
0x15: {  	[sflag:s13] =	ssyncset.done $0x0  }
0x16: {  	s18 =	simm.s32 $0x0;
	[sflag:s13] =	ssyncadd.s32 $0xFFFF8000  }
.LBB2_2:
0x17: {  	s19 =	sshll.u32 s18, $0x7  }
0x18: {  	s21 =	sand.u32 $0x380, s19  }
0x19: {  	v5 =	vmov s21  }
0x1a: {  	s22 =	sshll.u32 s18, $0xA;
	s0 =	simm.s32 $0x0  }
0x1b: {  	s26 =	simm.s32 $0x0;
	s28 =	sand.u32 $0x6000, s22;
	s0 =	sand.u32 $0x1C00, s0  }
0x1c: {  	s1 =	sand.u32 $0x40, s26;
	s3 =	sadd.s32 s0, s28  }
0x1d: {  	s25 =	simm.s32 $0x10;
	s0 =	sadd.s32 s1, s3  }
0x1e: {  	s12 =	sand.u32 $0x50, s25;
	v8 =	vld.idx.msk [tilespmem:v5+s0+$0x0 ss:$0x1], $0xffff  }
0x1f: {  	s24 =	simm.s32 $0x30;
	s23 =	simm.s32 $0x20;
	s1 =	sadd.s32 s12, s3  }
0x20: {  	s20 =	simm.s32 $0x70;
	s30 =	simm.s32 $0x200;
	s29 =	sand.u32 $0x60, s23;
	v6 =	vld.idx.msk [tilespmem:v5+s1+$0x0 ss:$0x1], $0xffff  }
0x21: {  	s31 =	simm.s32 $0xB0;
	s4 =	sadd.s32 s29, s3;
	s12 =	sand.u32 $0x70, s24  }
0x22: {  	v10 =	vimm.f32 $-Inf;
	v9 =	vimm.s32 $0x0;
	s29 =	simm.s32 $0x40;
	v7 =	vld.idx.msk [tilespmem:v5+s4+$0x0 ss:$0x1], $0xffff;
	s0 =	sand.u32 $0x1C00, s30;
	s1 =	sadd.s32 s12, s3  }
.LBB2_3:
0x23: {  	p0 =	sne.s32 s31, $0x3B0;
	s3 =	sand.u32 $0x40, s29;
	s12 =	sadd.s32 s0, s28;
	v11 =	vor.u32 s26, v0;
	vm0 =	vgt.f32 v8, v10;
	v12 =	vld.idx.msk [tilespmem:v5+s1+$0x0 ss:$0x1], $0xffff  }
0x24: {  	s1 =	sadd.s32 $0xFFFFFFE0, s20;
	s26 =	smov.u32 s29;
	s0 =	sadd.s32 s3, s12;
	v10 =	vsel vm0, v8, v10;
	v9 =	vsel vm0, v11, v9  }
0x25: {  	v11 =	vor.u32 s25, v0;
	s25 =	smov.u32 s1;
	v8 =	vld.idx.msk [tilespmem:v5+s0+$0x0 ss:$0x1], $0xffff;
	s0 =	sand.u32 $0x50, s1;
	vm0 =	vgt.f32 v6, v10;
	s1 =	smov.u32 s24  }
.Ltmp0:
0x26: {  	s3 =	sadd.s32 $0xFFFFFFF0, s20;
	s0 =	sadd.s32 s0, s12;
	v10 =	vsel vm0, v6, v10;
	v9 =	vsel vm0, v11, v9;
	(pc) =	sbr.rel @p0 .LBB2_3-.Ltmp0, $4  }
0x27: {  	s24 =	smov.u32 s20;
	v11 =	vor.u32 s23, v0;
	s23 =	smov.u32 s3;
	v6 =	vld.idx.msk [tilespmem:v5+s0+$0x0 ss:$0x1], $0xffff;
	s0 =	sand.u32 $0x60, s3;
	vm0 =	vgt.f32 v7, v10  }
0x28: {  	s20 =	smov.u32 s31;
	s0 =	sadd.s32 s0, s12;
	v10 =	vsel vm0, v7, v10;
	v9 =	vsel vm0, v11, v9  }
0x29: {  	s29 =	sadd.s32 $0xFFFFFFD0, s31;
	s30 =	sadd.s32 $0x200, s30;
	s3 =	sand.u32 $0x70, s24;
	v11 =	vor.u32 s1, v0;
	v7 =	vld.idx.msk [tilespmem:v5+s0+$0x0 ss:$0x1], $0xffff;
	vm0 =	vgt.f32 v12, v10  }
0x2a: {  	s31 =	sadd.s32 $0x40, s31;
	s1 =	sadd.s32 s3, s12;
	s0 =	sand.u32 $0x1C00, s30;
	v10 =	vsel vm0, v12, v10;
	v9 =	vsel vm0, v11, v9  }
0x2b: {  	_ =	sdelay $0x2  }
0x2c: {  	vm0 =	vgt.f32 v8, v10  }
0x2d: {  	s3 =	sand.u32 $0x40, s29;
	s0 =	sadd.s32 s0, s28;
	v11 =	vld.idx.msk [tilespmem:v5+s1+$0x0 ss:$0x1], $0xffff;
	v8 =	vsel vm0, v8, v10  }
0x2e: {  	s28 =	sadd.s32 s3, s0;
	s3 =	sadd.s32 $0xFFFFFFE0, s20;
	vm1 =	vgt.f32 v6, v8  }
0x2f: {  	v52 =	vld.idx.msk [tilespmem:v5+s28+$0x0 ss:$0x1], $0xffff;
	s30 =	sand.u32 $0x50, s3;
	v6 =	vsel vm1, v6, v8  }
0x30: {  	s12 =	sadd.s32 $0xFFFFFFF0, s20;
	s1 =	sadd.s32 s30, s0;
	vm2 =	vgt.f32 v7, v6  }
0x31: {  	s31 =	sand.u32 $0x60, s12;
	v53 =	vld.idx.msk [tilespmem:v5+s1+$0x0 ss:$0x1], $0xffff;
	v6 =	vsel vm2, v7, v6  }
0x32: {  	s1 =	sadd.s32 s31, s0;
	vm3 =	vgt.f32 v11, v6  }
0x33: {  	s4 =	sand.u32 $0x70, s20;
	v7 =	vld.idx.msk [tilespmem:v5+s1+$0x0 ss:$0x1], $0xffff;
	v6 =	vsel vm3, v11, v6  }
0x34: {  	s0 =	sadd.s32 s4, s0;
	vm4 =	vgt.f32 v52, v6  }
0x35: {  	s22 =	sor.u32 s22, s21;
	v5 =	vld.idx.msk [tilespmem:v5+s0+$0x0 ss:$0x1], $0xffff;
	v6 =	vsel vm4, v52, v6  }
0x36: {  	s21 =	sor.u32 $0x1C40, s22;
	vm5 =	vgt.f32 v53, v6  }
0x37: {  	v54 =	vor.u32 s26, v0;
	v55 =	vld [tilespmem:s21+$0x0];
	v6 =	vsel vm5, v53, v6  }
0x38: {  	v56 =	vor.u32 s25, v0;
	v9 =	vsel vm0, v54, v9;
	s28 =	sor.u32 $0x1C50, s22;
	vm10 =	vgt.f32 v7, v6  }
0x39: {  	v57 =	vor.u32 s23, v0;
	v9 =	vsel vm1, v56, v9;
	v6 =	vsel vm10, v7, v6;
	v7 =	vld [tilespmem:s28+$0x0]  }
0x3a: {  	v58 =	vor.u32 s24, v0;
	v9 =	vsel vm2, v57, v9;
	vm11 =	vgt.f32 v5, v6  }
0x3b: {  	v9 =	vsel vm3, v58, v9;
	v5 =	vsel vm11, v5, v6;
	v6 =	vor.u32 s29, v0  }
0x3c: {  	v59 =	vor.u32 s3, v0;
	v6 =	vsel vm4, v6, v9;
	vm12 =	vgt.f32 v55, v5  }
0x3d: {  	v60 =	vor.u32 s12, v0;
	v6 =	vsel vm5, v59, v6;
	v5 =	vsel vm12, v55, v5  }
0x3e: {  	v61 =	vor.u32 s20, v0;
	v6 =	vsel vm10, v60, v6;
	vm13 =	vgt.f32 v7, v5  }
0x3f: {  	v6 =	vsel vm11, v61, v6;
	v5 =	vsel vm13, v7, v5  }
0x40: {  	v6 =	vsel vm12, v2, v6;
	v5 =	vperm.xlane v5, v1  }
0x41: {  	v6 =	vsel vm13, v3, v6  }
0x42: {  	v6 =	vperm.xlane v6, v1;
	vm14 =	vgt.f32 v7, v5  }
0x43: {  	v7 =	vsel vm14, v7, v5  }
0x44: {  	v62 =	vsel vm14, v4, v6;
	(v2sf) =	vpush v7, $0x8  }
0x45: {  	(v2sf) =	vpush v62, $0x8;
	_ =	sdelay $0x1  }
0x46: {  	(v2sf) =	vpush v7, $0x9  }
0x47: {  	(v2sf) =	vpush v62, $0x9;
	_ =	sdelay $0x4  }
0x48: {  	(v2sf) =	vpush v7, $0xA  }
0x49: {  	(v2sf) =	vpush v62, $0xA;
	_ =	sdelay $0x4  }
0x4a: {  	s21 =	spop (v2sf);
	(v2sf) =	vpush v7, $0xB  }
0x4b: {  	s20 =	spop (v2sf);
	(v2sf) =	vpush v62, $0xB;
	_ =	sdelay $0x1  }
0x4c: {  	s0 =	spop (v2sf)  }
0x4d: {  	s1 =	spop (v2sf);
	p0 =	seq.f32 s0, s21  }
0x4e: {  	p1 =	slt.s32 s1, s20  }
0x4f: {  	(v2sf) =	vpush v7, $0xC;
	p2 =	sgt.f32 s0, s21;
	p0 =	por !p0, !p1  }
0x50: {  	p0 =	por !p0, !p0  }
0x51: {  	p0 =	por p2, p0  }
0x52: {  	(v2sf) =	vpush v62, $0xC;
	s21 =	smov.u32 @p0 s0;
	s0 =	spop (v2sf)  }
0x53: {  	s20 =	smov.u32 @p0 s1;
	s1 =	spop (v2sf);
	p4 =	seq.f32 s0, s21  }
0x54: {  	p5 =	slt.s32 s1, s20  }
0x55: {  	p6 =	sgt.f32 s0, s21;
	p0 =	por !p4, !p5  }
0x56: {  	p0 =	por !p0, !p0  }
0x57: {  	(v2sf) =	vpush v7, $0xD;
	p0 =	por p6, p0  }
0x58: {  	(v2sf) =	vpush v62, $0xD;
	s21 =	smov.u32 @p0 s0;
	s0 =	spop (v2sf)  }
0x59: {  	s20 =	smov.u32 @p0 s1;
	s1 =	spop (v2sf);
	p1 =	seq.f32 s0, s21  }
0x5a: {  	p2 =	slt.s32 s1, s20  }
0x5b: {  	p3 =	sgt.f32 s0, s21;
	p0 =	por !p1, !p2  }
0x5c: {  	p0 =	por !p0, !p0  }
0x5d: {  	(v2sf) =	vpush v7, $0xE;
	p0 =	por p3, p0  }
0x5e: {  	s21 =	smov.u32 @p0 s0;
	s0 =	spop (v2sf);
	(v2sf) =	vpush v62, $0xE;
	_ =	sdelay $0x2  }
0x5f: {  	s20 =	smov.u32 @p0 s1;
	s1 =	spop (v2sf);
	p4 =	seq.f32 s0, s21  }
0x60: {  	p5 =	slt.s32 s1, s20  }
0x61: {  	s30 =	sor.u32 $0x1C60, s22;
	p6 =	sgt.f32 s0, s21;
	(v2sf) =	vpush v7, $0xF;
	p0 =	por !p4, !p5  }
0x62: {  	v63 =	vld.msk [tilespmem:s30+$0x0], $0xff;
	p0 =	por !p0, !p0  }
0x63: {  	p0 =	por p6, p0  }
0x64: {  	s21 =	smov.u32 @p0 s0;
	s0 =	spop (v2sf);
	(v2sf) =	vpush v62, $0xF  }
0x65: {  	s20 =	smov.u32 @p0 s1;
	s1 =	spop (v2sf);
	p1 =	seq.f32 s0, s21  }
0x66: {  	p2 =	slt.s32 s1, s20  }
0x67: {  	vm15 =	vgt.f32 v63, v5;
	p3 =	sgt.f32 s0, s21;
	p0 =	por !p1, !p2  }
0x68: {  	v5 =	vsel vm15, v63, v5;
	p0 =	por !p0, !p0  }
0x69: {  	v6 =	vsel vm15, v4, v6;
	(v2sf) =	vpush v5, $0x0;
	p0 =	por p3, p0  }
0x6a: {  	s21 =	smov.u32 @p0 s0;
	s0 =	spop (v2sf);
	(v2sf) =	vpush v6, $0x0  }
0x6b: {  	s20 =	smov.u32 @p0 s1;
	p4 =	seq.f32 s0, s21;
	s1 =	spop (v2sf)  }
0x6c: {  	p5 =	slt.s32 s1, s20  }
0x6d: {  	p6 =	sgt.f32 s0, s21;
	p0 =	por !p4, !p5  }
0x6e: {  	p0 =	por !p0, !p0  }
0x6f: {  	(v2sf) =	vpush v5, $0x1;
	p0 =	por p6, p0  }
0x70: {  	s21 =	smov.u32 @p0 s0;
	s0 =	spop (v2sf);
	(v2sf) =	vpush v6, $0x1;
	_ =	sdelay $0x2  }
0x71: {  	s20 =	smov.u32 @p0 s1;
	s1 =	spop (v2sf);
	p1 =	seq.f32 s0, s21  }
0x72: {  	p2 =	slt.s32 s1, s20  }
0x73: {  	p3 =	sgt.f32 s0, s21;
	(v2sf) =	vpush v5, $0x2;
	p0 =	por !p1, !p2  }
0x74: {  	p0 =	por !p0, !p0  }
0x75: {  	p0 =	por p3, p0  }
0x76: {  	s21 =	smov.u32 @p0 s0;
	s0 =	spop (v2sf);
	(v2sf) =	vpush v6, $0x2  }
0x77: {  	s20 =	smov.u32 @p0 s1;
	s1 =	spop (v2sf);
	p4 =	seq.f32 s0, s21  }
0x78: {  	p5 =	slt.s32 s1, s20  }
0x79: {  	p6 =	sgt.f32 s0, s21;
	p0 =	por !p4, !p5  }
0x7a: {  	p0 =	por !p0, !p0  }
0x7b: {  	(v2sf) =	vpush v5, $0x3;
	p0 =	por p6, p0  }
0x7c: {  	s21 =	smov.u32 @p0 s0;
	s0 =	spop (v2sf);
	(v2sf) =	vpush v6, $0x3  }
0x7d: {  	s20 =	smov.u32 @p0 s1;
	p1 =	seq.f32 s0, s21;
	s1 =	spop (v2sf)  }
0x7e: {  	p2 =	slt.s32 s1, s20  }
0x7f: {  	p3 =	sgt.f32 s0, s21;
	p0 =	por !p1, !p2  }
0x80: {  	p0 =	por !p0, !p0  }
0x81: {  	(v2sf) =	vpush v5, $0x4;
	p0 =	por p3, p0  }
0x82: {  	s21 =	smov.u32 @p0 s0;
	s0 =	spop (v2sf);
	(v2sf) =	vpush v6, $0x4;
	_ =	sdelay $0x2  }
0x83: {  	s20 =	smov.u32 @p0 s1;
	s1 =	spop (v2sf);
	p4 =	seq.f32 s0, s21  }
0x84: {  	p5 =	slt.s32 s1, s20  }
0x85: {  	p6 =	sgt.f32 s0, s21;
	(v2sf) =	vpush v5, $0x5;
	p0 =	por !p4, !p5  }
0x86: {  	(v2sf) =	vpush v6, $0x5;
	p0 =	por !p0, !p0  }
0x87: {  	p0 =	por p6, p0  }
0x88: {  	s21 =	smov.u32 @p0 s0;
	s0 =	spop (v2sf)  }
0x89: {  	s20 =	smov.u32 @p0 s1;
	s1 =	spop (v2sf);
	p1 =	seq.f32 s0, s21  }
0x8a: {  	p2 =	slt.s32 s1, s20  }
0x8b: {  	(v2sf) =	vpush v5, $0x6;
	p3 =	sgt.f32 s0, s21;
	p0 =	por !p1, !p2  }
0x8c: {  	(v2sf) =	vpush v6, $0x6;
	p0 =	por !p0, !p0  }
0x8d: {  	p0 =	por p3, p0  }
0x8e: {  	s21 =	smov.u32 @p0 s0;
	s0 =	spop (v2sf)  }
0x8f: {  	s20 =	smov.u32 @p0 s1;
	p4 =	seq.f32 s0, s21;
	s1 =	spop (v2sf)  }
0x90: {  	(v2sf) =	vpush v5, $0x7;
	p5 =	slt.s32 s1, s20  }
0x91: {  	p6 =	sgt.f32 s0, s21;
	(v2sf) =	vpush v6, $0x7;
	p0 =	por !p4, !p5  }
0x92: {  	p0 =	por !p0, !p0  }
0x93: {  	p0 =	por p6, p0  }
0x94: {  	s3 =	spop (v2sf);
	s21 =	smov.u32 @p0 s0  }
0x95: {  	s12 =	spop (v2sf);
	s20 =	smov.u32 @p0 s1;
	p1 =	seq.f32 s3, s21  }
0x96: {  	p2 =	slt.s32 s12, s20  }
0x97: {  	p3 =	sgt.f32 s3, s21;
	p0 =	por !p1, !p2  }
0x98: {  	p0 =	por !p0, !p0  }
0x99: {  	p0 =	por p3, p0  }
0x9a: {  	s0 =	spop (v2sf);
	s21 =	smov.u32 @p0 s3  }
0x9b: {  	s1 =	spop (v2sf);
	s20 =	smov.u32 @p0 s12;
	p4 =	seq.f32 s0, s21  }
0x9c: {  	p5 =	slt.s32 s1, s20  }
0x9d: {  	p6 =	sgt.f32 s0, s21;
	p0 =	por !p4, !p5  }
0x9e: {  	p0 =	por !p0, !p0  }
0x9f: {  	s31 =	spop (v2sf);
	p0 =	por p6, p0  }
0xa0: {  	s21 =	smov.u32 @p0 s0;
	s20 =	smov.u32 @p0 s1;
	s0 =	spop (v2sf)  }
0xa1: {  	p0 =	seq.f32 s31, s21;
	p1 =	slt.s32 s0, s20;
	s1 =	smov.u32 s20  }
0xa2: {  	p2 =	sgt.f32 s31, s21;
	s1 =	smov.u32 @p1 s0  }
0xa3: {  	s20 =	smov.u32 @p0 s1  }
0xa4: {  	s20 =	smov.u32 @p2 s0  }
0xa5: {  	v5 =	vmov s20  }
0xa6: {  	[tilespmem:s19+$0x10000] =	vst v5  }
0xa7: {  	s18 =	sadd.s32 $0x1, s18;
	[tilespmem:s19+$0x10010] =	vst v5  }
0xa8: {  	p0 =	sne.s32 s18, $0x20;
	[tilespmem:s19+$0x10020] =	vst v5  }
.Ltmp1:
0xa9: {  	[tilespmem:s19+$0x10030] =	vst v5;
	(pc) =	sbr.rel @p0 .LBB2_2-.Ltmp1, $4  }
0xaa: {  	[tilespmem:s19+$0x10040] =	vst v5  }
0xab: {  	[tilespmem:s19+$0x10050] =	vst v5  }
0xac: {  	[tilespmem:s19+$0x10060] =	vst v5  }
0xad: {  	[tilespmem:s19+$0x10070] =	vst v5  }
0xae: {  	s18 =	simm.s32 $0x0  }
0xaf: {  	[hbm4b:s5+s18] =	stream.linear.scatter [tilespmem:s14], [sflag:$0x3], $0x1000, $0x38;
	[tilespmem:$0x11000] =	vst v63  }
0xb0: {  	_ =	swait.ge [sflag:s15], $0x1000  }
0xb1: {  	[sflag:s15] =	ssyncset.done $0x0  }
0xb2: {  	[sflag:s15] =	ssyncadd.s32 $0xFFFFF000  }
0xb3: {  	[tilespmem:s18], [sflag:$0x1] =	stream.linear.gather [hbm4b:s6+s18], $0x8000, $0x38;
	[tilespmem:$0x11000] =	vst v63  }
0xb4: {  	_ =	swait.ge [sflag:s16], $0x8000  }
0xb5: {  	[sflag:s16] =	ssyncset.done $0x0  }
0xb6: {  	s19 =	simm.s32 $0x0;
	[sflag:s16] =	ssyncadd.s32 $0xFFFF8000  }
.LBB2_6:
0xb7: {  	s20 =	sshll.u32 s19, $0x7  }
0xb8: {  	s23 =	sand.u32 $0x380, s20  }
0xb9: {  	s22 =	sshll.u32 s19, $0xA;
	v5 =	vmov s23  }
0xba: {  	s0 =	sand.u32 $0x6000, s22  }
0xbb: {  	s28 =	simm.s32 $0x0;
	s3 =	sand.u32 $0x1C00, s18;
	s30 =	sor.u32 $0x8000, s0  }
0xbc: {  	s1 =	sand.u32 $0x40, s28;
	s3 =	sadd.s32 s3, s30  }
0xbd: {  	s26 =	simm.s32 $0x10;
	s0 =	sadd.s32 s1, s3  }
0xbe: {  	s4 =	sand.u32 $0x50, s26;
	v8 =	vld.idx.msk [tilespmem:v5+s0+$0x0 ss:$0x1], $0xffff  }
0xbf: {  	s25 =	simm.s32 $0x30;
	s24 =	simm.s32 $0x20;
	s4 =	sadd.s32 s4, s3  }
0xc0: {  	s21 =	simm.s32 $0x70;
	s29 =	simm.s32 $0x40;
	s12 =	sand.u32 $0x60, s24;
	v6 =	vld.idx.msk [tilespmem:v5+s4+$0x0 ss:$0x1], $0xffff  }
0xc1: {  	s31 =	simm.s32 $0x200;
	s12 =	sadd.s32 s12, s3;
	s4 =	sand.u32 $0x70, s25  }
0xc2: {  	v10 =	vimm.f32 $-Inf;
	v9 =	vimm.s32 $0x0;
	s1 =	sand.u32 $0x1C00, s31;
	v7 =	vld.idx.msk [tilespmem:v5+s12+$0x0 ss:$0x1], $0xffff;
	s0 =	simm.s32 $0xB0;
	s3 =	sadd.s32 s4, s3  }
.LBB2_7:
0xc3: {  	p0 =	sne.s32 s0, $0x3B0;
	s12 =	sand.u32 $0x40, s29;
	s4 =	sadd.s32 s1, s30;
	v11 =	vor.u32 s28, v0;
	vm0 =	vgt.f32 v8, v10;
	v12 =	vld.idx.msk [tilespmem:v5+s3+$0x0 ss:$0x1], $0xffff  }
0xc4: {  	s3 =	sadd.s32 $0xFFFFFFE0, s21;
	s28 =	smov.u32 s29;
	s1 =	sadd.s32 s12, s4;
	v10 =	vsel vm0, v8, v10;
	v9 =	vsel vm0, v11, v9  }
0xc5: {  	v11 =	vor.u32 s26, v0;
	s26 =	smov.u32 s3;
	v8 =	vld.idx.msk [tilespmem:v5+s1+$0x0 ss:$0x1], $0xffff;
	s1 =	sand.u32 $0x50, s3;
	vm0 =	vgt.f32 v6, v10;
	s3 =	smov.u32 s25  }
.Ltmp2:
0xc6: {  	s12 =	sadd.s32 $0xFFFFFFF0, s21;
	s1 =	sadd.s32 s1, s4;
	v10 =	vsel vm0, v6, v10;
	v9 =	vsel vm0, v11, v9;
	(pc) =	sbr.rel @p0 .LBB2_7-.Ltmp2, $4  }
0xc7: {  	s25 =	smov.u32 s21;
	v11 =	vor.u32 s24, v0;
	s24 =	smov.u32 s12;
	v6 =	vld.idx.msk [tilespmem:v5+s1+$0x0 ss:$0x1], $0xffff;
	s1 =	sand.u32 $0x60, s12;
	vm0 =	vgt.f32 v7, v10  }
0xc8: {  	s21 =	smov.u32 s0;
	s1 =	sadd.s32 s1, s4;
	v10 =	vsel vm0, v7, v10;
	v9 =	vsel vm0, v11, v9  }
0xc9: {  	s29 =	sadd.s32 $0xFFFFFFD0, s0;
	s31 =	sadd.s32 $0x200, s31;
	s12 =	sand.u32 $0x70, s25;
	v11 =	vor.u32 s3, v0;
	v7 =	vld.idx.msk [tilespmem:v5+s1+$0x0 ss:$0x1], $0xffff;
	vm0 =	vgt.f32 v12, v10  }
0xca: {  	s0 =	sadd.s32 $0x40, s0;
	s3 =	sadd.s32 s12, s4;
	s1 =	sand.u32 $0x1C00, s31;
	v10 =	vsel vm0, v12, v10;
	v9 =	vsel vm0, v11, v9  }
0xcb: {  	_ =	sdelay $0x2  }
0xcc: {  	vm0 =	vgt.f32 v8, v10  }
0xcd: {  	s0 =	sand.u32 $0x40, s29;
	s1 =	sadd.s32 s1, s30;
	v11 =	vld.idx.msk [tilespmem:v5+s3+$0x0 ss:$0x1], $0xffff;
	v8 =	vsel vm0, v8, v10  }
0xce: {  	s3 =	sadd.s32 $0xFFFFFFE0, s21;
	s0 =	sadd.s32 s0, s1;
	vm1 =	vgt.f32 v6, v8  }
0xcf: {  	s30 =	sand.u32 $0x50, s3;
	v52 =	vld.idx.msk [tilespmem:v5+s0+$0x0 ss:$0x1], $0xffff;
	v6 =	vsel vm1, v6, v8  }
0xd0: {  	s4 =	sadd.s32 $0xFFFFFFF0, s21;
	s0 =	sadd.s32 s30, s1;
	vm2 =	vgt.f32 v7, v6  }
0xd1: {  	s31 =	sand.u32 $0x60, s4;
	v53 =	vld.idx.msk [tilespmem:v5+s0+$0x0 ss:$0x1], $0xffff;
	v6 =	vsel vm2, v7, v6  }
0xd2: {  	s0 =	sadd.s32 s31, s1;
	vm3 =	vgt.f32 v11, v6  }
0xd3: {  	s12 =	sand.u32 $0x70, s21;
	v7 =	vld.idx.msk [tilespmem:v5+s0+$0x0 ss:$0x1], $0xffff;
	v6 =	vsel vm3, v11, v6  }
0xd4: {  	s0 =	sadd.s32 s12, s1;
	vm4 =	vgt.f32 v52, v6  }
0xd5: {  	s23 =	sor.u32 s22, s23;
	v5 =	vld.idx.msk [tilespmem:v5+s0+$0x0 ss:$0x1], $0xffff;
	v6 =	vsel vm4, v52, v6  }
0xd6: {  	s22 =	sor.u32 $0x1C40, s23;
	vm5 =	vgt.f32 v53, v6  }
0xd7: {  	v54 =	vor.u32 s28, v0;
	v55 =	vld [tilespmem:s22+$0x8000];
	v6 =	vsel vm5, v53, v6  }
0xd8: {  	v56 =	vor.u32 s26, v0;
	v9 =	vsel vm0, v54, v9;
	s28 =	sor.u32 $0x1C50, s23;
	vm10 =	vgt.f32 v7, v6  }
0xd9: {  	v57 =	vor.u32 s24, v0;
	v9 =	vsel vm1, v56, v9;
	v6 =	vsel vm10, v7, v6;
	v7 =	vld [tilespmem:s28+$0x8000]  }
0xda: {  	v58 =	vor.u32 s25, v0;
	v9 =	vsel vm2, v57, v9;
	vm11 =	vgt.f32 v5, v6  }
0xdb: {  	v9 =	vsel vm3, v58, v9;
	v5 =	vsel vm11, v5, v6;
	v6 =	vor.u32 s29, v0  }
0xdc: {  	v59 =	vor.u32 s3, v0;
	v6 =	vsel vm4, v6, v9;
	vm12 =	vgt.f32 v55, v5  }
0xdd: {  	v60 =	vor.u32 s4, v0;
	v6 =	vsel vm5, v59, v6;
	v5 =	vsel vm12, v55, v5  }
0xde: {  	v61 =	vor.u32 s21, v0;
	v6 =	vsel vm10, v60, v6;
	vm13 =	vgt.f32 v7, v5  }
0xdf: {  	v6 =	vsel vm11, v61, v6;
	v5 =	vsel vm13, v7, v5  }
0xe0: {  	v6 =	vsel vm12, v2, v6;
	v5 =	vperm.xlane v5, v1  }
0xe1: {  	v6 =	vsel vm13, v3, v6  }
0xe2: {  	v6 =	vperm.xlane v6, v1;
	vm14 =	vgt.f32 v7, v5  }
0xe3: {  	v7 =	vsel vm14, v7, v5  }
0xe4: {  	v62 =	vsel vm14, v4, v6;
	(v2sf) =	vpush v7, $0x8  }
0xe5: {  	(v2sf) =	vpush v62, $0x8;
	_ =	sdelay $0x1  }
0xe6: {  	(v2sf) =	vpush v7, $0x9  }
0xe7: {  	(v2sf) =	vpush v62, $0x9;
	_ =	sdelay $0x4  }
0xe8: {  	(v2sf) =	vpush v7, $0xA  }
0xe9: {  	(v2sf) =	vpush v62, $0xA;
	_ =	sdelay $0x4  }
0xea: {  	s22 =	spop (v2sf);
	(v2sf) =	vpush v7, $0xB  }
0xeb: {  	s21 =	spop (v2sf);
	(v2sf) =	vpush v62, $0xB;
	_ =	sdelay $0x1  }
0xec: {  	s0 =	spop (v2sf)  }
0xed: {  	s1 =	spop (v2sf);
	p0 =	seq.f32 s0, s22  }
0xee: {  	p1 =	slt.s32 s1, s21  }
0xef: {  	(v2sf) =	vpush v7, $0xC;
	p2 =	sgt.f32 s0, s22;
	p0 =	por !p0, !p1  }
0xf0: {  	p0 =	por !p0, !p0  }
0xf1: {  	p0 =	por p2, p0  }
0xf2: {  	(v2sf) =	vpush v62, $0xC;
	s22 =	smov.u32 @p0 s0;
	s0 =	spop (v2sf)  }
0xf3: {  	s21 =	smov.u32 @p0 s1;
	s1 =	spop (v2sf);
	p4 =	seq.f32 s0, s22  }
0xf4: {  	p5 =	slt.s32 s1, s21  }
0xf5: {  	p6 =	sgt.f32 s0, s22;
	p0 =	por !p4, !p5  }
0xf6: {  	p0 =	por !p0, !p0  }
0xf7: {  	(v2sf) =	vpush v7, $0xD;
	p0 =	por p6, p0  }
0xf8: {  	(v2sf) =	vpush v62, $0xD;
	s22 =	smov.u32 @p0 s0;
	s0 =	spop (v2sf)  }
0xf9: {  	s21 =	smov.u32 @p0 s1;
	s1 =	spop (v2sf);
	p1 =	seq.f32 s0, s22  }
0xfa: {  	p2 =	slt.s32 s1, s21  }
0xfb: {  	p3 =	sgt.f32 s0, s22;
	p0 =	por !p1, !p2  }
0xfc: {  	p0 =	por !p0, !p0  }
0xfd: {  	(v2sf) =	vpush v7, $0xE;
	p0 =	por p3, p0  }
0xfe: {  	s22 =	smov.u32 @p0 s0;
	s0 =	spop (v2sf);
	(v2sf) =	vpush v62, $0xE;
	_ =	sdelay $0x2  }
0xff: {  	s21 =	smov.u32 @p0 s1;
	s1 =	spop (v2sf);
	p4 =	seq.f32 s0, s22  }
0x100: {  	p5 =	slt.s32 s1, s21  }
0x101: {  	s30 =	sor.u32 $0x1C60, s23;
	p6 =	sgt.f32 s0, s22;
	(v2sf) =	vpush v7, $0xF;
	p0 =	por !p4, !p5  }
0x102: {  	v63 =	vld.msk [tilespmem:s30+$0x8000], $0xff;
	p0 =	por !p0, !p0  }
0x103: {  	p0 =	por p6, p0  }
0x104: {  	s22 =	smov.u32 @p0 s0;
	s0 =	spop (v2sf);
	(v2sf) =	vpush v62, $0xF  }
0x105: {  	s21 =	smov.u32 @p0 s1;
	s1 =	spop (v2sf);
	p1 =	seq.f32 s0, s22  }
0x106: {  	p2 =	slt.s32 s1, s21  }
0x107: {  	vm15 =	vgt.f32 v63, v5;
	p3 =	sgt.f32 s0, s22;
	p0 =	por !p1, !p2  }
0x108: {  	v5 =	vsel vm15, v63, v5;
	p0 =	por !p0, !p0  }
0x109: {  	v6 =	vsel vm15, v4, v6;
	(v2sf) =	vpush v5, $0x0;
	p0 =	por p3, p0  }
0x10a: {  	s22 =	smov.u32 @p0 s0;
	s0 =	spop (v2sf);
	(v2sf) =	vpush v6, $0x0  }
0x10b: {  	s21 =	smov.u32 @p0 s1;
	p4 =	seq.f32 s0, s22;
	s1 =	spop (v2sf)  }
0x10c: {  	p5 =	slt.s32 s1, s21  }
0x10d: {  	p6 =	sgt.f32 s0, s22;
	p0 =	por !p4, !p5  }
0x10e: {  	p0 =	por !p0, !p0  }
0x10f: {  	(v2sf) =	vpush v5, $0x1;
	p0 =	por p6, p0  }
0x110: {  	s22 =	smov.u32 @p0 s0;
	s0 =	spop (v2sf);
	(v2sf) =	vpush v6, $0x1;
	_ =	sdelay $0x2  }
0x111: {  	s21 =	smov.u32 @p0 s1;
	s1 =	spop (v2sf);
	p1 =	seq.f32 s0, s22  }
0x112: {  	p2 =	slt.s32 s1, s21  }
0x113: {  	p3 =	sgt.f32 s0, s22;
	(v2sf) =	vpush v5, $0x2;
	p0 =	por !p1, !p2  }
0x114: {  	p0 =	por !p0, !p0  }
0x115: {  	p0 =	por p3, p0  }
0x116: {  	s22 =	smov.u32 @p0 s0;
	s0 =	spop (v2sf);
	(v2sf) =	vpush v6, $0x2  }
0x117: {  	s21 =	smov.u32 @p0 s1;
	s1 =	spop (v2sf);
	p4 =	seq.f32 s0, s22  }
0x118: {  	p5 =	slt.s32 s1, s21  }
0x119: {  	p6 =	sgt.f32 s0, s22;
	p0 =	por !p4, !p5  }
0x11a: {  	p0 =	por !p0, !p0  }
0x11b: {  	(v2sf) =	vpush v5, $0x3;
	p0 =	por p6, p0  }
0x11c: {  	s22 =	smov.u32 @p0 s0;
	s0 =	spop (v2sf);
	(v2sf) =	vpush v6, $0x3  }
0x11d: {  	s21 =	smov.u32 @p0 s1;
	p1 =	seq.f32 s0, s22;
	s1 =	spop (v2sf)  }
0x11e: {  	p2 =	slt.s32 s1, s21  }
0x11f: {  	p3 =	sgt.f32 s0, s22;
	p0 =	por !p1, !p2  }
0x120: {  	p0 =	por !p0, !p0  }
0x121: {  	(v2sf) =	vpush v5, $0x4;
	p0 =	por p3, p0  }
0x122: {  	s22 =	smov.u32 @p0 s0;
	s0 =	spop (v2sf);
	(v2sf) =	vpush v6, $0x4;
	_ =	sdelay $0x2  }
0x123: {  	s21 =	smov.u32 @p0 s1;
	s1 =	spop (v2sf);
	p4 =	seq.f32 s0, s22  }
0x124: {  	p5 =	slt.s32 s1, s21  }
0x125: {  	p6 =	sgt.f32 s0, s22;
	(v2sf) =	vpush v5, $0x5;
	p0 =	por !p4, !p5  }
0x126: {  	(v2sf) =	vpush v6, $0x5;
	p0 =	por !p0, !p0  }
0x127: {  	p0 =	por p6, p0  }
0x128: {  	s22 =	smov.u32 @p0 s0;
	s0 =	spop (v2sf)  }
0x129: {  	s21 =	smov.u32 @p0 s1;
	s1 =	spop (v2sf);
	p1 =	seq.f32 s0, s22  }
0x12a: {  	p2 =	slt.s32 s1, s21  }
0x12b: {  	(v2sf) =	vpush v5, $0x6;
	p3 =	sgt.f32 s0, s22;
	p0 =	por !p1, !p2  }
0x12c: {  	(v2sf) =	vpush v6, $0x6;
	p0 =	por !p0, !p0  }
0x12d: {  	p0 =	por p3, p0  }
0x12e: {  	s22 =	smov.u32 @p0 s0;
	s0 =	spop (v2sf)  }
0x12f: {  	s21 =	smov.u32 @p0 s1;
	p4 =	seq.f32 s0, s22;
	s1 =	spop (v2sf)  }
0x130: {  	(v2sf) =	vpush v5, $0x7;
	p5 =	slt.s32 s1, s21  }
0x131: {  	p6 =	sgt.f32 s0, s22;
	(v2sf) =	vpush v6, $0x7;
	p0 =	por !p4, !p5  }
0x132: {  	p0 =	por !p0, !p0  }
0x133: {  	p0 =	por p6, p0  }
0x134: {  	s3 =	spop (v2sf);
	s22 =	smov.u32 @p0 s0  }
0x135: {  	s4 =	spop (v2sf);
	s21 =	smov.u32 @p0 s1;
	p1 =	seq.f32 s3, s22  }
0x136: {  	p2 =	slt.s32 s4, s21  }
0x137: {  	p3 =	sgt.f32 s3, s22;
	p0 =	por !p1, !p2  }
0x138: {  	p0 =	por !p0, !p0  }
0x139: {  	p0 =	por p3, p0  }
0x13a: {  	s0 =	spop (v2sf);
	s22 =	smov.u32 @p0 s3  }
0x13b: {  	s1 =	spop (v2sf);
	s21 =	smov.u32 @p0 s4;
	p4 =	seq.f32 s0, s22  }
0x13c: {  	p5 =	slt.s32 s1, s21  }
0x13d: {  	p6 =	sgt.f32 s0, s22;
	p0 =	por !p4, !p5  }
0x13e: {  	p0 =	por !p0, !p0  }
0x13f: {  	s31 =	spop (v2sf);
	p0 =	por p6, p0  }
0x140: {  	s22 =	smov.u32 @p0 s0;
	s21 =	smov.u32 @p0 s1;
	s0 =	spop (v2sf)  }
0x141: {  	p0 =	seq.f32 s31, s22;
	p1 =	slt.s32 s0, s21;
	s1 =	smov.u32 s21  }
0x142: {  	p2 =	sgt.f32 s31, s22;
	s1 =	smov.u32 @p1 s0  }
0x143: {  	s21 =	smov.u32 @p0 s1  }
0x144: {  	s21 =	smov.u32 @p2 s0  }
0x145: {  	v5 =	vmov s21  }
0x146: {  	[tilespmem:s20+$0x10000] =	vst v5  }
0x147: {  	s19 =	sadd.s32 $0x1, s19;
	[tilespmem:s20+$0x10010] =	vst v5  }
0x148: {  	p0 =	sne.s32 s19, $0x20;
	[tilespmem:s20+$0x10020] =	vst v5  }
.Ltmp3:
0x149: {  	[tilespmem:s20+$0x10030] =	vst v5;
	(pc) =	sbr.rel @p0 .LBB2_6-.Ltmp3, $4  }
0x14a: {  	[tilespmem:s20+$0x10040] =	vst v5  }
0x14b: {  	[tilespmem:s20+$0x10050] =	vst v5  }
0x14c: {  	[tilespmem:s20+$0x10060] =	vst v5  }
0x14d: {  	[tilespmem:s20+$0x10070] =	vst v5  }
0x14e: {  	s18 =	simm.s32 $0x0  }
0x14f: {  	[hbm4b:s7+s18] =	stream.linear.scatter [tilespmem:s14], [sflag:$0x3], $0x1000, $0x38;
	[tilespmem:$0x11000] =	vst v63  }
0x150: {  	_ =	swait.ge [sflag:s15], $0x1000  }
0x151: {  	[sflag:s15] =	ssyncset.done $0x0  }
0x152: {  	s0 =	simm.s32 $0x8000;
	[sflag:s15] =	ssyncadd.s32 $0xFFFFF000  }
0x153: {  	[tilespmem:s0], [sflag:$0x2] =	stream.linear.gather [hbm4b:s8+s18], $0x8000, $0x38;
	[tilespmem:$0x11000] =	vst v63  }
0x154: {  	_ =	swait.ge [sflag:s13], $0x8000  }
0x155: {  	[sflag:s13] =	ssyncset.done $0x0  }
0x156: {  	s19 =	simm.s32 $0x0;
	[sflag:s13] =	ssyncadd.s32 $0xFFFF8000  }
.LBB2_10:
0x157: {  	s20 =	sshll.u32 s19, $0x7  }
0x158: {  	s22 =	sand.u32 $0x380, s20  }
0x159: {  	v5 =	vmov s22  }
0x15a: {  	s24 =	sshll.u32 s19, $0xA  }
0x15b: {  	s28 =	simm.s32 $0x0;
	s0 =	sand.u32 $0x1C00, s18;
	s30 =	sand.u32 $0x6000, s24  }
0x15c: {  	s1 =	sand.u32 $0x40, s28;
	s3 =	sadd.s32 s0, s30  }
0x15d: {  	s26 =	simm.s32 $0x10;
	s0 =	sadd.s32 s1, s3  }
0x15e: {  	s12 =	sand.u32 $0x50, s26;
	v8 =	vld.idx.msk [tilespmem:v5+s0+$0x0 ss:$0x1], $0xffff  }
0x15f: {  	s25 =	simm.s32 $0x30;
	s23 =	simm.s32 $0x20;
	s1 =	sadd.s32 s12, s3  }
0x160: {  	s21 =	simm.s32 $0x70;
	s29 =	simm.s32 $0x40;
	s4 =	sand.u32 $0x60, s23;
	v6 =	vld.idx.msk [tilespmem:v5+s1+$0x0 ss:$0x1], $0xffff  }
0x161: {  	s31 =	simm.s32 $0x200;
	s4 =	sadd.s32 s4, s3;
	s12 =	sand.u32 $0x70, s25  }
0x162: {  	v10 =	vimm.f32 $-Inf;
	v9 =	vimm.s32 $0x0;
	s3 =	sadd.s32 s12, s3;
	v7 =	vld.idx.msk [tilespmem:v5+s4+$0x0 ss:$0x1], $0xffff;
	s1 =	sand.u32 $0x1C00, s31;
	s0 =	simm.s32 $0xB0  }
.LBB2_11:
0x163: {  	p0 =	sne.s32 s0, $0x3B0;
	s4 =	sand.u32 $0x40, s29;
	s12 =	sadd.s32 s1, s30;
	v11 =	vor.u32 s28, v0;
	vm0 =	vgt.f32 v8, v10;
	v12 =	vld.idx.msk [tilespmem:v5+s3+$0x0 ss:$0x1], $0xffff  }
0x164: {  	s3 =	sadd.s32 $0xFFFFFFE0, s21;
	s28 =	smov.u32 s29;
	s1 =	sadd.s32 s4, s12;
	v10 =	vsel vm0, v8, v10;
	v9 =	vsel vm0, v11, v9  }
0x165: {  	v11 =	vor.u32 s26, v0;
	s26 =	smov.u32 s3;
	v8 =	vld.idx.msk [tilespmem:v5+s1+$0x0 ss:$0x1], $0xffff;
	s1 =	sand.u32 $0x50, s3;
	vm0 =	vgt.f32 v6, v10;
	s3 =	smov.u32 s25  }
.Ltmp4:
0x166: {  	s4 =	sadd.s32 $0xFFFFFFF0, s21;
	s1 =	sadd.s32 s1, s12;
	v10 =	vsel vm0, v6, v10;
	v9 =	vsel vm0, v11, v9;
	(pc) =	sbr.rel @p0 .LBB2_11-.Ltmp4, $4  }
0x167: {  	s25 =	smov.u32 s21;
	v11 =	vor.u32 s23, v0;
	s23 =	smov.u32 s4;
	v6 =	vld.idx.msk [tilespmem:v5+s1+$0x0 ss:$0x1], $0xffff;
	s1 =	sand.u32 $0x60, s4;
	vm0 =	vgt.f32 v7, v10  }
0x168: {  	s21 =	smov.u32 s0;
	s1 =	sadd.s32 s1, s12;
	v10 =	vsel vm0, v7, v10;
	v9 =	vsel vm0, v11, v9  }
0x169: {  	s29 =	sadd.s32 $0xFFFFFFD0, s0;
	s31 =	sadd.s32 $0x200, s31;
	s4 =	sand.u32 $0x70, s25;
	v11 =	vor.u32 s3, v0;
	v7 =	vld.idx.msk [tilespmem:v5+s1+$0x0 ss:$0x1], $0xffff;
	vm0 =	vgt.f32 v12, v10  }
0x16a: {  	s0 =	sadd.s32 $0x40, s0;
	s3 =	sadd.s32 s4, s12;
	s1 =	sand.u32 $0x1C00, s31;
	v10 =	vsel vm0, v12, v10;
	v9 =	vsel vm0, v11, v9  }
0x16b: {  	_ =	sdelay $0x2  }
0x16c: {  	vm0 =	vgt.f32 v8, v10  }
0x16d: {  	s0 =	sand.u32 $0x40, s29;
	s1 =	sadd.s32 s1, s30;
	v11 =	vld.idx.msk [tilespmem:v5+s3+$0x0 ss:$0x1], $0xffff;
	v8 =	vsel vm0, v8, v10  }
0x16e: {  	s3 =	sadd.s32 $0xFFFFFFE0, s21;
	s0 =	sadd.s32 s0, s1;
	vm1 =	vgt.f32 v6, v8  }
0x16f: {  	s30 =	sand.u32 $0x50, s3;
	v52 =	vld.idx.msk [tilespmem:v5+s0+$0x0 ss:$0x1], $0xffff;
	v6 =	vsel vm1, v6, v8  }
0x170: {  	s4 =	sadd.s32 $0xFFFFFFF0, s21;
	s0 =	sadd.s32 s30, s1;
	vm2 =	vgt.f32 v7, v6  }
0x171: {  	s31 =	sand.u32 $0x60, s4;
	v53 =	vld.idx.msk [tilespmem:v5+s0+$0x0 ss:$0x1], $0xffff;
	v6 =	vsel vm2, v7, v6  }
0x172: {  	s0 =	sadd.s32 s31, s1;
	vm3 =	vgt.f32 v11, v6  }
0x173: {  	s12 =	sand.u32 $0x70, s21;
	v7 =	vld.idx.msk [tilespmem:v5+s0+$0x0 ss:$0x1], $0xffff;
	v6 =	vsel vm3, v11, v6  }
0x174: {  	s0 =	sadd.s32 s12, s1;
	vm4 =	vgt.f32 v52, v6  }
0x175: {  	s24 =	sor.u32 s24, s22;
	v5 =	vld.idx.msk [tilespmem:v5+s0+$0x0 ss:$0x1], $0xffff;
	v6 =	vsel vm4, v52, v6  }
0x176: {  	s22 =	sor.u32 $0x1C40, s24;
	vm5 =	vgt.f32 v53, v6  }
0x177: {  	v54 =	vor.u32 s28, v0;
	v55 =	vld [tilespmem:s22+$0x0];
	v6 =	vsel vm5, v53, v6  }
0x178: {  	v56 =	vor.u32 s26, v0;
	v9 =	vsel vm0, v54, v9;
	s28 =	sor.u32 $0x1C50, s24;
	vm10 =	vgt.f32 v7, v6  }
0x179: {  	v57 =	vor.u32 s23, v0;
	v9 =	vsel vm1, v56, v9;
	v6 =	vsel vm10, v7, v6;
	v7 =	vld [tilespmem:s28+$0x0]  }
0x17a: {  	v58 =	vor.u32 s25, v0;
	v9 =	vsel vm2, v57, v9;
	vm11 =	vgt.f32 v5, v6  }
0x17b: {  	v9 =	vsel vm3, v58, v9;
	v5 =	vsel vm11, v5, v6;
	v6 =	vor.u32 s29, v0  }
0x17c: {  	v59 =	vor.u32 s3, v0;
	v6 =	vsel vm4, v6, v9;
	vm12 =	vgt.f32 v55, v5  }
0x17d: {  	v60 =	vor.u32 s4, v0;
	v6 =	vsel vm5, v59, v6;
	v5 =	vsel vm12, v55, v5  }
0x17e: {  	v61 =	vor.u32 s21, v0;
	v6 =	vsel vm10, v60, v6;
	vm13 =	vgt.f32 v7, v5  }
0x17f: {  	v6 =	vsel vm11, v61, v6;
	v5 =	vsel vm13, v7, v5  }
0x180: {  	v6 =	vsel vm12, v2, v6;
	v5 =	vperm.xlane v5, v1  }
0x181: {  	v6 =	vsel vm13, v3, v6  }
0x182: {  	v6 =	vperm.xlane v6, v1;
	vm14 =	vgt.f32 v7, v5  }
0x183: {  	v7 =	vsel vm14, v7, v5  }
0x184: {  	v62 =	vsel vm14, v4, v6;
	(v2sf) =	vpush v7, $0x8  }
0x185: {  	(v2sf) =	vpush v62, $0x8;
	_ =	sdelay $0x1  }
0x186: {  	(v2sf) =	vpush v7, $0x9  }
0x187: {  	(v2sf) =	vpush v62, $0x9;
	_ =	sdelay $0x4  }
0x188: {  	(v2sf) =	vpush v7, $0xA  }
0x189: {  	(v2sf) =	vpush v62, $0xA;
	_ =	sdelay $0x4  }
0x18a: {  	s22 =	spop (v2sf);
	(v2sf) =	vpush v7, $0xB  }
0x18b: {  	s21 =	spop (v2sf);
	(v2sf) =	vpush v62, $0xB;
	_ =	sdelay $0x1  }
0x18c: {  	s0 =	spop (v2sf)  }
0x18d: {  	s1 =	spop (v2sf);
	p0 =	seq.f32 s0, s22  }
0x18e: {  	p1 =	slt.s32 s1, s21  }
0x18f: {  	(v2sf) =	vpush v7, $0xC;
	p2 =	sgt.f32 s0, s22;
	p0 =	por !p0, !p1  }
0x190: {  	p0 =	por !p0, !p0  }
0x191: {  	p0 =	por p2, p0  }
0x192: {  	(v2sf) =	vpush v62, $0xC;
	s22 =	smov.u32 @p0 s0;
	s0 =	spop (v2sf)  }
0x193: {  	s21 =	smov.u32 @p0 s1;
	s1 =	spop (v2sf);
	p4 =	seq.f32 s0, s22  }
0x194: {  	p5 =	slt.s32 s1, s21  }
0x195: {  	p6 =	sgt.f32 s0, s22;
	p0 =	por !p4, !p5  }
0x196: {  	p0 =	por !p0, !p0  }
0x197: {  	(v2sf) =	vpush v7, $0xD;
	p0 =	por p6, p0  }
0x198: {  	(v2sf) =	vpush v62, $0xD;
	s22 =	smov.u32 @p0 s0;
	s0 =	spop (v2sf)  }
0x199: {  	s21 =	smov.u32 @p0 s1;
	s1 =	spop (v2sf);
	p1 =	seq.f32 s0, s22  }
0x19a: {  	p2 =	slt.s32 s1, s21  }
0x19b: {  	p3 =	sgt.f32 s0, s22;
	p0 =	por !p1, !p2  }
0x19c: {  	p0 =	por !p0, !p0  }
0x19d: {  	(v2sf) =	vpush v7, $0xE;
	p0 =	por p3, p0  }
0x19e: {  	s22 =	smov.u32 @p0 s0;
	s0 =	spop (v2sf);
	(v2sf) =	vpush v62, $0xE;
	_ =	sdelay $0x2  }
0x19f: {  	s21 =	smov.u32 @p0 s1;
	s1 =	spop (v2sf);
	p4 =	seq.f32 s0, s22  }
0x1a0: {  	p5 =	slt.s32 s1, s21  }
0x1a1: {  	s30 =	sor.u32 $0x1C60, s24;
	p6 =	sgt.f32 s0, s22;
	(v2sf) =	vpush v7, $0xF;
	p0 =	por !p4, !p5  }
0x1a2: {  	v63 =	vld.msk [tilespmem:s30+$0x0], $0xff;
	p0 =	por !p0, !p0  }
0x1a3: {  	p0 =	por p6, p0  }
0x1a4: {  	s22 =	smov.u32 @p0 s0;
	s0 =	spop (v2sf);
	(v2sf) =	vpush v62, $0xF  }
0x1a5: {  	s21 =	smov.u32 @p0 s1;
	s1 =	spop (v2sf);
	p1 =	seq.f32 s0, s22  }
0x1a6: {  	p2 =	slt.s32 s1, s21  }
0x1a7: {  	vm15 =	vgt.f32 v63, v5;
	p3 =	sgt.f32 s0, s22;
	p0 =	por !p1, !p2  }
0x1a8: {  	v5 =	vsel vm15, v63, v5;
	p0 =	por !p0, !p0  }
0x1a9: {  	v6 =	vsel vm15, v4, v6;
	(v2sf) =	vpush v5, $0x0;
	p0 =	por p3, p0  }
0x1aa: {  	s22 =	smov.u32 @p0 s0;
	s0 =	spop (v2sf);
	(v2sf) =	vpush v6, $0x0  }
0x1ab: {  	s21 =	smov.u32 @p0 s1;
	p4 =	seq.f32 s0, s22;
	s1 =	spop (v2sf)  }
0x1ac: {  	p5 =	slt.s32 s1, s21  }
0x1ad: {  	p6 =	sgt.f32 s0, s22;
	p0 =	por !p4, !p5  }
0x1ae: {  	p0 =	por !p0, !p0  }
0x1af: {  	(v2sf) =	vpush v5, $0x1;
	p0 =	por p6, p0  }
0x1b0: {  	s22 =	smov.u32 @p0 s0;
	s0 =	spop (v2sf);
	(v2sf) =	vpush v6, $0x1;
	_ =	sdelay $0x2  }
0x1b1: {  	s21 =	smov.u32 @p0 s1;
	s1 =	spop (v2sf);
	p1 =	seq.f32 s0, s22  }
0x1b2: {  	p2 =	slt.s32 s1, s21  }
0x1b3: {  	p3 =	sgt.f32 s0, s22;
	(v2sf) =	vpush v5, $0x2;
	p0 =	por !p1, !p2  }
0x1b4: {  	p0 =	por !p0, !p0  }
0x1b5: {  	p0 =	por p3, p0  }
0x1b6: {  	s22 =	smov.u32 @p0 s0;
	s0 =	spop (v2sf);
	(v2sf) =	vpush v6, $0x2  }
0x1b7: {  	s21 =	smov.u32 @p0 s1;
	s1 =	spop (v2sf);
	p4 =	seq.f32 s0, s22  }
0x1b8: {  	p5 =	slt.s32 s1, s21  }
0x1b9: {  	p6 =	sgt.f32 s0, s22;
	p0 =	por !p4, !p5  }
0x1ba: {  	p0 =	por !p0, !p0  }
0x1bb: {  	(v2sf) =	vpush v5, $0x3;
	p0 =	por p6, p0  }
0x1bc: {  	s22 =	smov.u32 @p0 s0;
	s0 =	spop (v2sf);
	(v2sf) =	vpush v6, $0x3  }
0x1bd: {  	s21 =	smov.u32 @p0 s1;
	p1 =	seq.f32 s0, s22;
	s1 =	spop (v2sf)  }
0x1be: {  	p2 =	slt.s32 s1, s21  }
0x1bf: {  	p3 =	sgt.f32 s0, s22;
	p0 =	por !p1, !p2  }
0x1c0: {  	p0 =	por !p0, !p0  }
0x1c1: {  	(v2sf) =	vpush v5, $0x4;
	p0 =	por p3, p0  }
0x1c2: {  	s22 =	smov.u32 @p0 s0;
	s0 =	spop (v2sf);
	(v2sf) =	vpush v6, $0x4;
	_ =	sdelay $0x2  }
0x1c3: {  	s21 =	smov.u32 @p0 s1;
	s1 =	spop (v2sf);
	p4 =	seq.f32 s0, s22  }
0x1c4: {  	p5 =	slt.s32 s1, s21  }
0x1c5: {  	p6 =	sgt.f32 s0, s22;
	(v2sf) =	vpush v5, $0x5;
	p0 =	por !p4, !p5  }
0x1c6: {  	(v2sf) =	vpush v6, $0x5;
	p0 =	por !p0, !p0  }
0x1c7: {  	p0 =	por p6, p0  }
0x1c8: {  	s22 =	smov.u32 @p0 s0;
	s0 =	spop (v2sf)  }
0x1c9: {  	s21 =	smov.u32 @p0 s1;
	s1 =	spop (v2sf);
	p1 =	seq.f32 s0, s22  }
0x1ca: {  	p2 =	slt.s32 s1, s21  }
0x1cb: {  	(v2sf) =	vpush v5, $0x6;
	p3 =	sgt.f32 s0, s22;
	p0 =	por !p1, !p2  }
0x1cc: {  	(v2sf) =	vpush v6, $0x6;
	p0 =	por !p0, !p0  }
0x1cd: {  	p0 =	por p3, p0  }
0x1ce: {  	s22 =	smov.u32 @p0 s0;
	s0 =	spop (v2sf)  }
0x1cf: {  	s21 =	smov.u32 @p0 s1;
	p4 =	seq.f32 s0, s22;
	s1 =	spop (v2sf)  }
0x1d0: {  	(v2sf) =	vpush v5, $0x7;
	p5 =	slt.s32 s1, s21  }
0x1d1: {  	p6 =	sgt.f32 s0, s22;
	(v2sf) =	vpush v6, $0x7;
	p0 =	por !p4, !p5  }
0x1d2: {  	p0 =	por !p0, !p0  }
0x1d3: {  	p0 =	por p6, p0  }
0x1d4: {  	s3 =	spop (v2sf);
	s22 =	smov.u32 @p0 s0  }
0x1d5: {  	s4 =	spop (v2sf);
	s21 =	smov.u32 @p0 s1;
	p1 =	seq.f32 s3, s22  }
0x1d6: {  	p2 =	slt.s32 s4, s21  }
0x1d7: {  	p3 =	sgt.f32 s3, s22;
	p0 =	por !p1, !p2  }
0x1d8: {  	p0 =	por !p0, !p0  }
0x1d9: {  	p0 =	por p3, p0  }
0x1da: {  	s0 =	spop (v2sf);
	s22 =	smov.u32 @p0 s3  }
0x1db: {  	s1 =	spop (v2sf);
	s21 =	smov.u32 @p0 s4;
	p4 =	seq.f32 s0, s22  }
0x1dc: {  	p5 =	slt.s32 s1, s21  }
0x1dd: {  	p6 =	sgt.f32 s0, s22;
	p0 =	por !p4, !p5  }
0x1de: {  	p0 =	por !p0, !p0  }
0x1df: {  	s31 =	spop (v2sf);
	p0 =	por p6, p0  }
0x1e0: {  	s22 =	smov.u32 @p0 s0;
	s21 =	smov.u32 @p0 s1;
	s0 =	spop (v2sf)  }
0x1e1: {  	p0 =	seq.f32 s31, s22;
	p1 =	slt.s32 s0, s21;
	s1 =	smov.u32 s21  }
0x1e2: {  	p2 =	sgt.f32 s31, s22;
	s1 =	smov.u32 @p1 s0  }
0x1e3: {  	s21 =	smov.u32 @p0 s1  }
0x1e4: {  	s21 =	smov.u32 @p2 s0  }
0x1e5: {  	v5 =	vmov s21  }
0x1e6: {  	[tilespmem:s20+$0x10000] =	vst v5  }
0x1e7: {  	s19 =	sadd.s32 $0x1, s19;
	[tilespmem:s20+$0x10010] =	vst v5  }
0x1e8: {  	p0 =	sne.s32 s19, $0x20;
	[tilespmem:s20+$0x10020] =	vst v5  }
.Ltmp5:
0x1e9: {  	[tilespmem:s20+$0x10030] =	vst v5;
	(pc) =	sbr.rel @p0 .LBB2_10-.Ltmp5, $4  }
0x1ea: {  	[tilespmem:s20+$0x10040] =	vst v5  }
0x1eb: {  	[tilespmem:s20+$0x10050] =	vst v5  }
0x1ec: {  	[tilespmem:s20+$0x10060] =	vst v5  }
0x1ed: {  	[tilespmem:s20+$0x10070] =	vst v5  }
0x1ee: {  	s18 =	simm.s32 $0x0  }
0x1ef: {  	[hbm4b:s9+s18] =	stream.linear.scatter [tilespmem:s14], [sflag:$0x3], $0x1000, $0x38;
	[tilespmem:$0x11000] =	vst v63  }
0x1f0: {  	_ =	swait.ge [sflag:s15], $0x1000  }
0x1f1: {  	[sflag:s15] =	ssyncset.done $0x0  }
0x1f2: {  	[sflag:s15] =	ssyncadd.s32 $0xFFFFF000  }
0x1f3: {  	_ =	swait.ge [sflag:s16], $0x8000  }
0x1f4: {  	[sflag:s16] =	ssyncset.done $0x0  }
0x1f5: {  	s19 =	simm.s32 $0x0;
	[sflag:s16] =	ssyncadd.s32 $0xFFFF8000  }
.LBB2_14:
0x1f6: {  	s20 =	sshll.u32 s19, $0x7  }
0x1f7: {  	s23 =	sand.u32 $0x380, s20  }
0x1f8: {  	s22 =	sshll.u32 s19, $0xA;
	v5 =	vmov s23  }
0x1f9: {  	s0 =	sand.u32 $0x6000, s22  }
0x1fa: {  	s28 =	simm.s32 $0x0;
	s4 =	sand.u32 $0x1C00, s18;
	s30 =	sor.u32 $0x8000, s0  }
0x1fb: {  	s1 =	sand.u32 $0x40, s28;
	s3 =	sadd.s32 s4, s30  }
0x1fc: {  	s26 =	simm.s32 $0x10;
	s0 =	sadd.s32 s1, s3  }
0x1fd: {  	s12 =	sand.u32 $0x50, s26;
	v8 =	vld.idx.msk [tilespmem:v5+s0+$0x0 ss:$0x1], $0xffff  }
0x1fe: {  	s25 =	simm.s32 $0x30;
	s24 =	simm.s32 $0x20;
	s1 =	sadd.s32 s12, s3  }
0x1ff: {  	s21 =	simm.s32 $0x70;
	s29 =	simm.s32 $0x40;
	s4 =	sand.u32 $0x60, s24;
	v6 =	vld.idx.msk [tilespmem:v5+s1+$0x0 ss:$0x1], $0xffff  }
0x200: {  	s31 =	simm.s32 $0x200;
	s4 =	sadd.s32 s4, s3;
	s12 =	sand.u32 $0x70, s25  }
0x201: {  	v10 =	vimm.f32 $-Inf;
	v9 =	vimm.s32 $0x0;
	s3 =	sadd.s32 s12, s3;
	v7 =	vld.idx.msk [tilespmem:v5+s4+$0x0 ss:$0x1], $0xffff;
	s1 =	sand.u32 $0x1C00, s31;
	s0 =	simm.s32 $0xB0  }
.LBB2_15:
0x202: {  	p0 =	sne.s32 s0, $0x3B0;
	s4 =	sand.u32 $0x40, s29;
	s12 =	sadd.s32 s1, s30;
	v11 =	vor.u32 s28, v0;
	vm0 =	vgt.f32 v8, v10;
	v12 =	vld.idx.msk [tilespmem:v5+s3+$0x0 ss:$0x1], $0xffff  }
0x203: {  	s3 =	sadd.s32 $0xFFFFFFE0, s21;
	s28 =	smov.u32 s29;
	s1 =	sadd.s32 s4, s12;
	v10 =	vsel vm0, v8, v10;
	v9 =	vsel vm0, v11, v9  }
0x204: {  	v11 =	vor.u32 s26, v0;
	s26 =	smov.u32 s3;
	v8 =	vld.idx.msk [tilespmem:v5+s1+$0x0 ss:$0x1], $0xffff;
	s1 =	sand.u32 $0x50, s3;
	vm0 =	vgt.f32 v6, v10;
	s3 =	smov.u32 s25  }
.Ltmp6:
0x205: {  	s4 =	sadd.s32 $0xFFFFFFF0, s21;
	s1 =	sadd.s32 s1, s12;
	v10 =	vsel vm0, v6, v10;
	v9 =	vsel vm0, v11, v9;
	(pc) =	sbr.rel @p0 .LBB2_15-.Ltmp6, $4  }
0x206: {  	s25 =	smov.u32 s21;
	v11 =	vor.u32 s24, v0;
	s24 =	smov.u32 s4;
	v6 =	vld.idx.msk [tilespmem:v5+s1+$0x0 ss:$0x1], $0xffff;
	s1 =	sand.u32 $0x60, s4;
	vm0 =	vgt.f32 v7, v10  }
0x207: {  	s21 =	smov.u32 s0;
	s1 =	sadd.s32 s1, s12;
	v10 =	vsel vm0, v7, v10;
	v9 =	vsel vm0, v11, v9  }
0x208: {  	s29 =	sadd.s32 $0xFFFFFFD0, s0;
	s31 =	sadd.s32 $0x200, s31;
	s4 =	sand.u32 $0x70, s25;
	v11 =	vor.u32 s3, v0;
	v7 =	vld.idx.msk [tilespmem:v5+s1+$0x0 ss:$0x1], $0xffff;
	vm0 =	vgt.f32 v12, v10  }
0x209: {  	s0 =	sadd.s32 $0x40, s0;
	s3 =	sadd.s32 s4, s12;
	s1 =	sand.u32 $0x1C00, s31;
	v10 =	vsel vm0, v12, v10;
	v9 =	vsel vm0, v11, v9  }
0x20a: {  	_ =	sdelay $0x2  }
0x20b: {  	vm0 =	vgt.f32 v8, v10  }
0x20c: {  	s0 =	sand.u32 $0x40, s29;
	s1 =	sadd.s32 s1, s30;
	v11 =	vld.idx.msk [tilespmem:v5+s3+$0x0 ss:$0x1], $0xffff;
	v8 =	vsel vm0, v8, v10  }
0x20d: {  	s3 =	sadd.s32 $0xFFFFFFE0, s21;
	s0 =	sadd.s32 s0, s1;
	vm1 =	vgt.f32 v6, v8  }
0x20e: {  	s30 =	sand.u32 $0x50, s3;
	v52 =	vld.idx.msk [tilespmem:v5+s0+$0x0 ss:$0x1], $0xffff;
	v6 =	vsel vm1, v6, v8  }
0x20f: {  	s4 =	sadd.s32 $0xFFFFFFF0, s21;
	s0 =	sadd.s32 s30, s1;
	vm2 =	vgt.f32 v7, v6  }
0x210: {  	s31 =	sand.u32 $0x60, s4;
	v53 =	vld.idx.msk [tilespmem:v5+s0+$0x0 ss:$0x1], $0xffff;
	v6 =	vsel vm2, v7, v6  }
0x211: {  	s0 =	sadd.s32 s31, s1;
	vm3 =	vgt.f32 v11, v6  }
0x212: {  	s12 =	sand.u32 $0x70, s21;
	v7 =	vld.idx.msk [tilespmem:v5+s0+$0x0 ss:$0x1], $0xffff;
	v6 =	vsel vm3, v11, v6  }
0x213: {  	s0 =	sadd.s32 s12, s1;
	vm4 =	vgt.f32 v52, v6  }
0x214: {  	s23 =	sor.u32 s22, s23;
	v5 =	vld.idx.msk [tilespmem:v5+s0+$0x0 ss:$0x1], $0xffff;
	v6 =	vsel vm4, v52, v6  }
0x215: {  	s22 =	sor.u32 $0x1C40, s23;
	vm5 =	vgt.f32 v53, v6  }
0x216: {  	v54 =	vor.u32 s28, v0;
	v55 =	vld [tilespmem:s22+$0x8000];
	v6 =	vsel vm5, v53, v6  }
0x217: {  	v56 =	vor.u32 s26, v0;
	v9 =	vsel vm0, v54, v9;
	s28 =	sor.u32 $0x1C50, s23;
	vm10 =	vgt.f32 v7, v6  }
0x218: {  	v57 =	vor.u32 s24, v0;
	v9 =	vsel vm1, v56, v9;
	v6 =	vsel vm10, v7, v6;
	v7 =	vld [tilespmem:s28+$0x8000]  }
0x219: {  	v58 =	vor.u32 s25, v0;
	v9 =	vsel vm2, v57, v9;
	vm11 =	vgt.f32 v5, v6  }
0x21a: {  	v9 =	vsel vm3, v58, v9;
	v5 =	vsel vm11, v5, v6;
	v6 =	vor.u32 s29, v0  }
0x21b: {  	v59 =	vor.u32 s3, v0;
	v6 =	vsel vm4, v6, v9;
	vm12 =	vgt.f32 v55, v5  }
0x21c: {  	v60 =	vor.u32 s4, v0;
	v6 =	vsel vm5, v59, v6;
	v5 =	vsel vm12, v55, v5  }
0x21d: {  	v61 =	vor.u32 s21, v0;
	v6 =	vsel vm10, v60, v6;
	vm13 =	vgt.f32 v7, v5  }
0x21e: {  	v6 =	vsel vm11, v61, v6;
	v5 =	vsel vm13, v7, v5  }
0x21f: {  	v6 =	vsel vm12, v2, v6;
	v5 =	vperm.xlane v5, v1  }
0x220: {  	v6 =	vsel vm13, v3, v6  }
0x221: {  	v6 =	vperm.xlane v6, v1;
	vm14 =	vgt.f32 v7, v5  }
0x222: {  	v7 =	vsel vm14, v7, v5  }
0x223: {  	v62 =	vsel vm14, v4, v6;
	(v2sf) =	vpush v7, $0x8  }
0x224: {  	(v2sf) =	vpush v62, $0x8;
	_ =	sdelay $0x1  }
0x225: {  	(v2sf) =	vpush v7, $0x9  }
0x226: {  	(v2sf) =	vpush v62, $0x9;
	_ =	sdelay $0x4  }
0x227: {  	(v2sf) =	vpush v7, $0xA  }
0x228: {  	(v2sf) =	vpush v62, $0xA;
	_ =	sdelay $0x4  }
0x229: {  	s22 =	spop (v2sf);
	(v2sf) =	vpush v7, $0xB  }
0x22a: {  	s21 =	spop (v2sf);
	(v2sf) =	vpush v62, $0xB;
	_ =	sdelay $0x1  }
0x22b: {  	s0 =	spop (v2sf)  }
0x22c: {  	s1 =	spop (v2sf);
	p0 =	seq.f32 s0, s22  }
0x22d: {  	p1 =	slt.s32 s1, s21  }
0x22e: {  	(v2sf) =	vpush v7, $0xC;
	p2 =	sgt.f32 s0, s22;
	p0 =	por !p0, !p1  }
0x22f: {  	p0 =	por !p0, !p0  }
0x230: {  	p0 =	por p2, p0  }
0x231: {  	(v2sf) =	vpush v62, $0xC;
	s22 =	smov.u32 @p0 s0;
	s0 =	spop (v2sf)  }
0x232: {  	s21 =	smov.u32 @p0 s1;
	s1 =	spop (v2sf);
	p4 =	seq.f32 s0, s22  }
0x233: {  	p5 =	slt.s32 s1, s21  }
0x234: {  	p6 =	sgt.f32 s0, s22;
	p0 =	por !p4, !p5  }
0x235: {  	p0 =	por !p0, !p0  }
0x236: {  	(v2sf) =	vpush v7, $0xD;
	p0 =	por p6, p0  }
0x237: {  	(v2sf) =	vpush v62, $0xD;
	s22 =	smov.u32 @p0 s0;
	s0 =	spop (v2sf)  }
0x238: {  	s21 =	smov.u32 @p0 s1;
	s1 =	spop (v2sf);
	p1 =	seq.f32 s0, s22  }
0x239: {  	p2 =	slt.s32 s1, s21  }
0x23a: {  	p3 =	sgt.f32 s0, s22;
	p0 =	por !p1, !p2  }
0x23b: {  	p0 =	por !p0, !p0  }
0x23c: {  	(v2sf) =	vpush v7, $0xE;
	p0 =	por p3, p0  }
0x23d: {  	s22 =	smov.u32 @p0 s0;
	s0 =	spop (v2sf);
	(v2sf) =	vpush v62, $0xE;
	_ =	sdelay $0x2  }
0x23e: {  	s21 =	smov.u32 @p0 s1;
	s1 =	spop (v2sf);
	p4 =	seq.f32 s0, s22  }
0x23f: {  	p5 =	slt.s32 s1, s21  }
0x240: {  	s30 =	sor.u32 $0x1C60, s23;
	p6 =	sgt.f32 s0, s22;
	(v2sf) =	vpush v7, $0xF;
	p0 =	por !p4, !p5  }
0x241: {  	v63 =	vld.msk [tilespmem:s30+$0x8000], $0xff;
	p0 =	por !p0, !p0  }
0x242: {  	p0 =	por p6, p0  }
0x243: {  	s22 =	smov.u32 @p0 s0;
	s0 =	spop (v2sf);
	(v2sf) =	vpush v62, $0xF  }
0x244: {  	s21 =	smov.u32 @p0 s1;
	s1 =	spop (v2sf);
	p1 =	seq.f32 s0, s22  }
0x245: {  	p2 =	slt.s32 s1, s21  }
0x246: {  	vm15 =	vgt.f32 v63, v5;
	p3 =	sgt.f32 s0, s22;
	p0 =	por !p1, !p2  }
0x247: {  	v5 =	vsel vm15, v63, v5;
	p0 =	por !p0, !p0  }
0x248: {  	v6 =	vsel vm15, v4, v6;
	(v2sf) =	vpush v5, $0x0;
	p0 =	por p3, p0  }
0x249: {  	s22 =	smov.u32 @p0 s0;
	s0 =	spop (v2sf);
	(v2sf) =	vpush v6, $0x0  }
0x24a: {  	s21 =	smov.u32 @p0 s1;
	p4 =	seq.f32 s0, s22;
	s1 =	spop (v2sf)  }
0x24b: {  	p5 =	slt.s32 s1, s21  }
0x24c: {  	p6 =	sgt.f32 s0, s22;
	p0 =	por !p4, !p5  }
0x24d: {  	p0 =	por !p0, !p0  }
0x24e: {  	(v2sf) =	vpush v5, $0x1;
	p0 =	por p6, p0  }
0x24f: {  	s22 =	smov.u32 @p0 s0;
	s0 =	spop (v2sf);
	(v2sf) =	vpush v6, $0x1;
	_ =	sdelay $0x2  }
0x250: {  	s21 =	smov.u32 @p0 s1;
	s1 =	spop (v2sf);
	p1 =	seq.f32 s0, s22  }
0x251: {  	p2 =	slt.s32 s1, s21  }
0x252: {  	p3 =	sgt.f32 s0, s22;
	(v2sf) =	vpush v5, $0x2;
	p0 =	por !p1, !p2  }
0x253: {  	p0 =	por !p0, !p0  }
0x254: {  	p0 =	por p3, p0  }
0x255: {  	s22 =	smov.u32 @p0 s0;
	s0 =	spop (v2sf);
	(v2sf) =	vpush v6, $0x2  }
0x256: {  	s21 =	smov.u32 @p0 s1;
	s1 =	spop (v2sf);
	p4 =	seq.f32 s0, s22  }
0x257: {  	p5 =	slt.s32 s1, s21  }
0x258: {  	p6 =	sgt.f32 s0, s22;
	p0 =	por !p4, !p5  }
0x259: {  	p0 =	por !p0, !p0  }
0x25a: {  	(v2sf) =	vpush v5, $0x3;
	p0 =	por p6, p0  }
0x25b: {  	s22 =	smov.u32 @p0 s0;
	s0 =	spop (v2sf);
	(v2sf) =	vpush v6, $0x3  }
0x25c: {  	s21 =	smov.u32 @p0 s1;
	p1 =	seq.f32 s0, s22;
	s1 =	spop (v2sf)  }
0x25d: {  	p2 =	slt.s32 s1, s21  }
0x25e: {  	p3 =	sgt.f32 s0, s22;
	p0 =	por !p1, !p2  }
0x25f: {  	p0 =	por !p0, !p0  }
0x260: {  	(v2sf) =	vpush v5, $0x4;
	p0 =	por p3, p0  }
0x261: {  	s22 =	smov.u32 @p0 s0;
	s0 =	spop (v2sf);
	(v2sf) =	vpush v6, $0x4;
	_ =	sdelay $0x2  }
0x262: {  	s21 =	smov.u32 @p0 s1;
	s1 =	spop (v2sf);
	p4 =	seq.f32 s0, s22  }
0x263: {  	p5 =	slt.s32 s1, s21  }
0x264: {  	p6 =	sgt.f32 s0, s22;
	(v2sf) =	vpush v5, $0x5;
	p0 =	por !p4, !p5  }
0x265: {  	(v2sf) =	vpush v6, $0x5;
	p0 =	por !p0, !p0  }
0x266: {  	p0 =	por p6, p0  }
0x267: {  	s22 =	smov.u32 @p0 s0;
	s0 =	spop (v2sf)  }
0x268: {  	s21 =	smov.u32 @p0 s1;
	s1 =	spop (v2sf);
	p1 =	seq.f32 s0, s22  }
0x269: {  	p2 =	slt.s32 s1, s21  }
0x26a: {  	(v2sf) =	vpush v5, $0x6;
	p3 =	sgt.f32 s0, s22;
	p0 =	por !p1, !p2  }
0x26b: {  	(v2sf) =	vpush v6, $0x6;
	p0 =	por !p0, !p0  }
0x26c: {  	p0 =	por p3, p0  }
0x26d: {  	s22 =	smov.u32 @p0 s0;
	s0 =	spop (v2sf)  }
0x26e: {  	s21 =	smov.u32 @p0 s1;
	p4 =	seq.f32 s0, s22;
	s1 =	spop (v2sf)  }
0x26f: {  	(v2sf) =	vpush v5, $0x7;
	p5 =	slt.s32 s1, s21  }
0x270: {  	p6 =	sgt.f32 s0, s22;
	(v2sf) =	vpush v6, $0x7;
	p0 =	por !p4, !p5  }
0x271: {  	p0 =	por !p0, !p0  }
0x272: {  	p0 =	por p6, p0  }
0x273: {  	s3 =	spop (v2sf);
	s22 =	smov.u32 @p0 s0  }
0x274: {  	s4 =	spop (v2sf);
	s21 =	smov.u32 @p0 s1;
	p1 =	seq.f32 s3, s22  }
0x275: {  	p2 =	slt.s32 s4, s21  }
0x276: {  	p3 =	sgt.f32 s3, s22;
	p0 =	por !p1, !p2  }
0x277: {  	p0 =	por !p0, !p0  }
0x278: {  	p0 =	por p3, p0  }
0x279: {  	s0 =	spop (v2sf);
	s22 =	smov.u32 @p0 s3  }
0x27a: {  	s1 =	spop (v2sf);
	s21 =	smov.u32 @p0 s4;
	p4 =	seq.f32 s0, s22  }
0x27b: {  	p5 =	slt.s32 s1, s21  }
0x27c: {  	p6 =	sgt.f32 s0, s22;
	p0 =	por !p4, !p5  }
0x27d: {  	p0 =	por !p0, !p0  }
0x27e: {  	s31 =	spop (v2sf);
	p0 =	por p6, p0  }
0x27f: {  	s22 =	smov.u32 @p0 s0;
	s21 =	smov.u32 @p0 s1;
	s0 =	spop (v2sf)  }
0x280: {  	p0 =	seq.f32 s31, s22;
	p1 =	slt.s32 s0, s21;
	s1 =	smov.u32 s21  }
0x281: {  	p2 =	sgt.f32 s31, s22;
	s1 =	smov.u32 @p1 s0  }
0x282: {  	s21 =	smov.u32 @p0 s1  }
0x283: {  	s21 =	smov.u32 @p2 s0  }
0x284: {  	v5 =	vmov s21  }
0x285: {  	[tilespmem:s20+$0x10000] =	vst v5  }
0x286: {  	s19 =	sadd.s32 $0x1, s19;
	[tilespmem:s20+$0x10010] =	vst v5  }
0x287: {  	p0 =	sne.s32 s19, $0x20;
	[tilespmem:s20+$0x10020] =	vst v5  }
.Ltmp7:
0x288: {  	[tilespmem:s20+$0x10030] =	vst v5;
	(pc) =	sbr.rel @p0 .LBB2_14-.Ltmp7, $4  }
0x289: {  	[tilespmem:s20+$0x10040] =	vst v5  }
0x28a: {  	[tilespmem:s20+$0x10050] =	vst v5  }
0x28b: {  	[tilespmem:s20+$0x10060] =	vst v5  }
0x28c: {  	[tilespmem:s20+$0x10070] =	vst v5  }
0x28d: {  	s17 =	sadd.s32 $0x1, s17  }
0x28e: {  	p0 =	sne.s32 s17, s11  }
.Ltmp8:
0x28f: {  	_ = 	snop;
	(pc) =	sbr.rel @p0 .LBB2_1-.Ltmp8, $4  }
0x290: {  	[hbm4b:s10+s2] =	stream.linear.scatter [tilespmem:s14], [sflag:$0x3], $0x1000, $0x38;
	[tilespmem:$0x11000] =	vst v63  }
0x291: {  	_ =	swait.ge [sflag:s15], $0x1000  }
0x292: {  	[sflag:s15] =	ssyncset.done $0x0  }
0x293: {  	[sflag:s15] =	ssyncadd.s32 $0xFFFFF000  }
0x294: {  	_ =	sfence.sel $0x180000  }
0x295: {  	[bflag:$0x0] =	sbarrier.arrive $0xFFFF  }
0x296: {  	_ =	strace $0x90000047  }
0x297: {  	s0 =	stileid.u32;
	[bflag:$0x2] =	sbarrier.arrive $0xFFFF  }
0x298: {  	p0 =	sne.s32 s0, $0x0;
	s0 =	rddreg [dreg:$0x1]  }
0x299: {  	s0 =	sadd.s32 @!p0 $0x100000, s0  }
0x29a: {  	[sflag:s0] =	ssyncadd.tile.s32 @!p0 $0x1;
	_ =	shalt  }
.Lfunc_end2:
_tile_overlayer_lowered:
.L_overlay_start_2:
0x29b: {  	(tag) =	ssettag $0x2  }
0x29c: {  	s0 =	rddreg [dreg:$0x0];
	s2 =	stileid.u32  }
0x29d: {  	s1 =	rddreg [dreg:$0x1];
	p0 =	sne.s32 s2, $0x0  }
0x29e: {  	s3 =	rddreg [dreg:$0x2];
	[bflag:$0x3] =	sbarrier.arrive $0xFFFF;
	s2 =	simm.s32 @!p0 $0x1C03  }
0x29f: {  	[timem:s3], [sflag:s2] =	dma.local @!p0 [hbm:s0], s1  }
0x2a0: {  	s0 =	simm.s32 @!p0 $0x3  }
0x2a1: {  	_ =	swait.ge @!p0 [sflag:s0], s1  }
0x2a2: {  	s1 =	ssub.s32 @!p0 $0x0, s1;
	[sflag:s0] =	ssyncset.done @!p0 $0x0  }
0x2a3: {  	[sflag:s0] =	ssyncadd.s32 @!p0 s1  }
0x2a4: {  	[bflag:$0x3] =	sbarrier.arrive $0xFFFF  }
0x2a5: {  	_ =	shalt  }

</sc_bundles>
